<compile_context>
chip_gen: v7x
topology: tpu7x:2x2x1
jax: 0.10.2.dev20260603
libtpu: 0.0.44.dev20260713+nightly
codegen_flags: <defaults>
</compile_context>

<pallas_src>
import functools

import jax
import jax.numpy as jnp
from jax import lax
from jax.experimental import pallas as pl
from jax.experimental.pallas import tpu as pltpu
from jax.experimental.pallas import tpu_sc as plsc

N = 10000
D = 128
E = 320000
NG = 64
NL = 3
NC = 2
NS = 16
NW = NC * NS
EPW = E // NW
CH = 80
NCH = EPW // CH
RPT = N // NS


@functools.cache
def _sc_kernels():
  mesh = plsc.VectorSubcoreMesh(core_axis_name="c", subcore_axis_name="s",
                                num_cores=NC, num_subcores=NS)

  @functools.partial(
      pl.kernel,
      out_type=jax.ShapeDtypeStruct((NW, RPT, D), jnp.float32),
      mesh=mesh,
      scratch_types=[
          pltpu.VMEM((CH,), jnp.int32),
          pltpu.VMEM((CH,), jnp.int32),
          pltpu.VMEM((CH, D), jnp.float32),
          pltpu.VMEM_SHARED((N, D), jnp.float32),
          pltpu.SemaphoreType.DMA,
          pltpu.SemaphoreType.DMA,
      ],
  )
  def _deg_sc(dst_hbm, zeros_hbm, ones_hbm, out_hbm, didx0, didx1, ones_v,
              deg_sh, ds0, ds1):
      c = lax.axis_index("c")
      s = lax.axis_index("s")
      wid = c * NS + s
      pltpu.sync_copy(zeros_hbm.at[s], deg_sh.at[pl.ds(s * RPT, RPT)])
      pltpu.sync_copy(ones_hbm, ones_v)
      plsc.subcore_barrier()
      base = wid * EPW

      def dchunk(i):
          return dst_hbm.at[pl.ds(base + i * CH, CH)]

      pltpu.async_copy(dchunk(0), didx0, ds0)
      pltpu.async_copy(dchunk(1), didx1, ds1)

      def body(t, carry):
          i0 = 2 * t
          i1 = 2 * t + 1
          pltpu.make_async_copy(dchunk(i0), didx0, ds0).wait()
          pltpu.sync_copy(ones_v, deg_sh.at[didx0], add=True)
          pltpu.async_copy(dchunk(i0 + 2), didx0, ds0)
          pltpu.make_async_copy(dchunk(i1), didx1, ds1).wait()
          pltpu.sync_copy(ones_v, deg_sh.at[didx1], add=True)

          @pl.when(i1 + 2 < NCH)
          def _():
              pltpu.async_copy(dchunk(i1 + 2), didx1, ds1)

          return carry

      lax.fori_loop(0, (NCH - 1) // 2, body, 0)
      last = NCH - 1
      pltpu.make_async_copy(dchunk(last), didx0, ds0).wait()
      pltpu.sync_copy(ones_v, deg_sh.at[didx0], add=True)
      plsc.subcore_barrier()
      pltpu.sync_copy(deg_sh.at[pl.ds(s * RPT, RPT)], out_hbm.at[wid])


  @functools.partial(
      pl.kernel,
      out_type=jax.ShapeDtypeStruct((NW, RPT, D), jnp.float32),
      mesh=mesh,
      scratch_types=[
          pltpu.VMEM((CH,), jnp.int32),
          pltpu.VMEM((CH,), jnp.int32),
          pltpu.VMEM((CH,), jnp.int32),
          pltpu.VMEM((CH,), jnp.int32),
          pltpu.VMEM((CH, D), jnp.float32),
          pltpu.VMEM((CH, D), jnp.float32),
          pltpu.VMEM_SHARED((N, D), jnp.float32),
          pltpu.SemaphoreType.DMA,
          pltpu.SemaphoreType.DMA,
          pltpu.SemaphoreType.DMA,
          pltpu.SemaphoreType.DMA,
          pltpu.SemaphoreType.DMA,
          pltpu.SemaphoreType.DMA,
      ],
  )
  def _agg_sc(m_hbm, src_hbm, dst_hbm, zeros_hbm, out_hbm,
              sidx0, didx0, sidx1, didx1, rows0, rows1, agg_sh,
              ss0, ds0, gs0, ss1, ds1, gs1):
      c = lax.axis_index("c")
      s = lax.axis_index("s")
      wid = c * NS + s
      pltpu.sync_copy(zeros_hbm.at[s], agg_sh.at[pl.ds(s * RPT, RPT)])
      plsc.subcore_barrier()
      base = wid * EPW

      def chunk(i):
          return src_hbm.at[pl.ds(base + i * CH, CH)], dst_hbm.at[pl.ds(base + i * CH, CH)]

      def start_idx(i, sidx, didx, ssem, dsem):
          sl_s, sl_d = chunk(i)
          pltpu.async_copy(sl_s, sidx, ssem)
          pltpu.async_copy(sl_d, didx, dsem)

      def wait_idx(i, sidx, didx, ssem, dsem):
          sl_s, sl_d = chunk(i)
          pltpu.make_async_copy(sl_s, sidx, ssem).wait()
          pltpu.make_async_copy(sl_d, didx, dsem).wait()

      start_idx(0, sidx0, didx0, ss0, ds0)
      start_idx(1, sidx1, didx1, ss1, ds1)
      pltpu.make_async_copy(src_hbm.at[pl.ds(base, CH)], sidx0, ss0).wait()
      pltpu.async_copy(m_hbm.at[sidx0], rows0, gs0)

      def body(t, carry):
          i0 = 2 * t
          i1 = 2 * t + 1
          pltpu.make_async_copy(src_hbm.at[pl.ds(base + i1 * CH, CH)],
                                sidx1, ss1).wait()
          pltpu.async_copy(m_hbm.at[sidx1], rows1, gs1)
          pltpu.make_async_copy(m_hbm.at[sidx0], rows0, gs0).wait()
          pltpu.make_async_copy(dst_hbm.at[pl.ds(base + i0 * CH, CH)],
                                didx0, ds0).wait()
          pltpu.sync_copy(rows0, agg_sh.at[didx0], add=True)
          start_idx(i0 + 2, sidx0, didx0, ss0, ds0)
          pltpu.make_async_copy(m_hbm.at[sidx1], rows1, gs1).wait()
          pltpu.make_async_copy(dst_hbm.at[pl.ds(base + i1 * CH, CH)],
                                didx1, ds1).wait()
          pltpu.sync_copy(rows1, agg_sh.at[didx1], add=True)

          @pl.when(i1 + 2 < NCH)
          def _():
              start_idx(i1 + 2, sidx1, didx1, ss1, ds1)

          pltpu.make_async_copy(src_hbm.at[pl.ds(base + (i0 + 2) * CH, CH)],
                                sidx0, ss0).wait()
          pltpu.async_copy(m_hbm.at[sidx0], rows0, gs0)
          return carry

      lax.fori_loop(0, (NCH - 1) // 2, body, 0)
      last = NCH - 1
      pltpu.make_async_copy(m_hbm.at[sidx0], rows0, gs0).wait()
      pltpu.make_async_copy(dst_hbm.at[pl.ds(base + last * CH, CH)],
                            didx0, ds0).wait()
      pltpu.sync_copy(rows0, agg_sh.at[didx0], add=True)
      plsc.subcore_barrier()
      pltpu.sync_copy(agg_sh.at[pl.ds(s * RPT, RPT)], out_hbm.at[wid])

  return _deg_sc, _agg_sc



def _enc_body(x_ref, we1_ref, be1_ref, we2_ref, be2_ref, wg0_ref, degp_ref,
              h_ref, m0_ref, dinv_ref):
    x = x_ref[...]
    h1 = jnp.maximum(
        jnp.dot(x, we1_ref[...], preferred_element_type=jnp.float32)
        + be1_ref[...], 0.0)
    h = (jnp.dot(h1, we2_ref[...], preferred_element_type=jnp.float32)
         + be2_ref[...])
    degw = degp_ref[0] + degp_ref[1]
    deg = jnp.sum(degw, axis=1, keepdims=True) * (1.0 / D)
    dinv = jnp.where(deg > 0.0, 1.0 / jnp.sqrt(jnp.maximum(deg, 1.0)), 0.0)
    h_ref[...] = h
    dinv_ref[...] = dinv
    m0_ref[...] = (jnp.dot(h, wg0_ref[...], preferred_element_type=jnp.float32)
                   * dinv)


def _layer_mid_body(p_ref, h_ref, dinv_ref, bg_ref, gamma_ref, beta_ref,
                    wgn_ref, hout_ref, mout_ref):
    dinv = dinv_ref[...]
    agg = (p_ref[0] + p_ref[1]) * dinv + bg_ref[...]
    mu = jnp.mean(agg, axis=0, keepdims=True)
    var = jnp.mean((agg - mu) ** 2, axis=0, keepdims=True)
    hn = (agg - mu) / jnp.sqrt(var + 1e-5) * gamma_ref[...] + beta_ref[...]
    h = h_ref[...] + jnp.maximum(hn, 0.0)
    hout_ref[...] = h
    mout_ref[...] = (jnp.dot(h, wgn_ref[...],
                             preferred_element_type=jnp.float32) * dinv)


def _last_readout_body(p_ref, h_ref, dinv_ref, bg_ref, gamma_ref, beta_ref,
                       batch_ref, wr0_ref, br0_ref, wr1_ref, br1_ref,
                       wr2_ref, br2_ref, y_ref):
    dinv = dinv_ref[...]
    agg = (p_ref[0] + p_ref[1]) * dinv + bg_ref[...]
    mu = jnp.mean(agg, axis=0, keepdims=True)
    var = jnp.mean((agg - mu) ** 2, axis=0, keepdims=True)
    hn = (agg - mu) / jnp.sqrt(var + 1e-5) * gamma_ref[...] + beta_ref[...]
    h = h_ref[...] + jnp.maximum(hn, 0.0)
    onehot = (batch_ref[...] ==
              lax.broadcasted_iota(jnp.int32, (N, NG), 1)).astype(jnp.float32)
    g = lax.dot_general(onehot, h, (((0,), (0,)), ((), ())),
                        preferred_element_type=jnp.float32,
                        precision=lax.Precision.HIGHEST)
    y = jnp.maximum(
        jnp.dot(g, wr0_ref[...], preferred_element_type=jnp.float32)
        + br0_ref[...], 0.0)
    y = jnp.maximum(
        jnp.dot(y, wr1_ref[...], preferred_element_type=jnp.float32)
        + br1_ref[...], 0.0)
    y_ref[...] = (jnp.dot(y, wr2_ref[...], preferred_element_type=jnp.float32)
                  + br2_ref[...])


_F = jnp.float32


def _enc_tc(x, We1, be1, We2, be2, Wg0, degp):
    return pl.pallas_call(
        _enc_body,
        out_shape=[jax.ShapeDtypeStruct((N, D), _F),
                   jax.ShapeDtypeStruct((N, D), _F),
                   jax.ShapeDtypeStruct((N, 1), _F)],
    )(x, We1, be1.reshape(1, D), We2, be2.reshape(1, D), Wg0, degp)


def _layer_mid_tc(p, h, dinv, bg, gamma, beta, Wgn):
    return pl.pallas_call(
        _layer_mid_body,
        out_shape=[jax.ShapeDtypeStruct((N, D), _F),
                   jax.ShapeDtypeStruct((N, D), _F)],
    )(p, h, dinv, bg.reshape(1, D), gamma.reshape(1, D), beta.reshape(1, D),
      Wgn)


def _last_readout_tc(p, h, dinv, bg, gamma, beta, batch,
                     Wr0, br0, Wr1, br1, Wr2, br2):
    return pl.pallas_call(
        _last_readout_body,
        out_shape=jax.ShapeDtypeStruct((NG, 1), _F),
    )(p, h, dinv, bg.reshape(1, D), gamma.reshape(1, D), beta.reshape(1, D),
      batch.reshape(N, 1), Wr0, br0.reshape(1, D // 2),
      Wr1, br1.reshape(1, D // 4), Wr2, br2.reshape(1, 1))


def kernel(x, edge_index, batch, We1, be1, We2, be2, Wg, bg, gamma, beta,
           Wr0, br0, Wr1, br1, Wr2, br2):
    src = edge_index[0]
    dst = edge_index[1]
    zeros_nd = jnp.zeros((NS, RPT, D), _F)
    ones_chd = jnp.ones((CH, D), _F)
    _deg_sc, _agg_sc = _sc_kernels()

    degp = _deg_sc(dst, zeros_nd, ones_chd).reshape(NC, N, D)
    h, m, dinv = _enc_tc(x, We1, be1, We2, be2, Wg[0], degp)

    for l in range(NL):
        p = _agg_sc(m, src, dst, zeros_nd).reshape(NC, N, D)
        if l < NL - 1:
            h, m = _layer_mid_tc(p, h, dinv, bg[l], gamma[l], beta[l],
                                 Wg[l + 1])
        else:
            return _last_readout_tc(p, h, dinv, bg[l], gamma[l], beta[l],
                                    batch, Wr0, br0, Wr1, br1, Wr2, br2)

# --- scband reference (transcript-rebuilt; emitter-appended) ---
"""Pipeline reference for scband-gcn-68719476736452 (READ-ONLY COPY).

The authoritative reference and input builder live on the scoring server;
editing this copy changes nothing except your own understanding.
"""

import jax, jax.numpy as jnp
import numpy as np

N = 10000
E = 320000
D = 128
HID = 128
NG = 64
NL = 3  # n_layers - 1 GCN layers


def setup_inputs(seed: int = 0) -> dict:
    key = jax.random.key(seed)
    ks = jax.random.split(key, 24)

    def p(k, shape, scale=0.05):
        return jax.random.normal(k, shape, dtype=jnp.float32) * scale

    inp = {
        'x': jax.random.normal(ks[0], (N, D), dtype=jnp.float32),
        'edge_index': jax.random.randint(ks[1], (2, E), 0, N, dtype=jnp.int32),
        'batch': jnp.sort(jax.random.randint(ks[2], (N,), 0, NG, dtype=jnp.int32)),
        # encoder MLP (2 layers)
        'We1': p(ks[3], (D, HID)), 'be1': p(ks[4], (HID,)),
        'We2': p(ks[5], (HID, HID)), 'be2': p(ks[6], (HID,)),
        # stacked GCN layer params (NL layers)
        'Wg': p(ks[7], (NL, HID, HID)), 'bg': p(ks[8], (NL, HID)),
        'gamma': jnp.ones((NL, HID), dtype=jnp.float32),
        'beta': jnp.zeros((NL, HID), dtype=jnp.float32),
        # MLPReadout: 128 -> 64 -> 32 -> 1
        'Wr0': p(ks[9], (HID, HID // 2)), 'br0': p(ks[10], (HID // 2,)),
        'Wr1': p(ks[11], (HID // 2, HID // 4)), 'br1': p(ks[12], (HID // 4,)),
        'Wr2': p(ks[13], (HID // 4, 1)), 'br2': p(ks[14], (1,)),
    }
    return inp


def reference(x, edge_index, batch, We1, be1, We2, be2, Wg, bg, gamma, beta,
              Wr0, br0, Wr1, br1, Wr2, br2):
    n = x.shape[0]
    src = edge_index[0]
    dst = edge_index[1]

    # encoder MLP: Linear -> ReLU -> Linear
    h = jnp.maximum(x @ We1 + be1, 0.0) @ We2 + be2

    # GCN normalization (normalize=True, add_self_loops=False)
    deg = jnp.zeros((n,), dtype=jnp.float32).at[dst].add(1.0)
    dinv = jnp.where(deg > 0, 1.0 / jnp.sqrt(jnp.where(deg > 0, deg, 1.0)), 0.0)
    norm = dinv[src] * dinv[dst]

    for l in range(NL):
        h_in = h
        m = h @ Wg[l]
        agg = jnp.zeros_like(m).at[dst].add(norm[:, None] * m[src]) + bg[l]
        # BatchNorm1d (training-mode batch stats)
        mu = jnp.mean(agg, axis=0)
        var = jnp.var(agg, axis=0)
        hn = (agg - mu) / jnp.sqrt(var + 1e-5) * gamma[l] + beta[l]
        h = h_in + jnp.maximum(hn, 0.0)

    # graph readout: scatter-sum over batch ids
    g = jax.ops.segment_sum(h, batch, num_segments=NG)

    # MLPReadout
    y = jnp.maximum(g @ Wr0 + br0, 0.0)
    y = jnp.maximum(y @ Wr1 + br1, 0.0)
    y = y @ Wr2 + br2
    return y

if __name__ == "__main__":
    import jax
    _d = setup_inputs()
    print(jax.jit(kernel)(*tuple(_d.values())))

</pallas_src>

<mosaic_0001>
#map = affine_map<(d0, d1) -> (0, 0)>
#map1 = affine_map<(d0, d1) -> (0)>
#map2 = affine_map<(d0, d1) -> (0, 0, 0)>
module attributes {stable_mosaic.version = 14 : i64} {
  func.func @_agg_sc(%arg0: i32, %arg1: i32, %arg2: memref<10000x128xf32, #tpu.memory_space<hbm>>, %arg3: memref<320000xi32, #tpu.memory_space<hbm>>, %arg4: memref<320000xi32, #tpu.memory_space<hbm>>, %arg5: memref<16x625x128xf32, #tpu.memory_space<hbm>>, %arg6: memref<32x625x128xf32, #tpu.memory_space<hbm>>, %arg7: memref<80xi32, #tpu.memory_space<vmem>>, %arg8: memref<80xi32, #tpu.memory_space<vmem>>, %arg9: memref<80xi32, #tpu.memory_space<vmem>>, %arg10: memref<80xi32, #tpu.memory_space<vmem>>, %arg11: memref<80x128xf32, #tpu.memory_space<vmem>>, %arg12: memref<80x128xf32, #tpu.memory_space<vmem>>, %arg13: memref<10000x128xf32, #tpu.memory_space<vmem_shared>>, %arg14: memref<!tpu.dma_semaphore, #tpu.memory_space<semaphore_mem>>, %arg15: memref<!tpu.dma_semaphore, #tpu.memory_space<semaphore_mem>>, %arg16: memref<!tpu.dma_semaphore, #tpu.memory_space<semaphore_mem>>, %arg17: memref<!tpu.dma_semaphore, #tpu.memory_space<semaphore_mem>>, %arg18: memref<!tpu.dma_semaphore, #tpu.memory_space<semaphore_mem>>, %arg19: memref<!tpu.dma_semaphore, #tpu.memory_space<semaphore_mem>>) attributes {dimension_semantics = [#tpu.dimension_semantics<core_parallel>, #tpu.dimension_semantics<subcore_parallel>], iteration_bounds = array<i64: 2, 16>, scalar_prefetch = 0 : i64, scratch_operands = 13 : i64, tpu.core_type = #tpu.core_type<sc_vector_subcore>, window_params = [{transform_indices = #map}, {transform_indices = #map1}, {transform_indices = #map1}, {transform_indices = #map2}, {transform_indices = #map2}]} {
    %mul3A = arith.constant 16 : i32
    %mul3A_0 = arith.muli %arg0, %mul3A : i32
    %add3A = arith.addi %mul3A_0, %arg1 : i32
    %mul3A_1 = arith.constant 625 : i32
    %mul3A_2 = arith.muli %arg1, %mul3A_1 : i32
    "tpu.region"() ({
      %run_scoped3A = tpu.sem_alloc : memref<!tpu.dma_semaphore, #tpu.memory_space<semaphore_mem>>
      %dma_start3A_39 = arith.constant 0 : i32
      %dma_start3A_40 = tpu.memref_slice %arg13[%mul3A_2, %dma_start3A_39] : memref<10000x128xf32, #tpu.memory_space<vmem_shared>> -> memref<625x128xf32, #tpu.memory_space<vmem_shared>>
      %dma_start3A_41 = arith.constant 0 : i32
      %dma_start3A_42 = arith.constant 0 : i32
      %dma_start3A_43 = tpu.memref_slice %arg5[%arg1, %dma_start3A_41, %dma_start3A_42] : memref<16x625x128xf32, #tpu.memory_space<hbm>> -> memref<1x625x128xf32, #tpu.memory_space<hbm>>
      %dma_start3A_44 = tpu.memref_squeeze %dma_start3A_43 : memref<1x625x128xf32, #tpu.memory_space<hbm>> -> memref<625x128xf32, #tpu.memory_space<hbm>>
      tpu.enqueue_dma source(%dma_start3A_44 : memref<625x128xf32, #tpu.memory_space<hbm>>) target(%dma_start3A_40 : memref<625x128xf32, #tpu.memory_space<vmem_shared>>) target_semaphore(%run_scoped3A : memref<!tpu.dma_semaphore, #tpu.memory_space<semaphore_mem>>)
      %dma_wait3A_45 = arith.constant 0 : i32
      %dma_wait3A_46 = tpu.memref_slice %arg13[%mul3A_2, %dma_wait3A_45] : memref<10000x128xf32, #tpu.memory_space<vmem_shared>> -> memref<625x128xf32, #tpu.memory_space<vmem_shared>>
      %dma_wait3A_47 = arith.constant 0 : i32
      %dma_wait3A_48 = arith.constant 0 : i32
      %dma_wait3A_49 = tpu.memref_slice %arg5[%arg1, %dma_wait3A_47, %dma_wait3A_48] : memref<16x625x128xf32, #tpu.memory_space<hbm>> -> memref<1x625x128xf32, #tpu.memory_space<hbm>>
      %dma_wait3A_50 = tpu.memref_squeeze %dma_wait3A_49 : memref<1x625x128xf32, #tpu.memory_space<hbm>> -> memref<625x128xf32, #tpu.memory_space<hbm>>
      tpu.wait_dma2 semaphore(%run_scoped3A : memref<!tpu.dma_semaphore, #tpu.memory_space<semaphore_mem>>) src(%dma_wait3A_50 : memref<625x128xf32, #tpu.memory_space<hbm>>) dst(%dma_wait3A_46 : memref<625x128xf32, #tpu.memory_space<vmem_shared>>)
      tpu.yield
    }) : () -> ()
    %barrier3A = arith.constant 0 : index
    tpu.barrier barrier_id(%barrier3A)
    %mul3A_3 = arith.constant 10000 : i32
    %mul3A_4 = arith.muli %add3A, %mul3A_3 : i32
    %add3A_5 = arith.constant 0 : i32
    %add3A_6 = arith.addi %mul3A_4, %add3A_5 : i32
    %add3A_7 = arith.constant 0 : i32
    %add3A_8 = arith.addi %mul3A_4, %add3A_7 : i32
    %dma_start3A = tpu.memref_slice %arg3[%add3A_6] : memref<320000xi32, #tpu.memory_space<hbm>> -> memref<80xi32, #tpu.memory_space<hbm>>
    %dma_start3A_9 = tpu.memref_slice %arg3[%add3A_6] : memref<320000xi32, #tpu.memory_space<hbm>> -> memref<80xi32, #tpu.memory_space<hbm>>
    tpu.enqueue_dma source(%dma_start3A_9 : memref<80xi32, #tpu.memory_space<hbm>>) target(%arg7 : memref<80xi32, #tpu.memory_space<vmem>>) target_semaphore(%arg14 : memref<!tpu.dma_semaphore, #tpu.memory_space<semaphore_mem>>)
    %dma_start3A_10 = tpu.memref_slice %arg4[%add3A_8] : memref<320000xi32, #tpu.memory_space<hbm>> -> memref<80xi32, #tpu.memory_space<hbm>>
    %dma_start3A_11 = tpu.memref_slice %arg4[%add3A_8] : memref<320000xi32, #tpu.memory_space<hbm>> -> memref<80xi32, #tpu.memory_space<hbm>>
    tpu.enqueue_dma source(%dma_start3A_11 : memref<80xi32, #tpu.memory_space<hbm>>) target(%arg8 : memref<80xi32, #tpu.memory_space<vmem>>) target_semaphore(%arg15 : memref<!tpu.dma_semaphore, #tpu.memory_space<semaphore_mem>>)
    %add3A_12 = arith.constant 80 : i32
    %add3A_13 = arith.addi %mul3A_4, %add3A_12 : i32
    %add3A_14 = arith.constant 80 : i32
    %add3A_15 = arith.addi %mul3A_4, %add3A_14 : i32
    %dma_start3A_16 = tpu.memref_slice %arg3[%add3A_13] : memref<320000xi32, #tpu.memory_space<hbm>> -> memref<80xi32, #tpu.memory_space<hbm>>
    %dma_start3A_17 = tpu.memref_slice %arg3[%add3A_13] : memref<320000xi32, #tpu.memory_space<hbm>> -> memref<80xi32, #tpu.memory_space<hbm>>
    tpu.enqueue_dma source(%dma_start3A_17 : memref<80xi32, #tpu.memory_space<hbm>>) target(%arg9 : memref<80xi32, #tpu.memory_space<vmem>>) target_semaphore(%arg17 : memref<!tpu.dma_semaphore, #tpu.memory_space<semaphore_mem>>)
    %dma_start3A_18 = tpu.memref_slice %arg4[%add3A_15] : memref<320000xi32, #tpu.memory_space<hbm>> -> memref<80xi32, #tpu.memory_space<hbm>>
    %dma_start3A_19 = tpu.memref_slice %arg4[%add3A_15] : memref<320000xi32, #tpu.memory_space<hbm>> -> memref<80xi32, #tpu.memory_space<hbm>>
    tpu.enqueue_dma source(%dma_start3A_19 : memref<80xi32, #tpu.memory_space<hbm>>) target(%arg10 : memref<80xi32, #tpu.memory_space<vmem>>) target_semaphore(%arg18 : memref<!tpu.dma_semaphore, #tpu.memory_space<semaphore_mem>>)
    %dma_wait3A = tpu.memref_slice %arg3[%mul3A_4] : memref<320000xi32, #tpu.memory_space<hbm>> -> memref<80xi32, #tpu.memory_space<hbm>>
    %dma_wait3A_20 = tpu.memref_slice %arg3[%mul3A_4] : memref<320000xi32, #tpu.memory_space<hbm>> -> memref<80xi32, #tpu.memory_space<hbm>>
    tpu.wait_dma2 semaphore(%arg14 : memref<!tpu.dma_semaphore, #tpu.memory_space<semaphore_mem>>) src(%dma_wait3A_20 : memref<80xi32, #tpu.memory_space<hbm>>) dst(%arg7 : memref<80xi32, #tpu.memory_space<vmem>>)
    %dma_start3A_21 = arith.constant 0 : i32
    %dma_start3A_22 = arith.constant 0 : i32
    %dma_start3A_23 = tpu.memref_slice %arg2[%dma_start3A_21, %dma_start3A_22] : memref<10000x128xf32, #tpu.memory_space<hbm>> -> memref<10000x128xf32, #tpu.memory_space<hbm>>
    tpu.enqueue_indirect_dma source(%dma_start3A_23 : memref<10000x128xf32, #tpu.memory_space<hbm>>) target(%arg11 : memref<80x128xf32, #tpu.memory_space<vmem>>) offsets(%arg7 : memref<80xi32, #tpu.memory_space<vmem>>) semaphore(%arg16 : memref<!tpu.dma_semaphore, #tpu.memory_space<semaphore_mem>>)
    %scan3A = arith.constant 0 : i32
    %scan3A_24 = arith.constant 0 : i32
    %scan3A_25 = arith.constant 62 : i32
    %scan3A_26 = arith.addi %scan3A_24, %scan3A_25 : i32
    %scan3A_27 = arith.constant 1 : i32
    scf.for %scan3A_39 = %scan3A_24 to %scan3A_26 step %scan3A_27  : i32 {
      %mul3A_40 = arith.constant 2 : i32
      %mul3A_41 = arith.muli %mul3A_40, %scan3A_39 : i32
      %mul3A_42 = arith.constant 2 : i32
      %mul3A_43 = arith.muli %mul3A_42, %scan3A_39 : i32
      %add3A_44 = arith.constant 1 : i32
      %add3A_45 = arith.addi %mul3A_43, %add3A_44 : i32
      %mul3A_46 = arith.constant 80 : i32
      %mul3A_47 = arith.muli %add3A_45, %mul3A_46 : i32
      %add3A_48 = arith.addi %mul3A_4, %mul3A_47 : i32
      %dma_wait3A_49 = tpu.memref_slice %arg3[%add3A_48] : memref<320000xi32, #tpu.memory_space<hbm>> -> memref<80xi32, #tpu.memory_space<hbm>>
      %dma_wait3A_50 = tpu.memref_slice %arg3[%add3A_48] : memref<320000xi32, #tpu.memory_space<hbm>> -> memref<80xi32, #tpu.memory_space<hbm>>
      tpu.wait_dma2 semaphore(%arg17 : memref<!tpu.dma_semaphore, #tpu.memory_space<semaphore_mem>>) src(%dma_wait3A_50 : memref<80xi32, #tpu.memory_space<hbm>>) dst(%arg9 : memref<80xi32, #tpu.memory_space<vmem>>)
      %dma_start3A_51 = arith.constant 0 : i32
      %dma_start3A_52 = arith.constant 0 : i32
      %dma_start3A_53 = tpu.memref_slice %arg2[%dma_start3A_51, %dma_start3A_52] : memref<10000x128xf32, #tpu.memory_space<hbm>> -> memref<10000x128xf32, #tpu.memory_space<hbm>>
      tpu.enqueue_indirect_dma source(%dma_start3A_53 : memref<10000x128xf32, #tpu.memory_space<hbm>>) target(%arg12 : memref<80x128xf32, #tpu.memory_space<vmem>>) offsets(%arg9 : memref<80xi32, #tpu.memory_space<vmem>>) semaphore(%arg19 : memref<!tpu.dma_semaphore, #tpu.memory_space<semaphore_mem>>)
      %dma_wait3A_54 = arith.constant 0 : i32
      %dma_wait3A_55 = arith.constant 0 : i32
      %dma_wait3A_56 = tpu.memref_slice %arg2[%dma_wait3A_54, %dma_wait3A_55] : memref<10000x128xf32, #tpu.memory_space<hbm>> -> memref<10000x128xf32, #tpu.memory_space<hbm>>
      tpu.wait_indirect_dma semaphore(%arg16 : memref<!tpu.dma_semaphore, #tpu.memory_space<semaphore_mem>>) src(%dma_wait3A_56 : memref<10000x128xf32, #tpu.memory_space<hbm>>) dst(%arg11 : memref<80x128xf32, #tpu.memory_space<vmem>>)
      %mul3A_57 = arith.constant 80 : i32
      %mul3A_58 = arith.muli %mul3A_41, %mul3A_57 : i32
      %add3A_59 = arith.addi %mul3A_4, %mul3A_58 : i32
      %dma_wait3A_60 = tpu.memref_slice %arg4[%add3A_59] : memref<320000xi32, #tpu.memory_space<hbm>> -> memref<80xi32, #tpu.memory_space<hbm>>
      %dma_wait3A_61 = tpu.memref_slice %arg4[%add3A_59] : memref<320000xi32, #tpu.memory_space<hbm>> -> memref<80xi32, #tpu.memory_space<hbm>>
      tpu.wait_dma2 semaphore(%arg15 : memref<!tpu.dma_semaphore, #tpu.memory_space<semaphore_mem>>) src(%dma_wait3A_61 : memref<80xi32, #tpu.memory_space<hbm>>) dst(%arg8 : memref<80xi32, #tpu.memory_space<vmem>>)
      "tpu.region"() ({
        %run_scoped3A = tpu.sem_alloc : memref<!tpu.dma_semaphore, #tpu.memory_space<semaphore_mem>>
        %dma_start3A_96 = arith.constant 0 : i32
        %dma_start3A_97 = arith.constant 0 : i32
        %dma_start3A_98 = tpu.memref_slice %arg13[%dma_start3A_96, %dma_start3A_97] : memref<10000x128xf32, #tpu.memory_space<vmem_shared>> -> memref<10000x128xf32, #tpu.memory_space<vmem_shared>>
        tpu.enqueue_indirect_dma source(%arg11 : memref<80x128xf32, #tpu.memory_space<vmem>>) target(%dma_start3A_98 : memref<10000x128xf32, #tpu.memory_space<vmem_shared>>) offsets(%arg8 : memref<80xi32, #tpu.memory_space<vmem>>) semaphore(%run_scoped3A : memref<!tpu.dma_semaphore, #tpu.memory_space<semaphore_mem>>) {add = true}
        %dma_wait3A_99 = arith.constant 0 : i32
        %dma_wait3A_100 = arith.constant 0 : i32
        %dma_wait3A_101 = tpu.memref_slice %arg13[%dma_wait3A_99, %dma_wait3A_100] : memref<10000x128xf32, #tpu.memory_space<vmem_shared>> -> memref<10000x128xf32, #tpu.memory_space<vmem_shared>>
        tpu.wait_indirect_dma semaphore(%run_scoped3A : memref<!tpu.dma_semaphore, #tpu.memory_space<semaphore_mem>>) src(%arg11 : memref<80x128xf32, #tpu.memory_space<vmem>>) dst(%dma_wait3A_101 : memref<10000x128xf32, #tpu.memory_space<vmem_shared>>)
        tpu.yield
      }) : () -> ()
      %add3A_62 = arith.constant 2 : i32
      %add3A_63 = arith.addi %mul3A_41, %add3A_62 : i32
      %mul3A_64 = arith.constant 80 : i32
      %mul3A_65 = arith.muli %add3A_63, %mul3A_64 : i32
      %add3A_66 = arith.addi %mul3A_4, %mul3A_65 : i32
      %mul3A_67 = arith.constant 80 : i32
      %mul3A_68 = arith.muli %add3A_63, %mul3A_67 : i32
      %add3A_69 = arith.addi %mul3A_4, %mul3A_68 : i32
      %dma_start3A_70 = tpu.memref_slice %arg3[%add3A_66] : memref<320000xi32, #tpu.memory_space<hbm>> -> memref<80xi32, #tpu.memory_space<hbm>>
      %dma_start3A_71 = tpu.memref_slice %arg3[%add3A_66] : memref<320000xi32, #tpu.memory_space<hbm>> -> memref<80xi32, #tpu.memory_space<hbm>>
      tpu.enqueue_dma source(%dma_start3A_71 : memref<80xi32, #tpu.memory_space<hbm>>) target(%arg7 : memref<80xi32, #tpu.memory_space<vmem>>) target_semaphore(%arg14 : memref<!tpu.dma_semaphore, #tpu.memory_space<semaphore_mem>>)
      %dma_start3A_72 = tpu.memref_slice %arg4[%add3A_69] : memref<320000xi32, #tpu.memory_space<hbm>> -> memref<80xi32, #tpu.memory_space<hbm>>
      %dma_start3A_73 = tpu.memref_slice %arg4[%add3A_69] : memref<320000xi32, #tpu.memory_space<hbm>> -> memref<80xi32, #tpu.memory_space<hbm>>
      tpu.enqueue_dma source(%dma_start3A_73 : memref<80xi32, #tpu.memory_space<hbm>>) target(%arg8 : memref<80xi32, #tpu.memory_space<vmem>>) target_semaphore(%arg15 : memref<!tpu.dma_semaphore, #tpu.memory_space<semaphore_mem>>)
      %dma_wait3A_74 = arith.constant 0 : i32
      %dma_wait3A_75 = arith.constant 0 : i32
      %dma_wait3A_76 = tpu.memref_slice %arg2[%dma_wait3A_74, %dma_wait3A_75] : memref<10000x128xf32, #tpu.memory_space<hbm>> -> memref<10000x128xf32, #tpu.memory_space<hbm>>
      tpu.wait_indirect_dma semaphore(%arg19 : memref<!tpu.dma_semaphore, #tpu.memory_space<semaphore_mem>>) src(%dma_wait3A_76 : memref<10000x128xf32, #tpu.memory_space<hbm>>) dst(%arg12 : memref<80x128xf32, #tpu.memory_space<vmem>>)
      %mul3A_77 = arith.constant 80 : i32
      %mul3A_78 = arith.muli %add3A_45, %mul3A_77 : i32
      %add3A_79 = arith.addi %mul3A_4, %mul3A_78 : i32
      %dma_wait3A_80 = tpu.memref_slice %arg4[%add3A_79] : memref<320000xi32, #tpu.memory_space<hbm>> -> memref<80xi32, #tpu.memory_space<hbm>>
      %dma_wait3A_81 = tpu.memref_slice %arg4[%add3A_79] : memref<320000xi32, #tpu.memory_space<hbm>> -> memref<80xi32, #tpu.memory_space<hbm>>
      tpu.wait_dma2 semaphore(%arg18 : memref<!tpu.dma_semaphore, #tpu.memory_space<semaphore_mem>>) src(%dma_wait3A_81 : memref<80xi32, #tpu.memory_space<hbm>>) dst(%arg10 : memref<80xi32, #tpu.memory_space<vmem>>)
      "tpu.region"() ({
        %run_scoped3A = tpu.sem_alloc : memref<!tpu.dma_semaphore, #tpu.memory_space<semaphore_mem>>
        %dma_start3A_96 = arith.constant 0 : i32
        %dma_start3A_97 = arith.constant 0 : i32
        %dma_start3A_98 = tpu.memref_slice %arg13[%dma_start3A_96, %dma_start3A_97] : memref<10000x128xf32, #tpu.memory_space<vmem_shared>> -> memref<10000x128xf32, #tpu.memory_space<vmem_shared>>
        tpu.enqueue_indirect_dma source(%arg12 : memref<80x128xf32, #tpu.memory_space<vmem>>) target(%dma_start3A_98 : memref<10000x128xf32, #tpu.memory_space<vmem_shared>>) offsets(%arg10 : memref<80xi32, #tpu.memory_space<vmem>>) semaphore(%run_scoped3A : memref<!tpu.dma_semaphore, #tpu.memory_space<semaphore_mem>>) {add = true}
        %dma_wait3A_99 = arith.constant 0 : i32
        %dma_wait3A_100 = arith.constant 0 : i32
        %dma_wait3A_101 = tpu.memref_slice %arg13[%dma_wait3A_99, %dma_wait3A_100] : memref<10000x128xf32, #tpu.memory_space<vmem_shared>> -> memref<10000x128xf32, #tpu.memory_space<vmem_shared>>
        tpu.wait_indirect_dma semaphore(%run_scoped3A : memref<!tpu.dma_semaphore, #tpu.memory_space<semaphore_mem>>) src(%arg12 : memref<80x128xf32, #tpu.memory_space<vmem>>) dst(%dma_wait3A_101 : memref<10000x128xf32, #tpu.memory_space<vmem_shared>>)
        tpu.yield
      }) : () -> ()
      %add3A_82 = arith.constant 2 : i32
      %add3A_83 = arith.addi %add3A_45, %add3A_82 : i32
      %lt3A = arith.constant 125 : i32
      %lt3A_84 = arith.cmpi slt, %add3A_83, %lt3A : i32
      %convert_element_type3A = arith.extui %lt3A_84 : i1 to i32
      %cond3A = arith.constant 0 : i32
      %cond3A_85 = arith.cmpi ne, %convert_element_type3A, %cond3A : i32
      scf.if %cond3A_85 {
        %add3A_96 = arith.constant 2 : i32
        %add3A_97 = arith.addi %add3A_45, %add3A_96 : i32
        %mul3A_98 = arith.constant 80 : i32
        %mul3A_99 = arith.muli %add3A_97, %mul3A_98 : i32
        %add3A_100 = arith.addi %mul3A_4, %mul3A_99 : i32
        %mul3A_101 = arith.constant 80 : i32
        %mul3A_102 = arith.muli %add3A_97, %mul3A_101 : i32
        %add3A_103 = arith.addi %mul3A_4, %mul3A_102 : i32
        %dma_start3A_104 = tpu.memref_slice %arg3[%add3A_100] : memref<320000xi32, #tpu.memory_space<hbm>> -> memref<80xi32, #tpu.memory_space<hbm>>
        %dma_start3A_105 = tpu.memref_slice %arg3[%add3A_100] : memref<320000xi32, #tpu.memory_space<hbm>> -> memref<80xi32, #tpu.memory_space<hbm>>
        tpu.enqueue_dma source(%dma_start3A_105 : memref<80xi32, #tpu.memory_space<hbm>>) target(%arg9 : memref<80xi32, #tpu.memory_space<vmem>>) target_semaphore(%arg17 : memref<!tpu.dma_semaphore, #tpu.memory_space<semaphore_mem>>)
        %dma_start3A_106 = tpu.memref_slice %arg4[%add3A_103] : memref<320000xi32, #tpu.memory_space<hbm>> -> memref<80xi32, #tpu.memory_space<hbm>>
        %dma_start3A_107 = tpu.memref_slice %arg4[%add3A_103] : memref<320000xi32, #tpu.memory_space<hbm>> -> memref<80xi32, #tpu.memory_space<hbm>>
        tpu.enqueue_dma source(%dma_start3A_107 : memref<80xi32, #tpu.memory_space<hbm>>) target(%arg10 : memref<80xi32, #tpu.memory_space<vmem>>) target_semaphore(%arg18 : memref<!tpu.dma_semaphore, #tpu.memory_space<semaphore_mem>>)
      } else {
      }
      %add3A_86 = arith.constant 2 : i32
      %add3A_87 = arith.addi %mul3A_41, %add3A_86 : i32
      %mul3A_88 = arith.constant 80 : i32
      %mul3A_89 = arith.muli %add3A_87, %mul3A_88 : i32
      %add3A_90 = arith.addi %mul3A_4, %mul3A_89 : i32
      %dma_wait3A_91 = tpu.memref_slice %arg3[%add3A_90] : memref<320000xi32, #tpu.memory_space<hbm>> -> memref<80xi32, #tpu.memory_space<hbm>>
      %dma_wait3A_92 = tpu.memref_slice %arg3[%add3A_90] : memref<320000xi32, #tpu.memory_space<hbm>> -> memref<80xi32, #tpu.memory_space<hbm>>
      tpu.wait_dma2 semaphore(%arg14 : memref<!tpu.dma_semaphore, #tpu.memory_space<semaphore_mem>>) src(%dma_wait3A_92 : memref<80xi32, #tpu.memory_space<hbm>>) dst(%arg7 : memref<80xi32, #tpu.memory_space<vmem>>)
      %dma_start3A_93 = arith.constant 0 : i32
      %dma_start3A_94 = arith.constant 0 : i32
      %dma_start3A_95 = tpu.memref_slice %arg2[%dma_start3A_93, %dma_start3A_94] : memref<10000x128xf32, #tpu.memory_space<hbm>> -> memref<10000x128xf32, #tpu.memory_space<hbm>>
      tpu.enqueue_indirect_dma source(%dma_start3A_95 : memref<10000x128xf32, #tpu.memory_space<hbm>>) target(%arg11 : memref<80x128xf32, #tpu.memory_space<vmem>>) offsets(%arg7 : memref<80xi32, #tpu.memory_space<vmem>>) semaphore(%arg16 : memref<!tpu.dma_semaphore, #tpu.memory_space<semaphore_mem>>)
    }
    %scan3A_28 = arith.constant 62 : i32
    %dma_wait3A_29 = arith.constant 0 : i32
    %dma_wait3A_30 = arith.constant 0 : i32
    %dma_wait3A_31 = tpu.memref_slice %arg2[%dma_wait3A_29, %dma_wait3A_30] : memref<10000x128xf32, #tpu.memory_space<hbm>> -> memref<10000x128xf32, #tpu.memory_space<hbm>>
    tpu.wait_indirect_dma semaphore(%arg16 : memref<!tpu.dma_semaphore, #tpu.memory_space<semaphore_mem>>) src(%dma_wait3A_31 : memref<10000x128xf32, #tpu.memory_space<hbm>>) dst(%arg11 : memref<80x128xf32, #tpu.memory_space<vmem>>)
    %add3A_32 = arith.constant 9920 : i32
    %add3A_33 = arith.addi %mul3A_4, %add3A_32 : i32
    %dma_wait3A_34 = tpu.memref_slice %arg4[%add3A_33] : memref<320000xi32, #tpu.memory_space<hbm>> -> memref<80xi32, #tpu.memory_space<hbm>>
    %dma_wait3A_35 = tpu.memref_slice %arg4[%add3A_33] : memref<320000xi32, #tpu.memory_space<hbm>> -> memref<80xi32, #tpu.memory_space<hbm>>
    tpu.wait_dma2 semaphore(%arg15 : memref<!tpu.dma_semaphore, #tpu.memory_space<semaphore_mem>>) src(%dma_wait3A_35 : memref<80xi32, #tpu.memory_space<hbm>>) dst(%arg8 : memref<80xi32, #tpu.memory_space<vmem>>)
    "tpu.region"() ({
      %run_scoped3A = tpu.sem_alloc : memref<!tpu.dma_semaphore, #tpu.memory_space<semaphore_mem>>
      %dma_start3A_39 = arith.constant 0 : i32
      %dma_start3A_40 = arith.constant 0 : i32
      %dma_start3A_41 = tpu.memref_slice %arg13[%dma_start3A_39, %dma_start3A_40] : memref<10000x128xf32, #tpu.memory_space<vmem_shared>> -> memref<10000x128xf32, #tpu.memory_space<vmem_shared>>
      tpu.enqueue_indirect_dma source(%arg11 : memref<80x128xf32, #tpu.memory_space<vmem>>) target(%dma_start3A_41 : memref<10000x128xf32, #tpu.memory_space<vmem_shared>>) offsets(%arg8 : memref<80xi32, #tpu.memory_space<vmem>>) semaphore(%run_scoped3A : memref<!tpu.dma_semaphore, #tpu.memory_space<semaphore_mem>>) {add = true}
      %dma_wait3A_42 = arith.constant 0 : i32
      %dma_wait3A_43 = arith.constant 0 : i32
      %dma_wait3A_44 = tpu.memref_slice %arg13[%dma_wait3A_42, %dma_wait3A_43] : memref<10000x128xf32, #tpu.memory_space<vmem_shared>> -> memref<10000x128xf32, #tpu.memory_space<vmem_shared>>
      tpu.wait_indirect_dma semaphore(%run_scoped3A : memref<!tpu.dma_semaphore, #tpu.memory_space<semaphore_mem>>) src(%arg11 : memref<80x128xf32, #tpu.memory_space<vmem>>) dst(%dma_wait3A_44 : memref<10000x128xf32, #tpu.memory_space<vmem_shared>>)
      tpu.yield
    }) : () -> ()
    %barrier3A_36 = arith.constant 0 : index
    tpu.barrier barrier_id(%barrier3A_36)
    %mul3A_37 = arith.constant 625 : i32
    %mul3A_38 = arith.muli %arg1, %mul3A_37 : i32
    "tpu.region"() ({
      %run_scoped3A = tpu.sem_alloc : memref<!tpu.dma_semaphore, #tpu.memory_space<semaphore_mem>>
      %dma_start3A_39 = arith.constant 0 : i32
      %dma_start3A_40 = arith.constant 0 : i32
      %dma_start3A_41 = tpu.memref_slice %arg6[%add3A, %dma_start3A_39, %dma_start3A_40] : memref<32x625x128xf32, #tpu.memory_space<hbm>> -> memref<1x625x128xf32, #tpu.memory_space<hbm>>
      %dma_start3A_42 = tpu.memref_squeeze %dma_start3A_41 : memref<1x625x128xf32, #tpu.memory_space<hbm>> -> memref<625x128xf32, #tpu.memory_space<hbm>>
      %dma_start3A_43 = arith.constant 0 : i32
      %dma_start3A_44 = tpu.memref_slice %arg13[%mul3A_38, %dma_start3A_43] : memref<10000x128xf32, #tpu.memory_space<vmem_shared>> -> memref<625x128xf32, #tpu.memory_space<vmem_shared>>
      tpu.enqueue_dma source(%dma_start3A_44 : memref<625x128xf32, #tpu.memory_space<vmem_shared>>) target(%dma_start3A_42 : memref<625x128xf32, #tpu.memory_space<hbm>>) target_semaphore(%run_scoped3A : memref<!tpu.dma_semaphore, #tpu.memory_space<semaphore_mem>>)
      %dma_wait3A_45 = arith.constant 0 : i32
      %dma_wait3A_46 = arith.constant 0 : i32
      %dma_wait3A_47 = tpu.memref_slice %arg6[%add3A, %dma_wait3A_45, %dma_wait3A_46] : memref<32x625x128xf32, #tpu.memory_space<hbm>> -> memref<1x625x128xf32, #tpu.memory_space<hbm>>
      %dma_wait3A_48 = tpu.memref_squeeze %dma_wait3A_47 : memref<1x625x128xf32, #tpu.memory_space<hbm>> -> memref<625x128xf32, #tpu.memory_space<hbm>>
      %dma_wait3A_49 = arith.constant 0 : i32
      %dma_wait3A_50 = tpu.memref_slice %arg13[%mul3A_38, %dma_wait3A_49] : memref<10000x128xf32, #tpu.memory_space<vmem_shared>> -> memref<625x128xf32, #tpu.memory_space<vmem_shared>>
      tpu.wait_dma2 semaphore(%run_scoped3A : memref<!tpu.dma_semaphore, #tpu.memory_space<semaphore_mem>>) src(%dma_wait3A_50 : memref<625x128xf32, #tpu.memory_space<vmem_shared>>) dst(%dma_wait3A_48 : memref<625x128xf32, #tpu.memory_space<hbm>>)
      tpu.yield
    }) : () -> ()
    return
  }
}

#map = affine_map<(d0, d1) -> (0)>
#map1 = affine_map<(d0, d1) -> (0, 0, 0)>
#map2 = affine_map<(d0, d1) -> (0, 0)>
module attributes {stable_mosaic.version = 14 : i64} {
  func.func @_deg_sc(%arg0: i32, %arg1: i32, %arg2: memref<320000xi32, #tpu.memory_space<hbm>>, %arg3: memref<16x625x128xf32, #tpu.memory_space<hbm>>, %arg4: memref<80x128xf32, #tpu.memory_space<hbm>>, %arg5: memref<32x625x128xf32, #tpu.memory_space<hbm>>, %arg6: memref<80xi32, #tpu.memory_space<vmem>>, %arg7: memref<80xi32, #tpu.memory_space<vmem>>, %arg8: memref<80x128xf32, #tpu.memory_space<vmem>>, %arg9: memref<10000x128xf32, #tpu.memory_space<vmem_shared>>, %arg10: memref<!tpu.dma_semaphore, #tpu.memory_space<semaphore_mem>>, %arg11: memref<!tpu.dma_semaphore, #tpu.memory_space<semaphore_mem>>) attributes {dimension_semantics = [#tpu.dimension_semantics<core_parallel>, #tpu.dimension_semantics<subcore_parallel>], iteration_bounds = array<i64: 2, 16>, scalar_prefetch = 0 : i64, scratch_operands = 6 : i64, tpu.core_type = #tpu.core_type<sc_vector_subcore>, window_params = [{transform_indices = #map}, {transform_indices = #map1}, {transform_indices = #map2}, {transform_indices = #map1}]} {
    %mul3A = arith.constant 16 : i32
    %mul3A_0 = arith.muli %arg0, %mul3A : i32
    %add3A = arith.addi %mul3A_0, %arg1 : i32
    %mul3A_1 = arith.constant 625 : i32
    %mul3A_2 = arith.muli %arg1, %mul3A_1 : i32
    "tpu.region"() ({
      %run_scoped3A = tpu.sem_alloc : memref<!tpu.dma_semaphore, #tpu.memory_space<semaphore_mem>>
      %dma_start3A_23 = arith.constant 0 : i32
      %dma_start3A_24 = tpu.memref_slice %arg9[%mul3A_2, %dma_start3A_23] : memref<10000x128xf32, #tpu.memory_space<vmem_shared>> -> memref<625x128xf32, #tpu.memory_space<vmem_shared>>
      %dma_start3A_25 = arith.constant 0 : i32
      %dma_start3A_26 = arith.constant 0 : i32
      %dma_start3A_27 = tpu.memref_slice %arg3[%arg1, %dma_start3A_25, %dma_start3A_26] : memref<16x625x128xf32, #tpu.memory_space<hbm>> -> memref<1x625x128xf32, #tpu.memory_space<hbm>>
      %dma_start3A_28 = tpu.memref_squeeze %dma_start3A_27 : memref<1x625x128xf32, #tpu.memory_space<hbm>> -> memref<625x128xf32, #tpu.memory_space<hbm>>
      tpu.enqueue_dma source(%dma_start3A_28 : memref<625x128xf32, #tpu.memory_space<hbm>>) target(%dma_start3A_24 : memref<625x128xf32, #tpu.memory_space<vmem_shared>>) target_semaphore(%run_scoped3A : memref<!tpu.dma_semaphore, #tpu.memory_space<semaphore_mem>>)
      %dma_wait3A_29 = arith.constant 0 : i32
      %dma_wait3A_30 = tpu.memref_slice %arg9[%mul3A_2, %dma_wait3A_29] : memref<10000x128xf32, #tpu.memory_space<vmem_shared>> -> memref<625x128xf32, #tpu.memory_space<vmem_shared>>
      %dma_wait3A_31 = arith.constant 0 : i32
      %dma_wait3A_32 = arith.constant 0 : i32
      %dma_wait3A_33 = tpu.memref_slice %arg3[%arg1, %dma_wait3A_31, %dma_wait3A_32] : memref<16x625x128xf32, #tpu.memory_space<hbm>> -> memref<1x625x128xf32, #tpu.memory_space<hbm>>
      %dma_wait3A_34 = tpu.memref_squeeze %dma_wait3A_33 : memref<1x625x128xf32, #tpu.memory_space<hbm>> -> memref<625x128xf32, #tpu.memory_space<hbm>>
      tpu.wait_dma2 semaphore(%run_scoped3A : memref<!tpu.dma_semaphore, #tpu.memory_space<semaphore_mem>>) src(%dma_wait3A_34 : memref<625x128xf32, #tpu.memory_space<hbm>>) dst(%dma_wait3A_30 : memref<625x128xf32, #tpu.memory_space<vmem_shared>>)
      tpu.yield
    }) : () -> ()
    "tpu.region"() ({
      %run_scoped3A = tpu.sem_alloc : memref<!tpu.dma_semaphore, #tpu.memory_space<semaphore_mem>>
      tpu.enqueue_dma source(%arg4 : memref<80x128xf32, #tpu.memory_space<hbm>>) target(%arg8 : memref<80x128xf32, #tpu.memory_space<vmem>>) target_semaphore(%run_scoped3A : memref<!tpu.dma_semaphore, #tpu.memory_space<semaphore_mem>>)
      tpu.wait_dma2 semaphore(%run_scoped3A : memref<!tpu.dma_semaphore, #tpu.memory_space<semaphore_mem>>) src(%arg4 : memref<80x128xf32, #tpu.memory_space<hbm>>) dst(%arg8 : memref<80x128xf32, #tpu.memory_space<vmem>>)
      tpu.yield
    }) : () -> ()
    %barrier3A = arith.constant 0 : index
    tpu.barrier barrier_id(%barrier3A)
    %mul3A_3 = arith.constant 10000 : i32
    %mul3A_4 = arith.muli %add3A, %mul3A_3 : i32
    %add3A_5 = arith.constant 0 : i32
    %add3A_6 = arith.addi %mul3A_4, %add3A_5 : i32
    %dma_start3A = tpu.memref_slice %arg2[%add3A_6] : memref<320000xi32, #tpu.memory_space<hbm>> -> memref<80xi32, #tpu.memory_space<hbm>>
    %dma_start3A_7 = tpu.memref_slice %arg2[%add3A_6] : memref<320000xi32, #tpu.memory_space<hbm>> -> memref<80xi32, #tpu.memory_space<hbm>>
    tpu.enqueue_dma source(%dma_start3A_7 : memref<80xi32, #tpu.memory_space<hbm>>) target(%arg6 : memref<80xi32, #tpu.memory_space<vmem>>) target_semaphore(%arg10 : memref<!tpu.dma_semaphore, #tpu.memory_space<semaphore_mem>>)
    %add3A_8 = arith.constant 80 : i32
    %add3A_9 = arith.addi %mul3A_4, %add3A_8 : i32
    %dma_start3A_10 = tpu.memref_slice %arg2[%add3A_9] : memref<320000xi32, #tpu.memory_space<hbm>> -> memref<80xi32, #tpu.memory_space<hbm>>
    %dma_start3A_11 = tpu.memref_slice %arg2[%add3A_9] : memref<320000xi32, #tpu.memory_space<hbm>> -> memref<80xi32, #tpu.memory_space<hbm>>
    tpu.enqueue_dma source(%dma_start3A_11 : memref<80xi32, #tpu.memory_space<hbm>>) target(%arg7 : memref<80xi32, #tpu.memory_space<vmem>>) target_semaphore(%arg11 : memref<!tpu.dma_semaphore, #tpu.memory_space<semaphore_mem>>)
    %scan3A = arith.constant 0 : i32
    %scan3A_12 = arith.constant 0 : i32
    %scan3A_13 = arith.constant 62 : i32
    %scan3A_14 = arith.addi %scan3A_12, %scan3A_13 : i32
    %scan3A_15 = arith.constant 1 : i32
    scf.for %scan3A_23 = %scan3A_12 to %scan3A_14 step %scan3A_15  : i32 {
      %mul3A_24 = arith.constant 2 : i32
      %mul3A_25 = arith.muli %mul3A_24, %scan3A_23 : i32
      %mul3A_26 = arith.constant 2 : i32
      %mul3A_27 = arith.muli %mul3A_26, %scan3A_23 : i32
      %add3A_28 = arith.constant 1 : i32
      %add3A_29 = arith.addi %mul3A_27, %add3A_28 : i32
      %mul3A_30 = arith.constant 80 : i32
      %mul3A_31 = arith.muli %mul3A_25, %mul3A_30 : i32
      %add3A_32 = arith.addi %mul3A_4, %mul3A_31 : i32
      %dma_wait3A_33 = tpu.memref_slice %arg2[%add3A_32] : memref<320000xi32, #tpu.memory_space<hbm>> -> memref<80xi32, #tpu.memory_space<hbm>>
      %dma_wait3A_34 = tpu.memref_slice %arg2[%add3A_32] : memref<320000xi32, #tpu.memory_space<hbm>> -> memref<80xi32, #tpu.memory_space<hbm>>
      tpu.wait_dma2 semaphore(%arg10 : memref<!tpu.dma_semaphore, #tpu.memory_space<semaphore_mem>>) src(%dma_wait3A_34 : memref<80xi32, #tpu.memory_space<hbm>>) dst(%arg6 : memref<80xi32, #tpu.memory_space<vmem>>)
      "tpu.region"() ({
        %run_scoped3A = tpu.sem_alloc : memref<!tpu.dma_semaphore, #tpu.memory_space<semaphore_mem>>
        %dma_start3A_51 = arith.constant 0 : i32
        %dma_start3A_52 = arith.constant 0 : i32
        %dma_start3A_53 = tpu.memref_slice %arg9[%dma_start3A_51, %dma_start3A_52] : memref<10000x128xf32, #tpu.memory_space<vmem_shared>> -> memref<10000x128xf32, #tpu.memory_space<vmem_shared>>
        tpu.enqueue_indirect_dma source(%arg8 : memref<80x128xf32, #tpu.memory_space<vmem>>) target(%dma_start3A_53 : memref<10000x128xf32, #tpu.memory_space<vmem_shared>>) offsets(%arg6 : memref<80xi32, #tpu.memory_space<vmem>>) semaphore(%run_scoped3A : memref<!tpu.dma_semaphore, #tpu.memory_space<semaphore_mem>>) {add = true}
        %dma_wait3A_54 = arith.constant 0 : i32
        %dma_wait3A_55 = arith.constant 0 : i32
        %dma_wait3A_56 = tpu.memref_slice %arg9[%dma_wait3A_54, %dma_wait3A_55] : memref<10000x128xf32, #tpu.memory_space<vmem_shared>> -> memref<10000x128xf32, #tpu.memory_space<vmem_shared>>
        tpu.wait_indirect_dma semaphore(%run_scoped3A : memref<!tpu.dma_semaphore, #tpu.memory_space<semaphore_mem>>) src(%arg8 : memref<80x128xf32, #tpu.memory_space<vmem>>) dst(%dma_wait3A_56 : memref<10000x128xf32, #tpu.memory_space<vmem_shared>>)
        tpu.yield
      }) : () -> ()
      %add3A_35 = arith.constant 2 : i32
      %add3A_36 = arith.addi %mul3A_25, %add3A_35 : i32
      %mul3A_37 = arith.constant 80 : i32
      %mul3A_38 = arith.muli %add3A_36, %mul3A_37 : i32
      %add3A_39 = arith.addi %mul3A_4, %mul3A_38 : i32
      %dma_start3A_40 = tpu.memref_slice %arg2[%add3A_39] : memref<320000xi32, #tpu.memory_space<hbm>> -> memref<80xi32, #tpu.memory_space<hbm>>
      %dma_start3A_41 = tpu.memref_slice %arg2[%add3A_39] : memref<320000xi32, #tpu.memory_space<hbm>> -> memref<80xi32, #tpu.memory_space<hbm>>
      tpu.enqueue_dma source(%dma_start3A_41 : memref<80xi32, #tpu.memory_space<hbm>>) target(%arg6 : memref<80xi32, #tpu.memory_space<vmem>>) target_semaphore(%arg10 : memref<!tpu.dma_semaphore, #tpu.memory_space<semaphore_mem>>)
      %mul3A_42 = arith.constant 80 : i32
      %mul3A_43 = arith.muli %add3A_29, %mul3A_42 : i32
      %add3A_44 = arith.addi %mul3A_4, %mul3A_43 : i32
      %dma_wait3A_45 = tpu.memref_slice %arg2[%add3A_44] : memref<320000xi32, #tpu.memory_space<hbm>> -> memref<80xi32, #tpu.memory_space<hbm>>
      %dma_wait3A_46 = tpu.memref_slice %arg2[%add3A_44] : memref<320000xi32, #tpu.memory_space<hbm>> -> memref<80xi32, #tpu.memory_space<hbm>>
      tpu.wait_dma2 semaphore(%arg11 : memref<!tpu.dma_semaphore, #tpu.memory_space<semaphore_mem>>) src(%dma_wait3A_46 : memref<80xi32, #tpu.memory_space<hbm>>) dst(%arg7 : memref<80xi32, #tpu.memory_space<vmem>>)
      "tpu.region"() ({
        %run_scoped3A = tpu.sem_alloc : memref<!tpu.dma_semaphore, #tpu.memory_space<semaphore_mem>>
        %dma_start3A_51 = arith.constant 0 : i32
        %dma_start3A_52 = arith.constant 0 : i32
        %dma_start3A_53 = tpu.memref_slice %arg9[%dma_start3A_51, %dma_start3A_52] : memref<10000x128xf32, #tpu.memory_space<vmem_shared>> -> memref<10000x128xf32, #tpu.memory_space<vmem_shared>>
        tpu.enqueue_indirect_dma source(%arg8 : memref<80x128xf32, #tpu.memory_space<vmem>>) target(%dma_start3A_53 : memref<10000x128xf32, #tpu.memory_space<vmem_shared>>) offsets(%arg7 : memref<80xi32, #tpu.memory_space<vmem>>) semaphore(%run_scoped3A : memref<!tpu.dma_semaphore, #tpu.memory_space<semaphore_mem>>) {add = true}
        %dma_wait3A_54 = arith.constant 0 : i32
        %dma_wait3A_55 = arith.constant 0 : i32
        %dma_wait3A_56 = tpu.memref_slice %arg9[%dma_wait3A_54, %dma_wait3A_55] : memref<10000x128xf32, #tpu.memory_space<vmem_shared>> -> memref<10000x128xf32, #tpu.memory_space<vmem_shared>>
        tpu.wait_indirect_dma semaphore(%run_scoped3A : memref<!tpu.dma_semaphore, #tpu.memory_space<semaphore_mem>>) src(%arg8 : memref<80x128xf32, #tpu.memory_space<vmem>>) dst(%dma_wait3A_56 : memref<10000x128xf32, #tpu.memory_space<vmem_shared>>)
        tpu.yield
      }) : () -> ()
      %add3A_47 = arith.constant 2 : i32
      %add3A_48 = arith.addi %add3A_29, %add3A_47 : i32
      %lt3A = arith.constant 125 : i32
      %lt3A_49 = arith.cmpi slt, %add3A_48, %lt3A : i32
      %convert_element_type3A = arith.extui %lt3A_49 : i1 to i32
      %cond3A = arith.constant 0 : i32
      %cond3A_50 = arith.cmpi ne, %convert_element_type3A, %cond3A : i32
      scf.if %cond3A_50 {
        %add3A_51 = arith.constant 2 : i32
        %add3A_52 = arith.addi %add3A_29, %add3A_51 : i32
        %mul3A_53 = arith.constant 80 : i32
        %mul3A_54 = arith.muli %add3A_52, %mul3A_53 : i32
        %add3A_55 = arith.addi %mul3A_4, %mul3A_54 : i32
        %dma_start3A_56 = tpu.memref_slice %arg2[%add3A_55] : memref<320000xi32, #tpu.memory_space<hbm>> -> memref<80xi32, #tpu.memory_space<hbm>>
        %dma_start3A_57 = tpu.memref_slice %arg2[%add3A_55] : memref<320000xi32, #tpu.memory_space<hbm>> -> memref<80xi32, #tpu.memory_space<hbm>>
        tpu.enqueue_dma source(%dma_start3A_57 : memref<80xi32, #tpu.memory_space<hbm>>) target(%arg7 : memref<80xi32, #tpu.memory_space<vmem>>) target_semaphore(%arg11 : memref<!tpu.dma_semaphore, #tpu.memory_space<semaphore_mem>>)
      } else {
      }
    }
    %scan3A_16 = arith.constant 62 : i32
    %add3A_17 = arith.constant 9920 : i32
    %add3A_18 = arith.addi %mul3A_4, %add3A_17 : i32
    %dma_wait3A = tpu.memref_slice %arg2[%add3A_18] : memref<320000xi32, #tpu.memory_space<hbm>> -> memref<80xi32, #tpu.memory_space<hbm>>
    %dma_wait3A_19 = tpu.memref_slice %arg2[%add3A_18] : memref<320000xi32, #tpu.memory_space<hbm>> -> memref<80xi32, #tpu.memory_space<hbm>>
    tpu.wait_dma2 semaphore(%arg10 : memref<!tpu.dma_semaphore, #tpu.memory_space<semaphore_mem>>) src(%dma_wait3A_19 : memref<80xi32, #tpu.memory_space<hbm>>) dst(%arg6 : memref<80xi32, #tpu.memory_space<vmem>>)
    "tpu.region"() ({
      %run_scoped3A = tpu.sem_alloc : memref<!tpu.dma_semaphore, #tpu.memory_space<semaphore_mem>>
      %dma_start3A_23 = arith.constant 0 : i32
      %dma_start3A_24 = arith.constant 0 : i32
      %dma_start3A_25 = tpu.memref_slice %arg9[%dma_start3A_23, %dma_start3A_24] : memref<10000x128xf32, #tpu.memory_space<vmem_shared>> -> memref<10000x128xf32, #tpu.memory_space<vmem_shared>>
      tpu.enqueue_indirect_dma source(%arg8 : memref<80x128xf32, #tpu.memory_space<vmem>>) target(%dma_start3A_25 : memref<10000x128xf32, #tpu.memory_space<vmem_shared>>) offsets(%arg6 : memref<80xi32, #tpu.memory_space<vmem>>) semaphore(%run_scoped3A : memref<!tpu.dma_semaphore, #tpu.memory_space<semaphore_mem>>) {add = true}
      %dma_wait3A_26 = arith.constant 0 : i32
      %dma_wait3A_27 = arith.constant 0 : i32
      %dma_wait3A_28 = tpu.memref_slice %arg9[%dma_wait3A_26, %dma_wait3A_27] : memref<10000x128xf32, #tpu.memory_space<vmem_shared>> -> memref<10000x128xf32, #tpu.memory_space<vmem_shared>>
      tpu.wait_indirect_dma semaphore(%run_scoped3A : memref<!tpu.dma_semaphore, #tpu.memory_space<semaphore_mem>>) src(%arg8 : memref<80x128xf32, #tpu.memory_space<vmem>>) dst(%dma_wait3A_28 : memref<10000x128xf32, #tpu.memory_space<vmem_shared>>)
      tpu.yield
    }) : () -> ()
    %barrier3A_20 = arith.constant 0 : index
    tpu.barrier barrier_id(%barrier3A_20)
    %mul3A_21 = arith.constant 625 : i32
    %mul3A_22 = arith.muli %arg1, %mul3A_21 : i32
    "tpu.region"() ({
      %run_scoped3A = tpu.sem_alloc : memref<!tpu.dma_semaphore, #tpu.memory_space<semaphore_mem>>
      %dma_start3A_23 = arith.constant 0 : i32
      %dma_start3A_24 = arith.constant 0 : i32
      %dma_start3A_25 = tpu.memref_slice %arg5[%add3A, %dma_start3A_23, %dma_start3A_24] : memref<32x625x128xf32, #tpu.memory_space<hbm>> -> memref<1x625x128xf32, #tpu.memory_space<hbm>>
      %dma_start3A_26 = tpu.memref_squeeze %dma_start3A_25 : memref<1x625x128xf32, #tpu.memory_space<hbm>> -> memref<625x128xf32, #tpu.memory_space<hbm>>
      %dma_start3A_27 = arith.constant 0 : i32
      %dma_start3A_28 = tpu.memref_slice %arg9[%mul3A_22, %dma_start3A_27] : memref<10000x128xf32, #tpu.memory_space<vmem_shared>> -> memref<625x128xf32, #tpu.memory_space<vmem_shared>>
      tpu.enqueue_dma source(%dma_start3A_28 : memref<625x128xf32, #tpu.memory_space<vmem_shared>>) target(%dma_start3A_26 : memref<625x128xf32, #tpu.memory_space<hbm>>) target_semaphore(%run_scoped3A : memref<!tpu.dma_semaphore, #tpu.memory_space<semaphore_mem>>)
      %dma_wait3A_29 = arith.constant 0 : i32
      %dma_wait3A_30 = arith.constant 0 : i32
      %dma_wait3A_31 = tpu.memref_slice %arg5[%add3A, %dma_wait3A_29, %dma_wait3A_30] : memref<32x625x128xf32, #tpu.memory_space<hbm>> -> memref<1x625x128xf32, #tpu.memory_space<hbm>>
      %dma_wait3A_32 = tpu.memref_squeeze %dma_wait3A_31 : memref<1x625x128xf32, #tpu.memory_space<hbm>> -> memref<625x128xf32, #tpu.memory_space<hbm>>
      %dma_wait3A_33 = arith.constant 0 : i32
      %dma_wait3A_34 = tpu.memref_slice %arg9[%mul3A_22, %dma_wait3A_33] : memref<10000x128xf32, #tpu.memory_space<vmem_shared>> -> memref<625x128xf32, #tpu.memory_space<vmem_shared>>
      tpu.wait_dma2 semaphore(%run_scoped3A : memref<!tpu.dma_semaphore, #tpu.memory_space<semaphore_mem>>) src(%dma_wait3A_34 : memref<625x128xf32, #tpu.memory_space<vmem_shared>>) dst(%dma_wait3A_32 : memref<625x128xf32, #tpu.memory_space<hbm>>)
      tpu.yield
    }) : () -> ()
    return
  }
}

#map = affine_map<(d0, d1) -> (0, 0)>
#map1 = affine_map<(d0, d1) -> (0)>
#map2 = affine_map<(d0, d1) -> (0, 0, 0)>
module attributes {stable_mosaic.version = 14 : i64} {
  func.func @_agg_sc(%arg0: i32, %arg1: i32, %arg2: memref<10000x128xf32, #tpu.memory_space<hbm>>, %arg3: memref<320000xi32, #tpu.memory_space<hbm>>, %arg4: memref<320000xi32, #tpu.memory_space<hbm>>, %arg5: memref<16x625x128xf32, #tpu.memory_space<hbm>>, %arg6: memref<32x625x128xf32, #tpu.memory_space<hbm>>, %arg7: memref<80xi32, #tpu.memory_space<vmem>>, %arg8: memref<80xi32, #tpu.memory_space<vmem>>, %arg9: memref<80xi32, #tpu.memory_space<vmem>>, %arg10: memref<80xi32, #tpu.memory_space<vmem>>, %arg11: memref<80x128xf32, #tpu.memory_space<vmem>>, %arg12: memref<80x128xf32, #tpu.memory_space<vmem>>, %arg13: memref<10000x128xf32, #tpu.memory_space<vmem_shared>>, %arg14: memref<!tpu.dma_semaphore, #tpu.memory_space<semaphore_mem>>, %arg15: memref<!tpu.dma_semaphore, #tpu.memory_space<semaphore_mem>>, %arg16: memref<!tpu.dma_semaphore, #tpu.memory_space<semaphore_mem>>, %arg17: memref<!tpu.dma_semaphore, #tpu.memory_space<semaphore_mem>>, %arg18: memref<!tpu.dma_semaphore, #tpu.memory_space<semaphore_mem>>, %arg19: memref<!tpu.dma_semaphore, #tpu.memory_space<semaphore_mem>>) attributes {dimension_semantics = [#tpu.dimension_semantics<core_parallel>, #tpu.dimension_semantics<subcore_parallel>], iteration_bounds = array<i64: 2, 16>, scalar_prefetch = 0 : i64, scratch_operands = 13 : i64, tpu.core_type = #tpu.core_type<sc_vector_subcore>, window_params = [{transform_indices = #map}, {transform_indices = #map1}, {transform_indices = #map1}, {transform_indices = #map2}, {transform_indices = #map2}]} {
    %mul3A = arith.constant 16 : i32
    %mul3A_0 = arith.muli %arg0, %mul3A : i32
    %add3A = arith.addi %mul3A_0, %arg1 : i32
    %mul3A_1 = arith.constant 625 : i32
    %mul3A_2 = arith.muli %arg1, %mul3A_1 : i32
    "tpu.region"() ({
      %run_scoped3A = tpu.sem_alloc : memref<!tpu.dma_semaphore, #tpu.memory_space<semaphore_mem>>
      %dma_start3A_39 = arith.constant 0 : i32
      %dma_start3A_40 = tpu.memref_slice %arg13[%mul3A_2, %dma_start3A_39] : memref<10000x128xf32, #tpu.memory_space<vmem_shared>> -> memref<625x128xf32, #tpu.memory_space<vmem_shared>>
      %dma_start3A_41 = arith.constant 0 : i32
      %dma_start3A_42 = arith.constant 0 : i32
      %dma_start3A_43 = tpu.memref_slice %arg5[%arg1, %dma_start3A_41, %dma_start3A_42] : memref<16x625x128xf32, #tpu.memory_space<hbm>> -> memref<1x625x128xf32, #tpu.memory_space<hbm>>
      %dma_start3A_44 = tpu.memref_squeeze %dma_start3A_43 : memref<1x625x128xf32, #tpu.memory_space<hbm>> -> memref<625x128xf32, #tpu.memory_space<hbm>>
      tpu.enqueue_dma source(%dma_start3A_44 : memref<625x128xf32, #tpu.memory_space<hbm>>) target(%dma_start3A_40 : memref<625x128xf32, #tpu.memory_space<vmem_shared>>) target_semaphore(%run_scoped3A : memref<!tpu.dma_semaphore, #tpu.memory_space<semaphore_mem>>)
      %dma_wait3A_45 = arith.constant 0 : i32
      %dma_wait3A_46 = tpu.memref_slice %arg13[%mul3A_2, %dma_wait3A_45] : memref<10000x128xf32, #tpu.memory_space<vmem_shared>> -> memref<625x128xf32, #tpu.memory_space<vmem_shared>>
      %dma_wait3A_47 = arith.constant 0 : i32
      %dma_wait3A_48 = arith.constant 0 : i32
      %dma_wait3A_49 = tpu.memref_slice %arg5[%arg1, %dma_wait3A_47, %dma_wait3A_48] : memref<16x625x128xf32, #tpu.memory_space<hbm>> -> memref<1x625x128xf32, #tpu.memory_space<hbm>>
      %dma_wait3A_50 = tpu.memref_squeeze %dma_wait3A_49 : memref<1x625x128xf32, #tpu.memory_space<hbm>> -> memref<625x128xf32, #tpu.memory_space<hbm>>
      tpu.wait_dma2 semaphore(%run_scoped3A : memref<!tpu.dma_semaphore, #tpu.memory_space<semaphore_mem>>) src(%dma_wait3A_50 : memref<625x128xf32, #tpu.memory_space<hbm>>) dst(%dma_wait3A_46 : memref<625x128xf32, #tpu.memory_space<vmem_shared>>)
      tpu.yield
    }) : () -> ()
    %barrier3A = arith.constant 0 : index
    tpu.barrier barrier_id(%barrier3A)
    %mul3A_3 = arith.constant 10000 : i32
    %mul3A_4 = arith.muli %add3A, %mul3A_3 : i32
    %add3A_5 = arith.constant 0 : i32
    %add3A_6 = arith.addi %mul3A_4, %add3A_5 : i32
    %add3A_7 = arith.constant 0 : i32
    %add3A_8 = arith.addi %mul3A_4, %add3A_7 : i32
    %dma_start3A = tpu.memref_slice %arg3[%add3A_6] : memref<320000xi32, #tpu.memory_space<hbm>> -> memref<80xi32, #tpu.memory_space<hbm>>
    %dma_start3A_9 = tpu.memref_slice %arg3[%add3A_6] : memref<320000xi32, #tpu.memory_space<hbm>> -> memref<80xi32, #tpu.memory_space<hbm>>
    tpu.enqueue_dma source(%dma_start3A_9 : memref<80xi32, #tpu.memory_space<hbm>>) target(%arg7 : memref<80xi32, #tpu.memory_space<vmem>>) target_semaphore(%arg14 : memref<!tpu.dma_semaphore, #tpu.memory_space<semaphore_mem>>)
    %dma_start3A_10 = tpu.memref_slice %arg4[%add3A_8] : memref<320000xi32, #tpu.memory_space<hbm>> -> memref<80xi32, #tpu.memory_space<hbm>>
    %dma_start3A_11 = tpu.memref_slice %arg4[%add3A_8] : memref<320000xi32, #tpu.memory_space<hbm>> -> memref<80xi32, #tpu.memory_space<hbm>>
    tpu.enqueue_dma source(%dma_start3A_11 : memref<80xi32, #tpu.memory_space<hbm>>) target(%arg8 : memref<80xi32, #tpu.memory_space<vmem>>) target_semaphore(%arg15 : memref<!tpu.dma_semaphore, #tpu.memory_space<semaphore_mem>>)
    %add3A_12 = arith.constant 80 : i32
    %add3A_13 = arith.addi %mul3A_4, %add3A_12 : i32
    %add3A_14 = arith.constant 80 : i32
    %add3A_15 = arith.addi %mul3A_4, %add3A_14 : i32
    %dma_start3A_16 = tpu.memref_slice %arg3[%add3A_13] : memref<320000xi32, #tpu.memory_space<hbm>> -> memref<80xi32, #tpu.memory_space<hbm>>
    %dma_start3A_17 = tpu.memref_slice %arg3[%add3A_13] : memref<320000xi32, #tpu.memory_space<hbm>> -> memref<80xi32, #tpu.memory_space<hbm>>
    tpu.enqueue_dma source(%dma_start3A_17 : memref<80xi32, #tpu.memory_space<hbm>>) target(%arg9 : memref<80xi32, #tpu.memory_space<vmem>>) target_semaphore(%arg17 : memref<!tpu.dma_semaphore, #tpu.memory_space<semaphore_mem>>)
    %dma_start3A_18 = tpu.memref_slice %arg4[%add3A_15] : memref<320000xi32, #tpu.memory_space<hbm>> -> memref<80xi32, #tpu.memory_space<hbm>>
    %dma_start3A_19 = tpu.memref_slice %arg4[%add3A_15] : memref<320000xi32, #tpu.memory_space<hbm>> -> memref<80xi32, #tpu.memory_space<hbm>>
    tpu.enqueue_dma source(%dma_start3A_19 : memref<80xi32, #tpu.memory_space<hbm>>) target(%arg10 : memref<80xi32, #tpu.memory_space<vmem>>) target_semaphore(%arg18 : memref<!tpu.dma_semaphore, #tpu.memory_space<semaphore_mem>>)
    %dma_wait3A = tpu.memref_slice %arg3[%mul3A_4] : memref<320000xi32, #tpu.memory_space<hbm>> -> memref<80xi32, #tpu.memory_space<hbm>>
    %dma_wait3A_20 = tpu.memref_slice %arg3[%mul3A_4] : memref<320000xi32, #tpu.memory_space<hbm>> -> memref<80xi32, #tpu.memory_space<hbm>>
    tpu.wait_dma2 semaphore(%arg14 : memref<!tpu.dma_semaphore, #tpu.memory_space<semaphore_mem>>) src(%dma_wait3A_20 : memref<80xi32, #tpu.memory_space<hbm>>) dst(%arg7 : memref<80xi32, #tpu.memory_space<vmem>>)
    %dma_start3A_21 = arith.constant 0 : i32
    %dma_start3A_22 = arith.constant 0 : i32
    %dma_start3A_23 = tpu.memref_slice %arg2[%dma_start3A_21, %dma_start3A_22] : memref<10000x128xf32, #tpu.memory_space<hbm>> -> memref<10000x128xf32, #tpu.memory_space<hbm>>
    tpu.enqueue_indirect_dma source(%dma_start3A_23 : memref<10000x128xf32, #tpu.memory_space<hbm>>) target(%arg11 : memref<80x128xf32, #tpu.memory_space<vmem>>) offsets(%arg7 : memref<80xi32, #tpu.memory_space<vmem>>) semaphore(%arg16 : memref<!tpu.dma_semaphore, #tpu.memory_space<semaphore_mem>>)
    %scan3A = arith.constant 0 : i32
    %scan3A_24 = arith.constant 0 : i32
    %scan3A_25 = arith.constant 62 : i32
    %scan3A_26 = arith.addi %scan3A_24, %scan3A_25 : i32
    %scan3A_27 = arith.constant 1 : i32
    scf.for %scan3A_39 = %scan3A_24 to %scan3A_26 step %scan3A_27  : i32 {
      %mul3A_40 = arith.constant 2 : i32
      %mul3A_41 = arith.muli %mul3A_40, %scan3A_39 : i32
      %mul3A_42 = arith.constant 2 : i32
      %mul3A_43 = arith.muli %mul3A_42, %scan3A_39 : i32
      %add3A_44 = arith.constant 1 : i32
      %add3A_45 = arith.addi %mul3A_43, %add3A_44 : i32
      %mul3A_46 = arith.constant 80 : i32
      %mul3A_47 = arith.muli %add3A_45, %mul3A_46 : i32
      %add3A_48 = arith.addi %mul3A_4, %mul3A_47 : i32
      %dma_wait3A_49 = tpu.memref_slice %arg3[%add3A_48] : memref<320000xi32, #tpu.memory_space<hbm>> -> memref<80xi32, #tpu.memory_space<hbm>>
      %dma_wait3A_50 = tpu.memref_slice %arg3[%add3A_48] : memref<320000xi32, #tpu.memory_space<hbm>> -> memref<80xi32, #tpu.memory_space<hbm>>
      tpu.wait_dma2 semaphore(%arg17 : memref<!tpu.dma_semaphore, #tpu.memory_space<semaphore_mem>>) src(%dma_wait3A_50 : memref<80xi32, #tpu.memory_space<hbm>>) dst(%arg9 : memref<80xi32, #tpu.memory_space<vmem>>)
      %dma_start3A_51 = arith.constant 0 : i32
      %dma_start3A_52 = arith.constant 0 : i32
      %dma_start3A_53 = tpu.memref_slice %arg2[%dma_start3A_51, %dma_start3A_52] : memref<10000x128xf32, #tpu.memory_space<hbm>> -> memref<10000x128xf32, #tpu.memory_space<hbm>>
      tpu.enqueue_indirect_dma source(%dma_start3A_53 : memref<10000x128xf32, #tpu.memory_space<hbm>>) target(%arg12 : memref<80x128xf32, #tpu.memory_space<vmem>>) offsets(%arg9 : memref<80xi32, #tpu.memory_space<vmem>>) semaphore(%arg19 : memref<!tpu.dma_semaphore, #tpu.memory_space<semaphore_mem>>)
      %dma_wait3A_54 = arith.constant 0 : i32
      %dma_wait3A_55 = arith.constant 0 : i32
      %dma_wait3A_56 = tpu.memref_slice %arg2[%dma_wait3A_54, %dma_wait3A_55] : memref<10000x128xf32, #tpu.memory_space<hbm>> -> memref<10000x128xf32, #tpu.memory_space<hbm>>
      tpu.wait_indirect_dma semaphore(%arg16 : memref<!tpu.dma_semaphore, #tpu.memory_space<semaphore_mem>>) src(%dma_wait3A_56 : memref<10000x128xf32, #tpu.memory_space<hbm>>) dst(%arg11 : memref<80x128xf32, #tpu.memory_space<vmem>>)
      %mul3A_57 = arith.constant 80 : i32
      %mul3A_58 = arith.muli %mul3A_41, %mul3A_57 : i32
      %add3A_59 = arith.addi %mul3A_4, %mul3A_58 : i32
      %dma_wait3A_60 = tpu.memref_slice %arg4[%add3A_59] : memref<320000xi32, #tpu.memory_space<hbm>> -> memref<80xi32, #tpu.memory_space<hbm>>
      %dma_wait3A_61 = tpu.memref_slice %arg4[%add3A_59] : memref<320000xi32, #tpu.memory_space<hbm>> -> memref<80xi32, #tpu.memory_space<hbm>>
      tpu.wait_dma2 semaphore(%arg15 : memref<!tpu.dma_semaphore, #tpu.memory_space<semaphore_mem>>) src(%dma_wait3A_61 : memref<80xi32, #tpu.memory_space<hbm>>) dst(%arg8 : memref<80xi32, #tpu.memory_space<vmem>>)
      "tpu.region"() ({
        %run_scoped3A = tpu.sem_alloc : memref<!tpu.dma_semaphore, #tpu.memory_space<semaphore_mem>>
        %dma_start3A_96 = arith.constant 0 : i32
        %dma_start3A_97 = arith.constant 0 : i32
        %dma_start3A_98 = tpu.memref_slice %arg13[%dma_start3A_96, %dma_start3A_97] : memref<10000x128xf32, #tpu.memory_space<vmem_shared>> -> memref<10000x128xf32, #tpu.memory_space<vmem_shared>>
        tpu.enqueue_indirect_dma source(%arg11 : memref<80x128xf32, #tpu.memory_space<vmem>>) target(%dma_start3A_98 : memref<10000x128xf32, #tpu.memory_space<vmem_shared>>) offsets(%arg8 : memref<80xi32, #tpu.memory_space<vmem>>) semaphore(%run_scoped3A : memref<!tpu.dma_semaphore, #tpu.memory_space<semaphore_mem>>) {add = true}
        %dma_wait3A_99 = arith.constant 0 : i32
        %dma_wait3A_100 = arith.constant 0 : i32
        %dma_wait3A_101 = tpu.memref_slice %arg13[%dma_wait3A_99, %dma_wait3A_100] : memref<10000x128xf32, #tpu.memory_space<vmem_shared>> -> memref<10000x128xf32, #tpu.memory_space<vmem_shared>>
        tpu.wait_indirect_dma semaphore(%run_scoped3A : memref<!tpu.dma_semaphore, #tpu.memory_space<semaphore_mem>>) src(%arg11 : memref<80x128xf32, #tpu.memory_space<vmem>>) dst(%dma_wait3A_101 : memref<10000x128xf32, #tpu.memory_space<vmem_shared>>)
        tpu.yield
      }) : () -> ()
      %add3A_62 = arith.constant 2 : i32
      %add3A_63 = arith.addi %mul3A_41, %add3A_62 : i32
      %mul3A_64 = arith.constant 80 : i32
      %mul3A_65 = arith.muli %add3A_63, %mul3A_64 : i32
      %add3A_66 = arith.addi %mul3A_4, %mul3A_65 : i32
      %mul3A_67 = arith.constant 80 : i32
      %mul3A_68 = arith.muli %add3A_63, %mul3A_67 : i32
      %add3A_69 = arith.addi %mul3A_4, %mul3A_68 : i32
      %dma_start3A_70 = tpu.memref_slice %arg3[%add3A_66] : memref<320000xi32, #tpu.memory_space<hbm>> -> memref<80xi32, #tpu.memory_space<hbm>>
      %dma_start3A_71 = tpu.memref_slice %arg3[%add3A_66] : memref<320000xi32, #tpu.memory_space<hbm>> -> memref<80xi32, #tpu.memory_space<hbm>>
      tpu.enqueue_dma source(%dma_start3A_71 : memref<80xi32, #tpu.memory_space<hbm>>) target(%arg7 : memref<80xi32, #tpu.memory_space<vmem>>) target_semaphore(%arg14 : memref<!tpu.dma_semaphore, #tpu.memory_space<semaphore_mem>>)
      %dma_start3A_72 = tpu.memref_slice %arg4[%add3A_69] : memref<320000xi32, #tpu.memory_space<hbm>> -> memref<80xi32, #tpu.memory_space<hbm>>
      %dma_start3A_73 = tpu.memref_slice %arg4[%add3A_69] : memref<320000xi32, #tpu.memory_space<hbm>> -> memref<80xi32, #tpu.memory_space<hbm>>
      tpu.enqueue_dma source(%dma_start3A_73 : memref<80xi32, #tpu.memory_space<hbm>>) target(%arg8 : memref<80xi32, #tpu.memory_space<vmem>>) target_semaphore(%arg15 : memref<!tpu.dma_semaphore, #tpu.memory_space<semaphore_mem>>)
      %dma_wait3A_74 = arith.constant 0 : i32
      %dma_wait3A_75 = arith.constant 0 : i32
      %dma_wait3A_76 = tpu.memref_slice %arg2[%dma_wait3A_74, %dma_wait3A_75] : memref<10000x128xf32, #tpu.memory_space<hbm>> -> memref<10000x128xf32, #tpu.memory_space<hbm>>
      tpu.wait_indirect_dma semaphore(%arg19 : memref<!tpu.dma_semaphore, #tpu.memory_space<semaphore_mem>>) src(%dma_wait3A_76 : memref<10000x128xf32, #tpu.memory_space<hbm>>) dst(%arg12 : memref<80x128xf32, #tpu.memory_space<vmem>>)
      %mul3A_77 = arith.constant 80 : i32
      %mul3A_78 = arith.muli %add3A_45, %mul3A_77 : i32
      %add3A_79 = arith.addi %mul3A_4, %mul3A_78 : i32
      %dma_wait3A_80 = tpu.memref_slice %arg4[%add3A_79] : memref<320000xi32, #tpu.memory_space<hbm>> -> memref<80xi32, #tpu.memory_space<hbm>>
      %dma_wait3A_81 = tpu.memref_slice %arg4[%add3A_79] : memref<320000xi32, #tpu.memory_space<hbm>> -> memref<80xi32, #tpu.memory_space<hbm>>
      tpu.wait_dma2 semaphore(%arg18 : memref<!tpu.dma_semaphore, #tpu.memory_space<semaphore_mem>>) src(%dma_wait3A_81 : memref<80xi32, #tpu.memory_space<hbm>>) dst(%arg10 : memref<80xi32, #tpu.memory_space<vmem>>)
      "tpu.region"() ({
        %run_scoped3A = tpu.sem_alloc : memref<!tpu.dma_semaphore, #tpu.memory_space<semaphore_mem>>
        %dma_start3A_96 = arith.constant 0 : i32
        %dma_start3A_97 = arith.constant 0 : i32
        %dma_start3A_98 = tpu.memref_slice %arg13[%dma_start3A_96, %dma_start3A_97] : memref<10000x128xf32, #tpu.memory_space<vmem_shared>> -> memref<10000x128xf32, #tpu.memory_space<vmem_shared>>
        tpu.enqueue_indirect_dma source(%arg12 : memref<80x128xf32, #tpu.memory_space<vmem>>) target(%dma_start3A_98 : memref<10000x128xf32, #tpu.memory_space<vmem_shared>>) offsets(%arg10 : memref<80xi32, #tpu.memory_space<vmem>>) semaphore(%run_scoped3A : memref<!tpu.dma_semaphore, #tpu.memory_space<semaphore_mem>>) {add = true}
        %dma_wait3A_99 = arith.constant 0 : i32
        %dma_wait3A_100 = arith.constant 0 : i32
        %dma_wait3A_101 = tpu.memref_slice %arg13[%dma_wait3A_99, %dma_wait3A_100] : memref<10000x128xf32, #tpu.memory_space<vmem_shared>> -> memref<10000x128xf32, #tpu.memory_space<vmem_shared>>
        tpu.wait_indirect_dma semaphore(%run_scoped3A : memref<!tpu.dma_semaphore, #tpu.memory_space<semaphore_mem>>) src(%arg12 : memref<80x128xf32, #tpu.memory_space<vmem>>) dst(%dma_wait3A_101 : memref<10000x128xf32, #tpu.memory_space<vmem_shared>>)
        tpu.yield
      }) : () -> ()
      %add3A_82 = arith.constant 2 : i32
      %add3A_83 = arith.addi %add3A_45, %add3A_82 : i32
      %lt3A = arith.constant 125 : i32
      %lt3A_84 = arith.cmpi slt, %add3A_83, %lt3A : i32
      %convert_element_type3A = arith.extui %lt3A_84 : i1 to i32
      %cond3A = arith.constant 0 : i32
      %cond3A_85 = arith.cmpi ne, %convert_element_type3A, %cond3A : i32
      scf.if %cond3A_85 {
        %add3A_96 = arith.constant 2 : i32
        %add3A_97 = arith.addi %add3A_45, %add3A_96 : i32
        %mul3A_98 = arith.constant 80 : i32
        %mul3A_99 = arith.muli %add3A_97, %mul3A_98 : i32
        %add3A_100 = arith.addi %mul3A_4, %mul3A_99 : i32
        %mul3A_101 = arith.constant 80 : i32
        %mul3A_102 = arith.muli %add3A_97, %mul3A_101 : i32
        %add3A_103 = arith.addi %mul3A_4, %mul3A_102 : i32
        %dma_start3A_104 = tpu.memref_slice %arg3[%add3A_100] : memref<320000xi32, #tpu.memory_space<hbm>> -> memref<80xi32, #tpu.memory_space<hbm>>
        %dma_start3A_105 = tpu.memref_slice %arg3[%add3A_100] : memref<320000xi32, #tpu.memory_space<hbm>> -> memref<80xi32, #tpu.memory_space<hbm>>
        tpu.enqueue_dma source(%dma_start3A_105 : memref<80xi32, #tpu.memory_space<hbm>>) target(%arg9 : memref<80xi32, #tpu.memory_space<vmem>>) target_semaphore(%arg17 : memref<!tpu.dma_semaphore, #tpu.memory_space<semaphore_mem>>)
        %dma_start3A_106 = tpu.memref_slice %arg4[%add3A_103] : memref<320000xi32, #tpu.memory_space<hbm>> -> memref<80xi32, #tpu.memory_space<hbm>>
        %dma_start3A_107 = tpu.memref_slice %arg4[%add3A_103] : memref<320000xi32, #tpu.memory_space<hbm>> -> memref<80xi32, #tpu.memory_space<hbm>>
        tpu.enqueue_dma source(%dma_start3A_107 : memref<80xi32, #tpu.memory_space<hbm>>) target(%arg10 : memref<80xi32, #tpu.memory_space<vmem>>) target_semaphore(%arg18 : memref<!tpu.dma_semaphore, #tpu.memory_space<semaphore_mem>>)
      } else {
      }
      %add3A_86 = arith.constant 2 : i32
      %add3A_87 = arith.addi %mul3A_41, %add3A_86 : i32
      %mul3A_88 = arith.constant 80 : i32
      %mul3A_89 = arith.muli %add3A_87, %mul3A_88 : i32
      %add3A_90 = arith.addi %mul3A_4, %mul3A_89 : i32
      %dma_wait3A_91 = tpu.memref_slice %arg3[%add3A_90] : memref<320000xi32, #tpu.memory_space<hbm>> -> memref<80xi32, #tpu.memory_space<hbm>>
      %dma_wait3A_92 = tpu.memref_slice %arg3[%add3A_90] : memref<320000xi32, #tpu.memory_space<hbm>> -> memref<80xi32, #tpu.memory_space<hbm>>
      tpu.wait_dma2 semaphore(%arg14 : memref<!tpu.dma_semaphore, #tpu.memory_space<semaphore_mem>>) src(%dma_wait3A_92 : memref<80xi32, #tpu.memory_space<hbm>>) dst(%arg7 : memref<80xi32, #tpu.memory_space<vmem>>)
      %dma_start3A_93 = arith.constant 0 : i32
      %dma_start3A_94 = arith.constant 0 : i32
      %dma_start3A_95 = tpu.memref_slice %arg2[%dma_start3A_93, %dma_start3A_94] : memref<10000x128xf32, #tpu.memory_space<hbm>> -> memref<10000x128xf32, #tpu.memory_space<hbm>>
      tpu.enqueue_indirect_dma source(%dma_start3A_95 : memref<10000x128xf32, #tpu.memory_space<hbm>>) target(%arg11 : memref<80x128xf32, #tpu.memory_space<vmem>>) offsets(%arg7 : memref<80xi32, #tpu.memory_space<vmem>>) semaphore(%arg16 : memref<!tpu.dma_semaphore, #tpu.memory_space<semaphore_mem>>)
    }
    %scan3A_28 = arith.constant 62 : i32
    %dma_wait3A_29 = arith.constant 0 : i32
    %dma_wait3A_30 = arith.constant 0 : i32
    %dma_wait3A_31 = tpu.memref_slice %arg2[%dma_wait3A_29, %dma_wait3A_30] : memref<10000x128xf32, #tpu.memory_space<hbm>> -> memref<10000x128xf32, #tpu.memory_space<hbm>>
    tpu.wait_indirect_dma semaphore(%arg16 : memref<!tpu.dma_semaphore, #tpu.memory_space<semaphore_mem>>) src(%dma_wait3A_31 : memref<10000x128xf32, #tpu.memory_space<hbm>>) dst(%arg11 : memref<80x128xf32, #tpu.memory_space<vmem>>)
    %add3A_32 = arith.constant 9920 : i32
    %add3A_33 = arith.addi %mul3A_4, %add3A_32 : i32
    %dma_wait3A_34 = tpu.memref_slice %arg4[%add3A_33] : memref<320000xi32, #tpu.memory_space<hbm>> -> memref<80xi32, #tpu.memory_space<hbm>>
    %dma_wait3A_35 = tpu.memref_slice %arg4[%add3A_33] : memref<320000xi32, #tpu.memory_space<hbm>> -> memref<80xi32, #tpu.memory_space<hbm>>
    tpu.wait_dma2 semaphore(%arg15 : memref<!tpu.dma_semaphore, #tpu.memory_space<semaphore_mem>>) src(%dma_wait3A_35 : memref<80xi32, #tpu.memory_space<hbm>>) dst(%arg8 : memref<80xi32, #tpu.memory_space<vmem>>)
    "tpu.region"() ({
      %run_scoped3A = tpu.sem_alloc : memref<!tpu.dma_semaphore, #tpu.memory_space<semaphore_mem>>
      %dma_start3A_39 = arith.constant 0 : i32
      %dma_start3A_40 = arith.constant 0 : i32
      %dma_start3A_41 = tpu.memref_slice %arg13[%dma_start3A_39, %dma_start3A_40] : memref<10000x128xf32, #tpu.memory_space<vmem_shared>> -> memref<10000x128xf32, #tpu.memory_space<vmem_shared>>
      tpu.enqueue_indirect_dma source(%arg11 : memref<80x128xf32, #tpu.memory_space<vmem>>) target(%dma_start3A_41 : memref<10000x128xf32, #tpu.memory_space<vmem_shared>>) offsets(%arg8 : memref<80xi32, #tpu.memory_space<vmem>>) semaphore(%run_scoped3A : memref<!tpu.dma_semaphore, #tpu.memory_space<semaphore_mem>>) {add = true}
      %dma_wait3A_42 = arith.constant 0 : i32
      %dma_wait3A_43 = arith.constant 0 : i32
      %dma_wait3A_44 = tpu.memref_slice %arg13[%dma_wait3A_42, %dma_wait3A_43] : memref<10000x128xf32, #tpu.memory_space<vmem_shared>> -> memref<10000x128xf32, #tpu.memory_space<vmem_shared>>
      tpu.wait_indirect_dma semaphore(%run_scoped3A : memref<!tpu.dma_semaphore, #tpu.memory_space<semaphore_mem>>) src(%arg11 : memref<80x128xf32, #tpu.memory_space<vmem>>) dst(%dma_wait3A_44 : memref<10000x128xf32, #tpu.memory_space<vmem_shared>>)
      tpu.yield
    }) : () -> ()
    %barrier3A_36 = arith.constant 0 : index
    tpu.barrier barrier_id(%barrier3A_36)
    %mul3A_37 = arith.constant 625 : i32
    %mul3A_38 = arith.muli %arg1, %mul3A_37 : i32
    "tpu.region"() ({
      %run_scoped3A = tpu.sem_alloc : memref<!tpu.dma_semaphore, #tpu.memory_space<semaphore_mem>>
      %dma_start3A_39 = arith.constant 0 : i32
      %dma_start3A_40 = arith.constant 0 : i32
      %dma_start3A_41 = tpu.memref_slice %arg6[%add3A, %dma_start3A_39, %dma_start3A_40] : memref<32x625x128xf32, #tpu.memory_space<hbm>> -> memref<1x625x128xf32, #tpu.memory_space<hbm>>
      %dma_start3A_42 = tpu.memref_squeeze %dma_start3A_41 : memref<1x625x128xf32, #tpu.memory_space<hbm>> -> memref<625x128xf32, #tpu.memory_space<hbm>>
      %dma_start3A_43 = arith.constant 0 : i32
      %dma_start3A_44 = tpu.memref_slice %arg13[%mul3A_38, %dma_start3A_43] : memref<10000x128xf32, #tpu.memory_space<vmem_shared>> -> memref<625x128xf32, #tpu.memory_space<vmem_shared>>
      tpu.enqueue_dma source(%dma_start3A_44 : memref<625x128xf32, #tpu.memory_space<vmem_shared>>) target(%dma_start3A_42 : memref<625x128xf32, #tpu.memory_space<hbm>>) target_semaphore(%run_scoped3A : memref<!tpu.dma_semaphore, #tpu.memory_space<semaphore_mem>>)
      %dma_wait3A_45 = arith.constant 0 : i32
      %dma_wait3A_46 = arith.constant 0 : i32
      %dma_wait3A_47 = tpu.memref_slice %arg6[%add3A, %dma_wait3A_45, %dma_wait3A_46] : memref<32x625x128xf32, #tpu.memory_space<hbm>> -> memref<1x625x128xf32, #tpu.memory_space<hbm>>
      %dma_wait3A_48 = tpu.memref_squeeze %dma_wait3A_47 : memref<1x625x128xf32, #tpu.memory_space<hbm>> -> memref<625x128xf32, #tpu.memory_space<hbm>>
      %dma_wait3A_49 = arith.constant 0 : i32
      %dma_wait3A_50 = tpu.memref_slice %arg13[%mul3A_38, %dma_wait3A_49] : memref<10000x128xf32, #tpu.memory_space<vmem_shared>> -> memref<625x128xf32, #tpu.memory_space<vmem_shared>>
      tpu.wait_dma2 semaphore(%run_scoped3A : memref<!tpu.dma_semaphore, #tpu.memory_space<semaphore_mem>>) src(%dma_wait3A_50 : memref<625x128xf32, #tpu.memory_space<vmem_shared>>) dst(%dma_wait3A_48 : memref<625x128xf32, #tpu.memory_space<hbm>>)
      tpu.yield
    }) : () -> ()
    return
  }
}

#map = affine_map<(d0, d1) -> (0, 0)>
#map1 = affine_map<(d0, d1) -> (0)>
#map2 = affine_map<(d0, d1) -> (0, 0, 0)>
module attributes {stable_mosaic.version = 14 : i64} {
  func.func @_agg_sc(%arg0: i32, %arg1: i32, %arg2: memref<10000x128xf32, #tpu.memory_space<hbm>>, %arg3: memref<320000xi32, #tpu.memory_space<hbm>>, %arg4: memref<320000xi32, #tpu.memory_space<hbm>>, %arg5: memref<16x625x128xf32, #tpu.memory_space<hbm>>, %arg6: memref<32x625x128xf32, #tpu.memory_space<hbm>>, %arg7: memref<80xi32, #tpu.memory_space<vmem>>, %arg8: memref<80xi32, #tpu.memory_space<vmem>>, %arg9: memref<80xi32, #tpu.memory_space<vmem>>, %arg10: memref<80xi32, #tpu.memory_space<vmem>>, %arg11: memref<80x128xf32, #tpu.memory_space<vmem>>, %arg12: memref<80x128xf32, #tpu.memory_space<vmem>>, %arg13: memref<10000x128xf32, #tpu.memory_space<vmem_shared>>, %arg14: memref<!tpu.dma_semaphore, #tpu.memory_space<semaphore_mem>>, %arg15: memref<!tpu.dma_semaphore, #tpu.memory_space<semaphore_mem>>, %arg16: memref<!tpu.dma_semaphore, #tpu.memory_space<semaphore_mem>>, %arg17: memref<!tpu.dma_semaphore, #tpu.memory_space<semaphore_mem>>, %arg18: memref<!tpu.dma_semaphore, #tpu.memory_space<semaphore_mem>>, %arg19: memref<!tpu.dma_semaphore, #tpu.memory_space<semaphore_mem>>) attributes {dimension_semantics = [#tpu.dimension_semantics<core_parallel>, #tpu.dimension_semantics<subcore_parallel>], iteration_bounds = array<i64: 2, 16>, scalar_prefetch = 0 : i64, scratch_operands = 13 : i64, tpu.core_type = #tpu.core_type<sc_vector_subcore>, window_params = [{transform_indices = #map}, {transform_indices = #map1}, {transform_indices = #map1}, {transform_indices = #map2}, {transform_indices = #map2}]} {
    %mul3A = arith.constant 16 : i32
    %mul3A_0 = arith.muli %arg0, %mul3A : i32
    %add3A = arith.addi %mul3A_0, %arg1 : i32
    %mul3A_1 = arith.constant 625 : i32
    %mul3A_2 = arith.muli %arg1, %mul3A_1 : i32
    "tpu.region"() ({
      %run_scoped3A = tpu.sem_alloc : memref<!tpu.dma_semaphore, #tpu.memory_space<semaphore_mem>>
      %dma_start3A_39 = arith.constant 0 : i32
      %dma_start3A_40 = tpu.memref_slice %arg13[%mul3A_2, %dma_start3A_39] : memref<10000x128xf32, #tpu.memory_space<vmem_shared>> -> memref<625x128xf32, #tpu.memory_space<vmem_shared>>
      %dma_start3A_41 = arith.constant 0 : i32
      %dma_start3A_42 = arith.constant 0 : i32
      %dma_start3A_43 = tpu.memref_slice %arg5[%arg1, %dma_start3A_41, %dma_start3A_42] : memref<16x625x128xf32, #tpu.memory_space<hbm>> -> memref<1x625x128xf32, #tpu.memory_space<hbm>>
      %dma_start3A_44 = tpu.memref_squeeze %dma_start3A_43 : memref<1x625x128xf32, #tpu.memory_space<hbm>> -> memref<625x128xf32, #tpu.memory_space<hbm>>
      tpu.enqueue_dma source(%dma_start3A_44 : memref<625x128xf32, #tpu.memory_space<hbm>>) target(%dma_start3A_40 : memref<625x128xf32, #tpu.memory_space<vmem_shared>>) target_semaphore(%run_scoped3A : memref<!tpu.dma_semaphore, #tpu.memory_space<semaphore_mem>>)
      %dma_wait3A_45 = arith.constant 0 : i32
      %dma_wait3A_46 = tpu.memref_slice %arg13[%mul3A_2, %dma_wait3A_45] : memref<10000x128xf32, #tpu.memory_space<vmem_shared>> -> memref<625x128xf32, #tpu.memory_space<vmem_shared>>
      %dma_wait3A_47 = arith.constant 0 : i32
      %dma_wait3A_48 = arith.constant 0 : i32
      %dma_wait3A_49 = tpu.memref_slice %arg5[%arg1, %dma_wait3A_47, %dma_wait3A_48] : memref<16x625x128xf32, #tpu.memory_space<hbm>> -> memref<1x625x128xf32, #tpu.memory_space<hbm>>
      %dma_wait3A_50 = tpu.memref_squeeze %dma_wait3A_49 : memref<1x625x128xf32, #tpu.memory_space<hbm>> -> memref<625x128xf32, #tpu.memory_space<hbm>>
      tpu.wait_dma2 semaphore(%run_scoped3A : memref<!tpu.dma_semaphore, #tpu.memory_space<semaphore_mem>>) src(%dma_wait3A_50 : memref<625x128xf32, #tpu.memory_space<hbm>>) dst(%dma_wait3A_46 : memref<625x128xf32, #tpu.memory_space<vmem_shared>>)
      tpu.yield
    }) : () -> ()
    %barrier3A = arith.constant 0 : index
    tpu.barrier barrier_id(%barrier3A)
    %mul3A_3 = arith.constant 10000 : i32
    %mul3A_4 = arith.muli %add3A, %mul3A_3 : i32
    %add3A_5 = arith.constant 0 : i32
    %add3A_6 = arith.addi %mul3A_4, %add3A_5 : i32
    %add3A_7 = arith.constant 0 : i32
    %add3A_8 = arith.addi %mul3A_4, %add3A_7 : i32
    %dma_start3A = tpu.memref_slice %arg3[%add3A_6] : memref<320000xi32, #tpu.memory_space<hbm>> -> memref<80xi32, #tpu.memory_space<hbm>>
    %dma_start3A_9 = tpu.memref_slice %arg3[%add3A_6] : memref<320000xi32, #tpu.memory_space<hbm>> -> memref<80xi32, #tpu.memory_space<hbm>>
    tpu.enqueue_dma source(%dma_start3A_9 : memref<80xi32, #tpu.memory_space<hbm>>) target(%arg7 : memref<80xi32, #tpu.memory_space<vmem>>) target_semaphore(%arg14 : memref<!tpu.dma_semaphore, #tpu.memory_space<semaphore_mem>>)
    %dma_start3A_10 = tpu.memref_slice %arg4[%add3A_8] : memref<320000xi32, #tpu.memory_space<hbm>> -> memref<80xi32, #tpu.memory_space<hbm>>
    %dma_start3A_11 = tpu.memref_slice %arg4[%add3A_8] : memref<320000xi32, #tpu.memory_space<hbm>> -> memref<80xi32, #tpu.memory_space<hbm>>
    tpu.enqueue_dma source(%dma_start3A_11 : memref<80xi32, #tpu.memory_space<hbm>>) target(%arg8 : memref<80xi32, #tpu.memory_space<vmem>>) target_semaphore(%arg15 : memref<!tpu.dma_semaphore, #tpu.memory_space<semaphore_mem>>)
    %add3A_12 = arith.constant 80 : i32
    %add3A_13 = arith.addi %mul3A_4, %add3A_12 : i32
    %add3A_14 = arith.constant 80 : i32
    %add3A_15 = arith.addi %mul3A_4, %add3A_14 : i32
    %dma_start3A_16 = tpu.memref_slice %arg3[%add3A_13] : memref<320000xi32, #tpu.memory_space<hbm>> -> memref<80xi32, #tpu.memory_space<hbm>>
    %dma_start3A_17 = tpu.memref_slice %arg3[%add3A_13] : memref<320000xi32, #tpu.memory_space<hbm>> -> memref<80xi32, #tpu.memory_space<hbm>>
    tpu.enqueue_dma source(%dma_start3A_17 : memref<80xi32, #tpu.memory_space<hbm>>) target(%arg9 : memref<80xi32, #tpu.memory_space<vmem>>) target_semaphore(%arg17 : memref<!tpu.dma_semaphore, #tpu.memory_space<semaphore_mem>>)
    %dma_start3A_18 = tpu.memref_slice %arg4[%add3A_15] : memref<320000xi32, #tpu.memory_space<hbm>> -> memref<80xi32, #tpu.memory_space<hbm>>
    %dma_start3A_19 = tpu.memref_slice %arg4[%add3A_15] : memref<320000xi32, #tpu.memory_space<hbm>> -> memref<80xi32, #tpu.memory_space<hbm>>
    tpu.enqueue_dma source(%dma_start3A_19 : memref<80xi32, #tpu.memory_space<hbm>>) target(%arg10 : memref<80xi32, #tpu.memory_space<vmem>>) target_semaphore(%arg18 : memref<!tpu.dma_semaphore, #tpu.memory_space<semaphore_mem>>)
    %dma_wait3A = tpu.memref_slice %arg3[%mul3A_4] : memref<320000xi32, #tpu.memory_space<hbm>> -> memref<80xi32, #tpu.memory_space<hbm>>
    %dma_wait3A_20 = tpu.memref_slice %arg3[%mul3A_4] : memref<320000xi32, #tpu.memory_space<hbm>> -> memref<80xi32, #tpu.memory_space<hbm>>
    tpu.wait_dma2 semaphore(%arg14 : memref<!tpu.dma_semaphore, #tpu.memory_space<semaphore_mem>>) src(%dma_wait3A_20 : memref<80xi32, #tpu.memory_space<hbm>>) dst(%arg7 : memref<80xi32, #tpu.memory_space<vmem>>)
    %dma_start3A_21 = arith.constant 0 : i32
    %dma_start3A_22 = arith.constant 0 : i32
    %dma_start3A_23 = tpu.memref_slice %arg2[%dma_start3A_21, %dma_start3A_22] : memref<10000x128xf32, #tpu.memory_space<hbm>> -> memref<10000x128xf32, #tpu.memory_space<hbm>>
    tpu.enqueue_indirect_dma source(%dma_start3A_23 : memref<10000x128xf32, #tpu.memory_space<hbm>>) target(%arg11 : memref<80x128xf32, #tpu.memory_space<vmem>>) offsets(%arg7 : memref<80xi32, #tpu.memory_space<vmem>>) semaphore(%arg16 : memref<!tpu.dma_semaphore, #tpu.memory_space<semaphore_mem>>)
    %scan3A = arith.constant 0 : i32
    %scan3A_24 = arith.constant 0 : i32
    %scan3A_25 = arith.constant 62 : i32
    %scan3A_26 = arith.addi %scan3A_24, %scan3A_25 : i32
    %scan3A_27 = arith.constant 1 : i32
    scf.for %scan3A_39 = %scan3A_24 to %scan3A_26 step %scan3A_27  : i32 {
      %mul3A_40 = arith.constant 2 : i32
      %mul3A_41 = arith.muli %mul3A_40, %scan3A_39 : i32
      %mul3A_42 = arith.constant 2 : i32
      %mul3A_43 = arith.muli %mul3A_42, %scan3A_39 : i32
      %add3A_44 = arith.constant 1 : i32
      %add3A_45 = arith.addi %mul3A_43, %add3A_44 : i32
      %mul3A_46 = arith.constant 80 : i32
      %mul3A_47 = arith.muli %add3A_45, %mul3A_46 : i32
      %add3A_48 = arith.addi %mul3A_4, %mul3A_47 : i32
      %dma_wait3A_49 = tpu.memref_slice %arg3[%add3A_48] : memref<320000xi32, #tpu.memory_space<hbm>> -> memref<80xi32, #tpu.memory_space<hbm>>
      %dma_wait3A_50 = tpu.memref_slice %arg3[%add3A_48] : memref<320000xi32, #tpu.memory_space<hbm>> -> memref<80xi32, #tpu.memory_space<hbm>>
      tpu.wait_dma2 semaphore(%arg17 : memref<!tpu.dma_semaphore, #tpu.memory_space<semaphore_mem>>) src(%dma_wait3A_50 : memref<80xi32, #tpu.memory_space<hbm>>) dst(%arg9 : memref<80xi32, #tpu.memory_space<vmem>>)
      %dma_start3A_51 = arith.constant 0 : i32
      %dma_start3A_52 = arith.constant 0 : i32
      %dma_start3A_53 = tpu.memref_slice %arg2[%dma_start3A_51, %dma_start3A_52] : memref<10000x128xf32, #tpu.memory_space<hbm>> -> memref<10000x128xf32, #tpu.memory_space<hbm>>
      tpu.enqueue_indirect_dma source(%dma_start3A_53 : memref<10000x128xf32, #tpu.memory_space<hbm>>) target(%arg12 : memref<80x128xf32, #tpu.memory_space<vmem>>) offsets(%arg9 : memref<80xi32, #tpu.memory_space<vmem>>) semaphore(%arg19 : memref<!tpu.dma_semaphore, #tpu.memory_space<semaphore_mem>>)
      %dma_wait3A_54 = arith.constant 0 : i32
      %dma_wait3A_55 = arith.constant 0 : i32
      %dma_wait3A_56 = tpu.memref_slice %arg2[%dma_wait3A_54, %dma_wait3A_55] : memref<10000x128xf32, #tpu.memory_space<hbm>> -> memref<10000x128xf32, #tpu.memory_space<hbm>>
      tpu.wait_indirect_dma semaphore(%arg16 : memref<!tpu.dma_semaphore, #tpu.memory_space<semaphore_mem>>) src(%dma_wait3A_56 : memref<10000x128xf32, #tpu.memory_space<hbm>>) dst(%arg11 : memref<80x128xf32, #tpu.memory_space<vmem>>)
      %mul3A_57 = arith.constant 80 : i32
      %mul3A_58 = arith.muli %mul3A_41, %mul3A_57 : i32
      %add3A_59 = arith.addi %mul3A_4, %mul3A_58 : i32
      %dma_wait3A_60 = tpu.memref_slice %arg4[%add3A_59] : memref<320000xi32, #tpu.memory_space<hbm>> -> memref<80xi32, #tpu.memory_space<hbm>>
      %dma_wait3A_61 = tpu.memref_slice %arg4[%add3A_59] : memref<320000xi32, #tpu.memory_space<hbm>> -> memref<80xi32, #tpu.memory_space<hbm>>
      tpu.wait_dma2 semaphore(%arg15 : memref<!tpu.dma_semaphore, #tpu.memory_space<semaphore_mem>>) src(%dma_wait3A_61 : memref<80xi32, #tpu.memory_space<hbm>>) dst(%arg8 : memref<80xi32, #tpu.memory_space<vmem>>)
      "tpu.region"() ({
        %run_scoped3A = tpu.sem_alloc : memref<!tpu.dma_semaphore, #tpu.memory_space<semaphore_mem>>
        %dma_start3A_96 = arith.constant 0 : i32
        %dma_start3A_97 = arith.constant 0 : i32
        %dma_start3A_98 = tpu.memref_slice %arg13[%dma_start3A_96, %dma_start3A_97] : memref<10000x128xf32, #tpu.memory_space<vmem_shared>> -> memref<10000x128xf32, #tpu.memory_space<vmem_shared>>
        tpu.enqueue_indirect_dma source(%arg11 : memref<80x128xf32, #tpu.memory_space<vmem>>) target(%dma_start3A_98 : memref<10000x128xf32, #tpu.memory_space<vmem_shared>>) offsets(%arg8 : memref<80xi32, #tpu.memory_space<vmem>>) semaphore(%run_scoped3A : memref<!tpu.dma_semaphore, #tpu.memory_space<semaphore_mem>>) {add = true}
        %dma_wait3A_99 = arith.constant 0 : i32
        %dma_wait3A_100 = arith.constant 0 : i32
        %dma_wait3A_101 = tpu.memref_slice %arg13[%dma_wait3A_99, %dma_wait3A_100] : memref<10000x128xf32, #tpu.memory_space<vmem_shared>> -> memref<10000x128xf32, #tpu.memory_space<vmem_shared>>
        tpu.wait_indirect_dma semaphore(%run_scoped3A : memref<!tpu.dma_semaphore, #tpu.memory_space<semaphore_mem>>) src(%arg11 : memref<80x128xf32, #tpu.memory_space<vmem>>) dst(%dma_wait3A_101 : memref<10000x128xf32, #tpu.memory_space<vmem_shared>>)
        tpu.yield
      }) : () -> ()
      %add3A_62 = arith.constant 2 : i32
      %add3A_63 = arith.addi %mul3A_41, %add3A_62 : i32
      %mul3A_64 = arith.constant 80 : i32
      %mul3A_65 = arith.muli %add3A_63, %mul3A_64 : i32
      %add3A_66 = arith.addi %mul3A_4, %mul3A_65 : i32
      %mul3A_67 = arith.constant 80 : i32
      %mul3A_68 = arith.muli %add3A_63, %mul3A_67 : i32
      %add3A_69 = arith.addi %mul3A_4, %mul3A_68 : i32
      %dma_start3A_70 = tpu.memref_slice %arg3[%add3A_66] : memref<320000xi32, #tpu.memory_space<hbm>> -> memref<80xi32, #tpu.memory_space<hbm>>
      %dma_start3A_71 = tpu.memref_slice %arg3[%add3A_66] : memref<320000xi32, #tpu.memory_space<hbm>> -> memref<80xi32, #tpu.memory_space<hbm>>
      tpu.enqueue_dma source(%dma_start3A_71 : memref<80xi32, #tpu.memory_space<hbm>>) target(%arg7 : memref<80xi32, #tpu.memory_space<vmem>>) target_semaphore(%arg14 : memref<!tpu.dma_semaphore, #tpu.memory_space<semaphore_mem>>)
      %dma_start3A_72 = tpu.memref_slice %arg4[%add3A_69] : memref<320000xi32, #tpu.memory_space<hbm>> -> memref<80xi32, #tpu.memory_space<hbm>>
      %dma_start3A_73 = tpu.memref_slice %arg4[%add3A_69] : memref<320000xi32, #tpu.memory_space<hbm>> -> memref<80xi32, #tpu.memory_space<hbm>>
      tpu.enqueue_dma source(%dma_start3A_73 : memref<80xi32, #tpu.memory_space<hbm>>) target(%arg8 : memref<80xi32, #tpu.memory_space<vmem>>) target_semaphore(%arg15 : memref<!tpu.dma_semaphore, #tpu.memory_space<semaphore_mem>>)
      %dma_wait3A_74 = arith.constant 0 : i32
      %dma_wait3A_75 = arith.constant 0 : i32
      %dma_wait3A_76 = tpu.memref_slice %arg2[%dma_wait3A_74, %dma_wait3A_75] : memref<10000x128xf32, #tpu.memory_space<hbm>> -> memref<10000x128xf32, #tpu.memory_space<hbm>>
      tpu.wait_indirect_dma semaphore(%arg19 : memref<!tpu.dma_semaphore, #tpu.memory_space<semaphore_mem>>) src(%dma_wait3A_76 : memref<10000x128xf32, #tpu.memory_space<hbm>>) dst(%arg12 : memref<80x128xf32, #tpu.memory_space<vmem>>)
      %mul3A_77 = arith.constant 80 : i32
      %mul3A_78 = arith.muli %add3A_45, %mul3A_77 : i32
      %add3A_79 = arith.addi %mul3A_4, %mul3A_78 : i32
      %dma_wait3A_80 = tpu.memref_slice %arg4[%add3A_79] : memref<320000xi32, #tpu.memory_space<hbm>> -> memref<80xi32, #tpu.memory_space<hbm>>
      %dma_wait3A_81 = tpu.memref_slice %arg4[%add3A_79] : memref<320000xi32, #tpu.memory_space<hbm>> -> memref<80xi32, #tpu.memory_space<hbm>>
      tpu.wait_dma2 semaphore(%arg18 : memref<!tpu.dma_semaphore, #tpu.memory_space<semaphore_mem>>) src(%dma_wait3A_81 : memref<80xi32, #tpu.memory_space<hbm>>) dst(%arg10 : memref<80xi32, #tpu.memory_space<vmem>>)
      "tpu.region"() ({
        %run_scoped3A = tpu.sem_alloc : memref<!tpu.dma_semaphore, #tpu.memory_space<semaphore_mem>>
        %dma_start3A_96 = arith.constant 0 : i32
        %dma_start3A_97 = arith.constant 0 : i32
        %dma_start3A_98 = tpu.memref_slice %arg13[%dma_start3A_96, %dma_start3A_97] : memref<10000x128xf32, #tpu.memory_space<vmem_shared>> -> memref<10000x128xf32, #tpu.memory_space<vmem_shared>>
        tpu.enqueue_indirect_dma source(%arg12 : memref<80x128xf32, #tpu.memory_space<vmem>>) target(%dma_start3A_98 : memref<10000x128xf32, #tpu.memory_space<vmem_shared>>) offsets(%arg10 : memref<80xi32, #tpu.memory_space<vmem>>) semaphore(%run_scoped3A : memref<!tpu.dma_semaphore, #tpu.memory_space<semaphore_mem>>) {add = true}
        %dma_wait3A_99 = arith.constant 0 : i32
        %dma_wait3A_100 = arith.constant 0 : i32
        %dma_wait3A_101 = tpu.memref_slice %arg13[%dma_wait3A_99, %dma_wait3A_100] : memref<10000x128xf32, #tpu.memory_space<vmem_shared>> -> memref<10000x128xf32, #tpu.memory_space<vmem_shared>>
        tpu.wait_indirect_dma semaphore(%run_scoped3A : memref<!tpu.dma_semaphore, #tpu.memory_space<semaphore_mem>>) src(%arg12 : memref<80x128xf32, #tpu.memory_space<vmem>>) dst(%dma_wait3A_101 : memref<10000x128xf32, #tpu.memory_space<vmem_shared>>)
        tpu.yield
      }) : () -> ()
      %add3A_82 = arith.constant 2 : i32
      %add3A_83 = arith.addi %add3A_45, %add3A_82 : i32
      %lt3A = arith.constant 125 : i32
      %lt3A_84 = arith.cmpi slt, %add3A_83, %lt3A : i32
      %convert_element_type3A = arith.extui %lt3A_84 : i1 to i32
      %cond3A = arith.constant 0 : i32
      %cond3A_85 = arith.cmpi ne, %convert_element_type3A, %cond3A : i32
      scf.if %cond3A_85 {
        %add3A_96 = arith.constant 2 : i32
        %add3A_97 = arith.addi %add3A_45, %add3A_96 : i32
        %mul3A_98 = arith.constant 80 : i32
        %mul3A_99 = arith.muli %add3A_97, %mul3A_98 : i32
        %add3A_100 = arith.addi %mul3A_4, %mul3A_99 : i32
        %mul3A_101 = arith.constant 80 : i32
        %mul3A_102 = arith.muli %add3A_97, %mul3A_101 : i32
        %add3A_103 = arith.addi %mul3A_4, %mul3A_102 : i32
        %dma_start3A_104 = tpu.memref_slice %arg3[%add3A_100] : memref<320000xi32, #tpu.memory_space<hbm>> -> memref<80xi32, #tpu.memory_space<hbm>>
        %dma_start3A_105 = tpu.memref_slice %arg3[%add3A_100] : memref<320000xi32, #tpu.memory_space<hbm>> -> memref<80xi32, #tpu.memory_space<hbm>>
        tpu.enqueue_dma source(%dma_start3A_105 : memref<80xi32, #tpu.memory_space<hbm>>) target(%arg9 : memref<80xi32, #tpu.memory_space<vmem>>) target_semaphore(%arg17 : memref<!tpu.dma_semaphore, #tpu.memory_space<semaphore_mem>>)
        %dma_start3A_106 = tpu.memref_slice %arg4[%add3A_103] : memref<320000xi32, #tpu.memory_space<hbm>> -> memref<80xi32, #tpu.memory_space<hbm>>
        %dma_start3A_107 = tpu.memref_slice %arg4[%add3A_103] : memref<320000xi32, #tpu.memory_space<hbm>> -> memref<80xi32, #tpu.memory_space<hbm>>
        tpu.enqueue_dma source(%dma_start3A_107 : memref<80xi32, #tpu.memory_space<hbm>>) target(%arg10 : memref<80xi32, #tpu.memory_space<vmem>>) target_semaphore(%arg18 : memref<!tpu.dma_semaphore, #tpu.memory_space<semaphore_mem>>)
      } else {
      }
      %add3A_86 = arith.constant 2 : i32
      %add3A_87 = arith.addi %mul3A_41, %add3A_86 : i32
      %mul3A_88 = arith.constant 80 : i32
      %mul3A_89 = arith.muli %add3A_87, %mul3A_88 : i32
      %add3A_90 = arith.addi %mul3A_4, %mul3A_89 : i32
      %dma_wait3A_91 = tpu.memref_slice %arg3[%add3A_90] : memref<320000xi32, #tpu.memory_space<hbm>> -> memref<80xi32, #tpu.memory_space<hbm>>
      %dma_wait3A_92 = tpu.memref_slice %arg3[%add3A_90] : memref<320000xi32, #tpu.memory_space<hbm>> -> memref<80xi32, #tpu.memory_space<hbm>>
      tpu.wait_dma2 semaphore(%arg14 : memref<!tpu.dma_semaphore, #tpu.memory_space<semaphore_mem>>) src(%dma_wait3A_92 : memref<80xi32, #tpu.memory_space<hbm>>) dst(%arg7 : memref<80xi32, #tpu.memory_space<vmem>>)
      %dma_start3A_93 = arith.constant 0 : i32
      %dma_start3A_94 = arith.constant 0 : i32
      %dma_start3A_95 = tpu.memref_slice %arg2[%dma_start3A_93, %dma_start3A_94] : memref<10000x128xf32, #tpu.memory_space<hbm>> -> memref<10000x128xf32, #tpu.memory_space<hbm>>
      tpu.enqueue_indirect_dma source(%dma_start3A_95 : memref<10000x128xf32, #tpu.memory_space<hbm>>) target(%arg11 : memref<80x128xf32, #tpu.memory_space<vmem>>) offsets(%arg7 : memref<80xi32, #tpu.memory_space<vmem>>) semaphore(%arg16 : memref<!tpu.dma_semaphore, #tpu.memory_space<semaphore_mem>>)
    }
    %scan3A_28 = arith.constant 62 : i32
    %dma_wait3A_29 = arith.constant 0 : i32
    %dma_wait3A_30 = arith.constant 0 : i32
    %dma_wait3A_31 = tpu.memref_slice %arg2[%dma_wait3A_29, %dma_wait3A_30] : memref<10000x128xf32, #tpu.memory_space<hbm>> -> memref<10000x128xf32, #tpu.memory_space<hbm>>
    tpu.wait_indirect_dma semaphore(%arg16 : memref<!tpu.dma_semaphore, #tpu.memory_space<semaphore_mem>>) src(%dma_wait3A_31 : memref<10000x128xf32, #tpu.memory_space<hbm>>) dst(%arg11 : memref<80x128xf32, #tpu.memory_space<vmem>>)
    %add3A_32 = arith.constant 9920 : i32
    %add3A_33 = arith.addi %mul3A_4, %add3A_32 : i32
    %dma_wait3A_34 = tpu.memref_slice %arg4[%add3A_33] : memref<320000xi32, #tpu.memory_space<hbm>> -> memref<80xi32, #tpu.memory_space<hbm>>
    %dma_wait3A_35 = tpu.memref_slice %arg4[%add3A_33] : memref<320000xi32, #tpu.memory_space<hbm>> -> memref<80xi32, #tpu.memory_space<hbm>>
    tpu.wait_dma2 semaphore(%arg15 : memref<!tpu.dma_semaphore, #tpu.memory_space<semaphore_mem>>) src(%dma_wait3A_35 : memref<80xi32, #tpu.memory_space<hbm>>) dst(%arg8 : memref<80xi32, #tpu.memory_space<vmem>>)
    "tpu.region"() ({
      %run_scoped3A = tpu.sem_alloc : memref<!tpu.dma_semaphore, #tpu.memory_space<semaphore_mem>>
      %dma_start3A_39 = arith.constant 0 : i32
      %dma_start3A_40 = arith.constant 0 : i32
      %dma_start3A_41 = tpu.memref_slice %arg13[%dma_start3A_39, %dma_start3A_40] : memref<10000x128xf32, #tpu.memory_space<vmem_shared>> -> memref<10000x128xf32, #tpu.memory_space<vmem_shared>>
      tpu.enqueue_indirect_dma source(%arg11 : memref<80x128xf32, #tpu.memory_space<vmem>>) target(%dma_start3A_41 : memref<10000x128xf32, #tpu.memory_space<vmem_shared>>) offsets(%arg8 : memref<80xi32, #tpu.memory_space<vmem>>) semaphore(%run_scoped3A : memref<!tpu.dma_semaphore, #tpu.memory_space<semaphore_mem>>) {add = true}
      %dma_wait3A_42 = arith.constant 0 : i32
      %dma_wait3A_43 = arith.constant 0 : i32
      %dma_wait3A_44 = tpu.memref_slice %arg13[%dma_wait3A_42, %dma_wait3A_43] : memref<10000x128xf32, #tpu.memory_space<vmem_shared>> -> memref<10000x128xf32, #tpu.memory_space<vmem_shared>>
      tpu.wait_indirect_dma semaphore(%run_scoped3A : memref<!tpu.dma_semaphore, #tpu.memory_space<semaphore_mem>>) src(%arg11 : memref<80x128xf32, #tpu.memory_space<vmem>>) dst(%dma_wait3A_44 : memref<10000x128xf32, #tpu.memory_space<vmem_shared>>)
      tpu.yield
    }) : () -> ()
    %barrier3A_36 = arith.constant 0 : index
    tpu.barrier barrier_id(%barrier3A_36)
    %mul3A_37 = arith.constant 625 : i32
    %mul3A_38 = arith.muli %arg1, %mul3A_37 : i32
    "tpu.region"() ({
      %run_scoped3A = tpu.sem_alloc : memref<!tpu.dma_semaphore, #tpu.memory_space<semaphore_mem>>
      %dma_start3A_39 = arith.constant 0 : i32
      %dma_start3A_40 = arith.constant 0 : i32
      %dma_start3A_41 = tpu.memref_slice %arg6[%add3A, %dma_start3A_39, %dma_start3A_40] : memref<32x625x128xf32, #tpu.memory_space<hbm>> -> memref<1x625x128xf32, #tpu.memory_space<hbm>>
      %dma_start3A_42 = tpu.memref_squeeze %dma_start3A_41 : memref<1x625x128xf32, #tpu.memory_space<hbm>> -> memref<625x128xf32, #tpu.memory_space<hbm>>
      %dma_start3A_43 = arith.constant 0 : i32
      %dma_start3A_44 = tpu.memref_slice %arg13[%mul3A_38, %dma_start3A_43] : memref<10000x128xf32, #tpu.memory_space<vmem_shared>> -> memref<625x128xf32, #tpu.memory_space<vmem_shared>>
      tpu.enqueue_dma source(%dma_start3A_44 : memref<625x128xf32, #tpu.memory_space<vmem_shared>>) target(%dma_start3A_42 : memref<625x128xf32, #tpu.memory_space<hbm>>) target_semaphore(%run_scoped3A : memref<!tpu.dma_semaphore, #tpu.memory_space<semaphore_mem>>)
      %dma_wait3A_45 = arith.constant 0 : i32
      %dma_wait3A_46 = arith.constant 0 : i32
      %dma_wait3A_47 = tpu.memref_slice %arg6[%add3A, %dma_wait3A_45, %dma_wait3A_46] : memref<32x625x128xf32, #tpu.memory_space<hbm>> -> memref<1x625x128xf32, #tpu.memory_space<hbm>>
      %dma_wait3A_48 = tpu.memref_squeeze %dma_wait3A_47 : memref<1x625x128xf32, #tpu.memory_space<hbm>> -> memref<625x128xf32, #tpu.memory_space<hbm>>
      %dma_wait3A_49 = arith.constant 0 : i32
      %dma_wait3A_50 = tpu.memref_slice %arg13[%mul3A_38, %dma_wait3A_49] : memref<10000x128xf32, #tpu.memory_space<vmem_shared>> -> memref<625x128xf32, #tpu.memory_space<vmem_shared>>
      tpu.wait_dma2 semaphore(%run_scoped3A : memref<!tpu.dma_semaphore, #tpu.memory_space<semaphore_mem>>) src(%dma_wait3A_50 : memref<625x128xf32, #tpu.memory_space<vmem_shared>>) dst(%dma_wait3A_48 : memref<625x128xf32, #tpu.memory_space<hbm>>)
      tpu.yield
    }) : () -> ()
    return
  }
}

module attributes {stable_mosaic.version = 14 : i64} {
  func.func @_enc_body(%arg0: memref<10000x128xf32, #tpu.memory_space<vmem>>, %arg1: memref<128x128xf32, #tpu.memory_space<vmem>>, %arg2: memref<1x128xf32, #tpu.memory_space<vmem>>, %arg3: memref<128x128xf32, #tpu.memory_space<vmem>>, %arg4: memref<1x128xf32, #tpu.memory_space<vmem>>, %arg5: memref<128x128xf32, #tpu.memory_space<vmem>>, %arg6: memref<2x10000x128xf32, #tpu.memory_space<vmem>>, %arg7: memref<10000x128xf32, #tpu.memory_space<vmem>>, %arg8: memref<10000x128xf32, #tpu.memory_space<vmem>>, %arg9: memref<10000x1xf32, #tpu.memory_space<vmem>>) attributes {dimension_semantics = [], scalar_prefetch = 0 : i64, scratch_operands = 0 : i64, tpu.core_type = #tpu.core_type<tc>} {
    %get3A = arith.constant 0 : index
    %get3A_0 = arith.constant 0 : index
    %get3A_1 = vector.load %arg0[%get3A, %get3A_0] : memref<10000x128xf32, #tpu.memory_space<vmem>>, vector<10000x128xf32>
    %get3A_2 = arith.constant 0 : index
    %get3A_3 = arith.constant 0 : index
    %get3A_4 = vector.load %arg1[%get3A_2, %get3A_3] : memref<128x128xf32, #tpu.memory_space<vmem>>, vector<128x128xf32>
    %dot_general3A = arith.constant dense<0.000000e+00> : vector<10000x128xf32>
    %dot_general3A_5 = tpu.matmul %get3A_1, %get3A_4, %dot_general3A {dimension_numbers = #tpu.dot_dimension_numbers<[1], [0], [0], [1], [0, 0, 1, 1], [], []>, transpose_lhs_hint = false} : vector<10000x128xf32>, vector<128x128xf32>, vector<10000x128xf32> -> vector<10000x128xf32>
    %get3A_6 = arith.constant 0 : index
    %get3A_7 = arith.constant 0 : index
    %get3A_8 = vector.load %arg2[%get3A_6, %get3A_7] : memref<1x128xf32, #tpu.memory_space<vmem>>, vector<1x128xf32>
    %add3A = vector.broadcast %get3A_8 : vector<1x128xf32> to vector<10000x128xf32>
    %add3A_9 = arith.addf %dot_general3A_5, %add3A : vector<10000x128xf32>
    %max3A = arith.constant 0.000000e+00 : f32
    %max3A_10 = vector.broadcast %max3A : f32 to vector<10000x128xf32>
    %max3A_11 = arith.maximumf %add3A_9, %max3A_10 : vector<10000x128xf32>
    %get3A_12 = arith.constant 0 : index
    %get3A_13 = arith.constant 0 : index
    %get3A_14 = vector.load %arg3[%get3A_12, %get3A_13] : memref<128x128xf32, #tpu.memory_space<vmem>>, vector<128x128xf32>
    %dot_general3A_15 = arith.constant dense<0.000000e+00> : vector<10000x128xf32>
    %dot_general3A_16 = tpu.matmul %max3A_11, %get3A_14, %dot_general3A_15 {dimension_numbers = #tpu.dot_dimension_numbers<[1], [0], [0], [1], [0, 0, 1, 1], [], []>, transpose_lhs_hint = false} : vector<10000x128xf32>, vector<128x128xf32>, vector<10000x128xf32> -> vector<10000x128xf32>
    %get3A_17 = arith.constant 0 : index
    %get3A_18 = arith.constant 0 : index
    %get3A_19 = vector.load %arg4[%get3A_17, %get3A_18] : memref<1x128xf32, #tpu.memory_space<vmem>>, vector<1x128xf32>
    %add3A_20 = vector.broadcast %get3A_19 : vector<1x128xf32> to vector<10000x128xf32>
    %add3A_21 = arith.addf %dot_general3A_16, %add3A_20 : vector<10000x128xf32>
    %get3A_22 = arith.constant 0 : index
    %get3A_23 = arith.constant 0 : index
    %get3A_24 = arith.constant 0 : index
    %get3A_25 = vector.load %arg6[%get3A_22, %get3A_23, %get3A_24] : memref<2x10000x128xf32, #tpu.memory_space<vmem>>, vector<1x10000x128xf32>
    %get3A_26 = vector.shape_cast %get3A_25 : vector<1x10000x128xf32> to vector<10000x128xf32>
    %get3A_27 = arith.constant 1 : index
    %get3A_28 = arith.constant 0 : index
    %get3A_29 = arith.constant 0 : index
    %get3A_30 = vector.load %arg6[%get3A_27, %get3A_28, %get3A_29] : memref<2x10000x128xf32, #tpu.memory_space<vmem>>, vector<1x10000x128xf32>
    %get3A_31 = vector.shape_cast %get3A_30 : vector<1x10000x128xf32> to vector<10000x128xf32>
    %add3A_32 = arith.addf %get3A_26, %get3A_31 : vector<10000x128xf32>
    %reduce_sum3A = arith.constant dense<0.000000e+00> : vector<10000xf32>
    %reduce_sum3A_33 = vector.multi_reduction <add>, %add3A_32, %reduce_sum3A [1] : vector<10000x128xf32> to vector<10000xf32>
    %broadcast_in_dim3A = vector.shape_cast %reduce_sum3A_33 : vector<10000xf32> to vector<10000x1xf32>
    %mul3A = arith.constant 7.812500e-03 : f32
    %mul3A_34 = vector.broadcast %mul3A : f32 to vector<10000x1xf32>
    %mul3A_35 = arith.mulf %broadcast_in_dim3A, %mul3A_34 : vector<10000x1xf32>
    %gt3A = arith.constant 0.000000e+00 : f32
    %gt3A_36 = vector.broadcast %gt3A : f32 to vector<10000x1xf32>
    %gt3A_37 = arith.cmpf ogt, %mul3A_35, %gt3A_36 : vector<10000x1xf32>
    %max3A_38 = arith.constant 1.000000e+00 : f32
    %max3A_39 = vector.broadcast %max3A_38 : f32 to vector<10000x1xf32>
    %max3A_40 = arith.maximumf %mul3A_35, %max3A_39 : vector<10000x1xf32>
    %sqrt3A = math.sqrt %max3A_40 : vector<10000x1xf32>
    %div3A = arith.constant 1.000000e+00 : f32
    %div3A_41 = vector.broadcast %div3A : f32 to vector<10000x1xf32>
    %div3A_42 = arith.divf %div3A_41, %sqrt3A : vector<10000x1xf32>
    %jit3A = arith.constant 0.000000e+00 : f32
    %broadcast_in_dim3A_43 = vector.broadcast %jit3A : f32 to vector<10000x1xf32>
    %select_n3A = arith.select %gt3A_37, %div3A_42, %broadcast_in_dim3A_43 : vector<10000x1xi1>, vector<10000x1xf32>
    %swap3A = arith.constant 0 : index
    %swap3A_44 = arith.constant 0 : index
    %swap3A_45 = vector.load %arg7[%swap3A, %swap3A_44] : memref<10000x128xf32, #tpu.memory_space<vmem>>, vector<10000x128xf32>
    tpu.vector_store %arg7[%swap3A, %swap3A_44], %add3A_21 {strides = array<i32>} : memref<10000x128xf32, #tpu.memory_space<vmem>>, vector<10000x128xf32>,
    %swap3A_46 = arith.constant 0 : index
    %swap3A_47 = arith.constant 0 : index
    %swap3A_48 = vector.load %arg9[%swap3A_46, %swap3A_47] : memref<10000x1xf32, #tpu.memory_space<vmem>>, vector<10000x1xf32>
    tpu.vector_store %arg9[%swap3A_46, %swap3A_47], %select_n3A {strides = array<i32>} : memref<10000x1xf32, #tpu.memory_space<vmem>>, vector<10000x1xf32>,
    %get3A_49 = arith.constant 0 : index
    %get3A_50 = arith.constant 0 : index
    %get3A_51 = vector.load %arg5[%get3A_49, %get3A_50] : memref<128x128xf32, #tpu.memory_space<vmem>>, vector<128x128xf32>
    %dot_general3A_52 = arith.constant dense<0.000000e+00> : vector<10000x128xf32>
    %dot_general3A_53 = tpu.matmul %add3A_21, %get3A_51, %dot_general3A_52 {dimension_numbers = #tpu.dot_dimension_numbers<[1], [0], [0], [1], [0, 0, 1, 1], [], []>, transpose_lhs_hint = false} : vector<10000x128xf32>, vector<128x128xf32>, vector<10000x128xf32> -> vector<10000x128xf32>
    %mul3A_54 = vector.broadcast %select_n3A : vector<10000x1xf32> to vector<10000x128xf32>
    %mul3A_55 = arith.mulf %dot_general3A_53, %mul3A_54 : vector<10000x128xf32>
    %swap3A_56 = arith.constant 0 : index
    %swap3A_57 = arith.constant 0 : index
    %swap3A_58 = vector.load %arg8[%swap3A_56, %swap3A_57] : memref<10000x128xf32, #tpu.memory_space<vmem>>, vector<10000x128xf32>
    tpu.vector_store %arg8[%swap3A_56, %swap3A_57], %mul3A_55 {strides = array<i32>} : memref<10000x128xf32, #tpu.memory_space<vmem>>, vector<10000x128xf32>,
    return
  }
}

module attributes {stable_mosaic.version = 14 : i64} {
  func.func @_layer_mid_body(%arg0: memref<2x10000x128xf32, #tpu.memory_space<vmem>>, %arg1: memref<10000x128xf32, #tpu.memory_space<vmem>>, %arg2: memref<10000x1xf32, #tpu.memory_space<vmem>>, %arg3: memref<1x128xf32, #tpu.memory_space<vmem>>, %arg4: memref<1x128xf32, #tpu.memory_space<vmem>>, %arg5: memref<1x128xf32, #tpu.memory_space<vmem>>, %arg6: memref<128x128xf32, #tpu.memory_space<vmem>>, %arg7: memref<10000x128xf32, #tpu.memory_space<vmem>>, %arg8: memref<10000x128xf32, #tpu.memory_space<vmem>>) attributes {dimension_semantics = [], scalar_prefetch = 0 : i64, scratch_operands = 0 : i64, tpu.core_type = #tpu.core_type<tc>} {
    %get3A = arith.constant 0 : index
    %get3A_0 = arith.constant 0 : index
    %get3A_1 = vector.load %arg2[%get3A, %get3A_0] : memref<10000x1xf32, #tpu.memory_space<vmem>>, vector<10000x1xf32>
    %get3A_2 = arith.constant 0 : index
    %get3A_3 = arith.constant 0 : index
    %get3A_4 = arith.constant 0 : index
    %get3A_5 = vector.load %arg0[%get3A_2, %get3A_3, %get3A_4] : memref<2x10000x128xf32, #tpu.memory_space<vmem>>, vector<1x10000x128xf32>
    %get3A_6 = vector.shape_cast %get3A_5 : vector<1x10000x128xf32> to vector<10000x128xf32>
    %get3A_7 = arith.constant 1 : index
    %get3A_8 = arith.constant 0 : index
    %get3A_9 = arith.constant 0 : index
    %get3A_10 = vector.load %arg0[%get3A_7, %get3A_8, %get3A_9] : memref<2x10000x128xf32, #tpu.memory_space<vmem>>, vector<1x10000x128xf32>
    %get3A_11 = vector.shape_cast %get3A_10 : vector<1x10000x128xf32> to vector<10000x128xf32>
    %add3A = arith.addf %get3A_6, %get3A_11 : vector<10000x128xf32>
    %mul3A = vector.broadcast %get3A_1 : vector<10000x1xf32> to vector<10000x128xf32>
    %mul3A_12 = arith.mulf %add3A, %mul3A : vector<10000x128xf32>
    %get3A_13 = arith.constant 0 : index
    %get3A_14 = arith.constant 0 : index
    %get3A_15 = vector.load %arg3[%get3A_13, %get3A_14] : memref<1x128xf32, #tpu.memory_space<vmem>>, vector<1x128xf32>
    %add3A_16 = vector.broadcast %get3A_15 : vector<1x128xf32> to vector<10000x128xf32>
    %add3A_17 = arith.addf %mul3A_12, %add3A_16 : vector<10000x128xf32>
    %reduce_sum3A = arith.constant dense<0.000000e+00> : vector<128xf32>
    %reduce_sum3A_18 = vector.multi_reduction <add>, %add3A_17, %reduce_sum3A [0] : vector<10000x128xf32> to vector<128xf32>
    %broadcast_in_dim3A = vector.shape_cast %reduce_sum3A_18 : vector<128xf32> to vector<1x128xf32>
    %div3A = arith.constant 1.000000e+04 : f32
    %div3A_19 = vector.broadcast %div3A : f32 to vector<1x128xf32>
    %div3A_20 = arith.divf %broadcast_in_dim3A, %div3A_19 : vector<1x128xf32>
    %sub3A = vector.broadcast %div3A_20 : vector<1x128xf32> to vector<10000x128xf32>
    %sub3A_21 = arith.subf %add3A_17, %sub3A : vector<10000x128xf32>
    %integer_pow3A = arith.mulf %sub3A_21, %sub3A_21 : vector<10000x128xf32>
    %reduce_sum3A_22 = arith.constant dense<0.000000e+00> : vector<128xf32>
    %reduce_sum3A_23 = vector.multi_reduction <add>, %integer_pow3A, %reduce_sum3A_22 [0] : vector<10000x128xf32> to vector<128xf32>
    %broadcast_in_dim3A_24 = vector.shape_cast %reduce_sum3A_23 : vector<128xf32> to vector<1x128xf32>
    %div3A_25 = arith.constant 1.000000e+04 : f32
    %div3A_26 = vector.broadcast %div3A_25 : f32 to vector<1x128xf32>
    %div3A_27 = arith.divf %broadcast_in_dim3A_24, %div3A_26 : vector<1x128xf32>
    %sub3A_28 = vector.broadcast %div3A_20 : vector<1x128xf32> to vector<10000x128xf32>
    %sub3A_29 = arith.subf %add3A_17, %sub3A_28 : vector<10000x128xf32>
    %add3A_30 = arith.constant 9.99999974E-6 : f32
    %add3A_31 = vector.broadcast %add3A_30 : f32 to vector<1x128xf32>
    %add3A_32 = arith.addf %div3A_27, %add3A_31 : vector<1x128xf32>
    %sqrt3A = math.sqrt %add3A_32 : vector<1x128xf32>
    %div3A_33 = vector.broadcast %sqrt3A : vector<1x128xf32> to vector<10000x128xf32>
    %div3A_34 = arith.divf %sub3A_29, %div3A_33 : vector<10000x128xf32>
    %get3A_35 = arith.constant 0 : index
    %get3A_36 = arith.constant 0 : index
    %get3A_37 = vector.load %arg4[%get3A_35, %get3A_36] : memref<1x128xf32, #tpu.memory_space<vmem>>, vector<1x128xf32>
    %mul3A_38 = vector.broadcast %get3A_37 : vector<1x128xf32> to vector<10000x128xf32>
    %mul3A_39 = arith.mulf %div3A_34, %mul3A_38 : vector<10000x128xf32>
    %get3A_40 = arith.constant 0 : index
    %get3A_41 = arith.constant 0 : index
    %get3A_42 = vector.load %arg5[%get3A_40, %get3A_41] : memref<1x128xf32, #tpu.memory_space<vmem>>, vector<1x128xf32>
    %add3A_43 = vector.broadcast %get3A_42 : vector<1x128xf32> to vector<10000x128xf32>
    %add3A_44 = arith.addf %mul3A_39, %add3A_43 : vector<10000x128xf32>
    %get3A_45 = arith.constant 0 : index
    %get3A_46 = arith.constant 0 : index
    %get3A_47 = vector.load %arg1[%get3A_45, %get3A_46] : memref<10000x128xf32, #tpu.memory_space<vmem>>, vector<10000x128xf32>
    %max3A = arith.constant 0.000000e+00 : f32
    %max3A_48 = vector.broadcast %max3A : f32 to vector<10000x128xf32>
    %max3A_49 = arith.maximumf %add3A_44, %max3A_48 : vector<10000x128xf32>
    %add3A_50 = arith.addf %get3A_47, %max3A_49 : vector<10000x128xf32>
    %swap3A = arith.constant 0 : index
    %swap3A_51 = arith.constant 0 : index
    %swap3A_52 = vector.load %arg7[%swap3A, %swap3A_51] : memref<10000x128xf32, #tpu.memory_space<vmem>>, vector<10000x128xf32>
    tpu.vector_store %arg7[%swap3A, %swap3A_51], %add3A_50 {strides = array<i32>} : memref<10000x128xf32, #tpu.memory_space<vmem>>, vector<10000x128xf32>,
    %get3A_53 = arith.constant 0 : index
    %get3A_54 = arith.constant 0 : index
    %get3A_55 = vector.load %arg6[%get3A_53, %get3A_54] : memref<128x128xf32, #tpu.memory_space<vmem>>, vector<128x128xf32>
    %dot_general3A = arith.constant dense<0.000000e+00> : vector<10000x128xf32>
    %dot_general3A_56 = tpu.matmul %add3A_50, %get3A_55, %dot_general3A {dimension_numbers = #tpu.dot_dimension_numbers<[1], [0], [0], [1], [0, 0, 1, 1], [], []>, transpose_lhs_hint = false} : vector<10000x128xf32>, vector<128x128xf32>, vector<10000x128xf32> -> vector<10000x128xf32>
    %mul3A_57 = vector.broadcast %get3A_1 : vector<10000x1xf32> to vector<10000x128xf32>
    %mul3A_58 = arith.mulf %dot_general3A_56, %mul3A_57 : vector<10000x128xf32>
    %swap3A_59 = arith.constant 0 : index
    %swap3A_60 = arith.constant 0 : index
    %swap3A_61 = vector.load %arg8[%swap3A_59, %swap3A_60] : memref<10000x128xf32, #tpu.memory_space<vmem>>, vector<10000x128xf32>
    tpu.vector_store %arg8[%swap3A_59, %swap3A_60], %mul3A_58 {strides = array<i32>} : memref<10000x128xf32, #tpu.memory_space<vmem>>, vector<10000x128xf32>,
    return
  }
}

module attributes {stable_mosaic.version = 14 : i64} {
  func.func @_last_readout_body(%arg0: memref<2x10000x128xf32, #tpu.memory_space<vmem>>, %arg1: memref<10000x128xf32, #tpu.memory_space<vmem>>, %arg2: memref<10000x1xf32, #tpu.memory_space<vmem>>, %arg3: memref<1x128xf32, #tpu.memory_space<vmem>>, %arg4: memref<1x128xf32, #tpu.memory_space<vmem>>, %arg5: memref<1x128xf32, #tpu.memory_space<vmem>>, %arg6: memref<10000x1xi32, #tpu.memory_space<vmem>>, %arg7: memref<128x64xf32, #tpu.memory_space<vmem>>, %arg8: memref<1x64xf32, #tpu.memory_space<vmem>>, %arg9: memref<64x32xf32, #tpu.memory_space<vmem>>, %arg10: memref<1x32xf32, #tpu.memory_space<vmem>>, %arg11: memref<32x1xf32, #tpu.memory_space<vmem>>, %arg12: memref<1x1xf32, #tpu.memory_space<vmem>>, %arg13: memref<64x1xf32, #tpu.memory_space<vmem>>) attributes {dimension_semantics = [], scalar_prefetch = 0 : i64, scratch_operands = 0 : i64, tpu.core_type = #tpu.core_type<tc>} {
    %get3A = arith.constant 0 : index
    %get3A_0 = arith.constant 0 : index
    %get3A_1 = vector.load %arg2[%get3A, %get3A_0] : memref<10000x1xf32, #tpu.memory_space<vmem>>, vector<10000x1xf32>
    %get3A_2 = arith.constant 0 : index
    %get3A_3 = arith.constant 0 : index
    %get3A_4 = arith.constant 0 : index
    %get3A_5 = vector.load %arg0[%get3A_2, %get3A_3, %get3A_4] : memref<2x10000x128xf32, #tpu.memory_space<vmem>>, vector<1x10000x128xf32>
    %get3A_6 = vector.shape_cast %get3A_5 : vector<1x10000x128xf32> to vector<10000x128xf32>
    %get3A_7 = arith.constant 1 : index
    %get3A_8 = arith.constant 0 : index
    %get3A_9 = arith.constant 0 : index
    %get3A_10 = vector.load %arg0[%get3A_7, %get3A_8, %get3A_9] : memref<2x10000x128xf32, #tpu.memory_space<vmem>>, vector<1x10000x128xf32>
    %get3A_11 = vector.shape_cast %get3A_10 : vector<1x10000x128xf32> to vector<10000x128xf32>
    %add3A = arith.addf %get3A_6, %get3A_11 : vector<10000x128xf32>
    %mul3A = vector.broadcast %get3A_1 : vector<10000x1xf32> to vector<10000x128xf32>
    %mul3A_12 = arith.mulf %add3A, %mul3A : vector<10000x128xf32>
    %get3A_13 = arith.constant 0 : index
    %get3A_14 = arith.constant 0 : index
    %get3A_15 = vector.load %arg3[%get3A_13, %get3A_14] : memref<1x128xf32, #tpu.memory_space<vmem>>, vector<1x128xf32>
    %add3A_16 = vector.broadcast %get3A_15 : vector<1x128xf32> to vector<10000x128xf32>
    %add3A_17 = arith.addf %mul3A_12, %add3A_16 : vector<10000x128xf32>
    %reduce_sum3A = arith.constant dense<0.000000e+00> : vector<128xf32>
    %reduce_sum3A_18 = vector.multi_reduction <add>, %add3A_17, %reduce_sum3A [0] : vector<10000x128xf32> to vector<128xf32>
    %broadcast_in_dim3A = vector.shape_cast %reduce_sum3A_18 : vector<128xf32> to vector<1x128xf32>
    %div3A = arith.constant 1.000000e+04 : f32
    %div3A_19 = vector.broadcast %div3A : f32 to vector<1x128xf32>
    %div3A_20 = arith.divf %broadcast_in_dim3A, %div3A_19 : vector<1x128xf32>
    %sub3A = vector.broadcast %div3A_20 : vector<1x128xf32> to vector<10000x128xf32>
    %sub3A_21 = arith.subf %add3A_17, %sub3A : vector<10000x128xf32>
    %integer_pow3A = arith.mulf %sub3A_21, %sub3A_21 : vector<10000x128xf32>
    %reduce_sum3A_22 = arith.constant dense<0.000000e+00> : vector<128xf32>
    %reduce_sum3A_23 = vector.multi_reduction <add>, %integer_pow3A, %reduce_sum3A_22 [0] : vector<10000x128xf32> to vector<128xf32>
    %broadcast_in_dim3A_24 = vector.shape_cast %reduce_sum3A_23 : vector<128xf32> to vector<1x128xf32>
    %div3A_25 = arith.constant 1.000000e+04 : f32
    %div3A_26 = vector.broadcast %div3A_25 : f32 to vector<1x128xf32>
    %div3A_27 = arith.divf %broadcast_in_dim3A_24, %div3A_26 : vector<1x128xf32>
    %sub3A_28 = vector.broadcast %div3A_20 : vector<1x128xf32> to vector<10000x128xf32>
    %sub3A_29 = arith.subf %add3A_17, %sub3A_28 : vector<10000x128xf32>
    %add3A_30 = arith.constant 9.99999974E-6 : f32
    %add3A_31 = vector.broadcast %add3A_30 : f32 to vector<1x128xf32>
    %add3A_32 = arith.addf %div3A_27, %add3A_31 : vector<1x128xf32>
    %sqrt3A = math.sqrt %add3A_32 : vector<1x128xf32>
    %div3A_33 = vector.broadcast %sqrt3A : vector<1x128xf32> to vector<10000x128xf32>
    %div3A_34 = arith.divf %sub3A_29, %div3A_33 : vector<10000x128xf32>
    %get3A_35 = arith.constant 0 : index
    %get3A_36 = arith.constant 0 : index
    %get3A_37 = vector.load %arg4[%get3A_35, %get3A_36] : memref<1x128xf32, #tpu.memory_space<vmem>>, vector<1x128xf32>
    %mul3A_38 = vector.broadcast %get3A_37 : vector<1x128xf32> to vector<10000x128xf32>
    %mul3A_39 = arith.mulf %div3A_34, %mul3A_38 : vector<10000x128xf32>
    %get3A_40 = arith.constant 0 : index
    %get3A_41 = arith.constant 0 : index
    %get3A_42 = vector.load %arg5[%get3A_40, %get3A_41] : memref<1x128xf32, #tpu.memory_space<vmem>>, vector<1x128xf32>
    %add3A_43 = vector.broadcast %get3A_42 : vector<1x128xf32> to vector<10000x128xf32>
    %add3A_44 = arith.addf %mul3A_39, %add3A_43 : vector<10000x128xf32>
    %get3A_45 = arith.constant 0 : index
    %get3A_46 = arith.constant 0 : index
    %get3A_47 = vector.load %arg1[%get3A_45, %get3A_46] : memref<10000x128xf32, #tpu.memory_space<vmem>>, vector<10000x128xf32>
    %max3A = arith.constant 0.000000e+00 : f32
    %max3A_48 = vector.broadcast %max3A : f32 to vector<10000x128xf32>
    %max3A_49 = arith.maximumf %add3A_44, %max3A_48 : vector<10000x128xf32>
    %add3A_50 = arith.addf %get3A_47, %max3A_49 : vector<10000x128xf32>
    %get3A_51 = arith.constant 0 : index
    %get3A_52 = arith.constant 0 : index
    %get3A_53 = vector.load %arg6[%get3A_51, %get3A_52] : memref<10000x1xi32, #tpu.memory_space<vmem>>, vector<10000x1xi32>
    %iota3A = tpu.iota {dimensions = array<i32: 1>} : vector<10000x64xi32>
    %eq3A = vector.broadcast %get3A_53 : vector<10000x1xi32> to vector<10000x64xi32>
    %eq3A_54 = arith.cmpi eq, %eq3A, %iota3A : vector<10000x64xi32>
    %convert_element_type3A = arith.extui %eq3A_54 : vector<10000x64xi1> to vector<10000x64xi32>
    %convert_element_type3A_55 = arith.sitofp %convert_element_type3A : vector<10000x64xi32> to vector<10000x64xf32>
    %dot_general3A = arith.constant dense<0.000000e+00> : vector<64x128xf32>
    %dot_general3A_56 = tpu.matmul %convert_element_type3A_55, %add3A_50, %dot_general3A {dimension_numbers = #tpu.dot_dimension_numbers<[0], [0], [1], [1], [0, 1, 1, 1], [], []>, precision = #tpu.contract_precision<fp32>, transpose_lhs_hint = false} : vector<10000x64xf32>, vector<10000x128xf32>, vector<64x128xf32> -> vector<64x128xf32>
    %get3A_57 = arith.constant 0 : index
    %get3A_58 = arith.constant 0 : index
    %get3A_59 = vector.load %arg7[%get3A_57, %get3A_58] : memref<128x64xf32, #tpu.memory_space<vmem>>, vector<128x64xf32>
    %dot_general3A_60 = arith.constant dense<0.000000e+00> : vector<64x64xf32>
    %dot_general3A_61 = tpu.matmul %dot_general3A_56, %get3A_59, %dot_general3A_60 {dimension_numbers = #tpu.dot_dimension_numbers<[1], [0], [0], [1], [0, 0, 1, 1], [], []>, transpose_lhs_hint = false} : vector<64x128xf32>, vector<128x64xf32>, vector<64x64xf32> -> vector<64x64xf32>
    %get3A_62 = arith.constant 0 : index
    %get3A_63 = arith.constant 0 : index
    %get3A_64 = vector.load %arg8[%get3A_62, %get3A_63] : memref<1x64xf32, #tpu.memory_space<vmem>>, vector<1x64xf32>
    %add3A_65 = vector.broadcast %get3A_64 : vector<1x64xf32> to vector<64x64xf32>
    %add3A_66 = arith.addf %dot_general3A_61, %add3A_65 : vector<64x64xf32>
    %max3A_67 = arith.constant 0.000000e+00 : f32
    %max3A_68 = vector.broadcast %max3A_67 : f32 to vector<64x64xf32>
    %max3A_69 = arith.maximumf %add3A_66, %max3A_68 : vector<64x64xf32>
    %get3A_70 = arith.constant 0 : index
    %get3A_71 = arith.constant 0 : index
    %get3A_72 = vector.load %arg9[%get3A_70, %get3A_71] : memref<64x32xf32, #tpu.memory_space<vmem>>, vector<64x32xf32>
    %dot_general3A_73 = arith.constant dense<0.000000e+00> : vector<64x32xf32>
    %dot_general3A_74 = tpu.matmul %max3A_69, %get3A_72, %dot_general3A_73 {dimension_numbers = #tpu.dot_dimension_numbers<[1], [0], [0], [1], [0, 0, 1, 1], [], []>, transpose_lhs_hint = false} : vector<64x64xf32>, vector<64x32xf32>, vector<64x32xf32> -> vector<64x32xf32>
    %get3A_75 = arith.constant 0 : index
    %get3A_76 = arith.constant 0 : index
    %get3A_77 = vector.load %arg10[%get3A_75, %get3A_76] : memref<1x32xf32, #tpu.memory_space<vmem>>, vector<1x32xf32>
    %add3A_78 = vector.broadcast %get3A_77 : vector<1x32xf32> to vector<64x32xf32>
    %add3A_79 = arith.addf %dot_general3A_74, %add3A_78 : vector<64x32xf32>
    %max3A_80 = arith.constant 0.000000e+00 : f32
    %max3A_81 = vector.broadcast %max3A_80 : f32 to vector<64x32xf32>
    %max3A_82 = arith.maximumf %add3A_79, %max3A_81 : vector<64x32xf32>
    %get3A_83 = arith.constant 0 : index
    %get3A_84 = arith.constant 0 : index
    %get3A_85 = vector.load %arg11[%get3A_83, %get3A_84] : memref<32x1xf32, #tpu.memory_space<vmem>>, vector<32x1xf32>
    %dot_general3A_86 = arith.constant dense<0.000000e+00> : vector<64x1xf32>
    %dot_general3A_87 = tpu.matmul %max3A_82, %get3A_85, %dot_general3A_86 {dimension_numbers = #tpu.dot_dimension_numbers<[1], [0], [0], [1], [0, 0, 1, 1], [], []>, transpose_lhs_hint = false} : vector<64x32xf32>, vector<32x1xf32>, vector<64x1xf32> -> vector<64x1xf32>
    %get3A_88 = arith.constant 0 : index
    %get3A_89 = arith.constant 0 : index
    %get3A_90 = vector.load %arg12[%get3A_88, %get3A_89] : memref<1x1xf32, #tpu.memory_space<vmem>>, vector<1x1xf32>
    %add3A_91 = vector.broadcast %get3A_90 : vector<1x1xf32> to vector<64x1xf32>
    %add3A_92 = arith.addf %dot_general3A_87, %add3A_91 : vector<64x1xf32>
    %swap3A = arith.constant 0 : index
    %swap3A_93 = arith.constant 0 : index
    %swap3A_94 = vector.load %arg13[%swap3A, %swap3A_93] : memref<64x1xf32, #tpu.memory_space<vmem>>, vector<64x1xf32>
    tpu.vector_store %arg13[%swap3A, %swap3A_93], %add3A_92 {strides = array<i32>} : memref<64x1xf32, #tpu.memory_space<vmem>>, vector<64x1xf32>,
    return
  }
}

</mosaic_0001>

<sc_bundles>
// kernel: kernel.10.cloned.1.call-start
scs
__scs_entry_jumppad:
0x0: {  	(pc) =	sbr.rel $0x88, $3  }
0x1: {  	(tag) =	ssettag $0x0;
	lr =	simm.s32 $0x1  }
0x2: {  	[smem:$0x3F90] =	sst lr;
	_ =	strace $0xD0000000  }
0x3: {  	_ = 	snop  }
0x4: {  	_ = 	snop  }
0x5: {  	_ = 	snop  }
0x6: {  	_ = 	snop  }
0x7: {  	_ = 	snop  }
__scs_overlays_trampoline_lowered:
0x8: {  	[smem:$0x3F9F] =	sst s0  }
0x9: {  	[smem:$0x3FA0] =	sst s1  }
0xa: {  	[smem:$0x3FA1] =	sst s2  }
0xb: {  	[smem:$0x3FA2] =	sst s3  }
0xc: {  	[smem:$0x3FA3] =	sst s4  }
0xd: {  	[smem:$0x3FA4] =	sst s5  }
0xe: {  	[smem:$0x3FA5] =	sst s6  }
0xf: {  	[smem:$0x3FA6] =	sst s7  }
0x10: {  	[smem:$0x3FA7] =	sst s8  }
0x11: {  	[smem:$0x3FA8] =	sst s9;
	s0 =	simm.s32 @!p0 $0x0  }
0x12: {  	s1 =	sld [smem:$0x3F8E];
	s0 =	simm.s32 @p0 $0x1  }
0x13: {  	[smem:$0x3FA9] =	sst s0;
	s0 =	simm.s32 @!p1 $0x0  }
0x14: {  	s2 =	sld [smem:$0x3F8D];
	s0 =	simm.s32 @p1 $0x1  }
0x15: {  	[smem:$0x3FAA] =	sst s0;
	s0 =	simm.s32 @!p2 $0x0  }
0x16: {  	s3 =	sld [smem:$0x3FDB];
	s0 =	simm.s32 @p2 $0x1  }
0x17: {  	s4 =	simm.s32 $0x1BF5;
	[smem:$0x3FAC] =	sst s0  }
0x18: {  	s0 =	sld [smem:$0x3F8F];
	_ =	swait.ge [sflag:s4], $0x0  }
0x19: {  	s7 =	sld [smem:$0x3F90]  }
0x1a: {  	s8 =	sadd.s32 $0xFFFFE003, lr  }
0x1b: {  	s9 =	sadd.s32 $0xFFFFFEF7, lr;
	s5 =	simm.s32 $0xFFFFFFFF;
	p2 =	slt.u32 s8, $0xFFFFF086  }
0x1c: {  	p1 =	slt.u32 s9, $0xF7A;
	s5 =	simm.s32 @!p2 $0x0  }
0x1d: {  	s5 =	simm.s32 @p1 $0x1;
	p0 =	seq.s32 s7, s2  }
0x1e: {  	s7 =	smul.u32 @!p0 $0xF7A, s2;
	p2 =	seq.s32 @!p0 s5, $0x0  }
0x1f: {  	s9 =	smul.u32 $0xF7A, s1;
	s8 =	simm.s32 @!p0 $0x1BF5;
	p2 =	por !p2, p0  }
0x20: {  	[sflag:s8] =	ssyncset.s32 @!p0 $0xFFFFF086;
	s6 =	sadd.s32 @!p0 s3, s7;
	s7 =	simm.s32 @!p0 $0x108  }
0x21: {  	s3 =	sadd.s32 s3, s9;
	s6 =	sadd.s32 @!p0 $0x88, s6;
	s7 =	simm.s32 @p2 $0x1082  }
0x22: {  	[simem:s7], [sflag:s8] =	dma.local @!p0 [hbm:s6], $0xF7A  }
0x23: {  	s9 =	sor.u32 $0xD0000000, s2;
	s6 =	simm.s32 $0x108;
	_ =	swait.ge @!p0 [sflag:s8], $0x0  }
0x24: {  	s3 =	sadd.s32 $0x88, s3;
	s6 =	simm.s32 @!p1 $0x1082;
	[sflag:s4] =	ssyncset.s32 $0xFFFFF086  }
0x25: {  	[simem:s6], [sflag:s4] =	dma.local [hbm:s3], $0xF7A  }
0x26: {  	[smem:$0x3F90] =	sst s1;
	(tag) =	ssettag s2;
	_ =	strace s9  }
0x27: {  	s1 =	sld [smem:$0x3FA0]  }
0x28: {  	s2 =	sld [smem:$0x3FA1]  }
0x29: {  	s4 =	sld [smem:$0x3FA3]  }
0x2a: {  	p0 =	seq.s32 s5, $0x0;
	s5 =	sld [smem:$0x3FA4]  }
0x2b: {  	s6 =	sld [smem:$0x3FA5]  }
0x2c: {  	s7 =	sld [smem:$0x3FA6]  }
0x2d: {  	s3 =	simm.s32 $0x108;
	s8 =	sld [smem:$0x3FA7]  }
0x2e: {  	s3 =	simm.s32 @!p0 $0x1082;
	s9 =	sld [smem:$0x3FA8]  }
0x2f: {  	lr =	sadd.s32 s0, s3;
	s0 =	sld [smem:$0x3F9F]  }
0x30: {  	s3 =	sld [smem:$0x3FA2]  }
0x31: {  	[smem:$0x3FAB] =	sst s10  }
0x32: {  	s10 =	sld [smem:$0x3FA9];
	_ =	sdelay $0x3  }
0x33: {  	p0 =	seq.s32 s10, $0x1;
	s10 =	sld [smem:$0x3FAB];
	_ =	sdelay $0x3  }
0x34: {  	[smem:$0x3FAB] =	sst s10  }
0x35: {  	s10 =	sld [smem:$0x3FAA];
	_ =	sdelay $0x3  }
0x36: {  	p1 =	seq.s32 s10, $0x1;
	s10 =	sld [smem:$0x3FAB];
	_ =	sdelay $0x3  }
0x37: {  	[smem:$0x3FAB] =	sst s10  }
0x38: {  	s10 =	sld [smem:$0x3FAC]  }
0x39: {  	_ = 	snop;
	(pc) =	sbr.ind lr, $3  }
0x3a: {  	_ = 	snop  }
0x3b: {  	_ = 	snop  }
0x3c: {  	p2 =	seq.s32 s10, $0x1;
	s10 =	sld [smem:$0x3FAB]  }
0x3d: {  	_ =	shalt  }
0x3e: {  	_ =	shalt  }
0x3f: {  	_ =	shalt  }
0x40: {  	_ =	shalt  }
0x41: {  	_ =	shalt  }
0x42: {  	_ =	shalt  }
0x43: {  	_ =	shalt  }
0x44: {  	_ =	shalt  }
0x45: {  	_ =	shalt  }
0x46: {  	_ =	shalt  }
0x47: {  	_ =	shalt  }
0x48: {  	_ =	shalt  }
0x49: {  	_ =	shalt  }
0x4a: {  	_ =	shalt  }
0x4b: {  	_ =	shalt  }
0x4c: {  	_ =	shalt  }
0x4d: {  	_ =	shalt  }
0x4e: {  	_ =	shalt  }
0x4f: {  	_ =	shalt  }
0x50: {  	_ =	shalt  }
0x51: {  	_ =	shalt  }
0x52: {  	_ =	shalt  }
0x53: {  	_ =	shalt  }
0x54: {  	_ =	shalt  }
0x55: {  	_ =	shalt  }
0x56: {  	_ =	shalt  }
0x57: {  	_ =	shalt  }
0x58: {  	_ =	shalt  }
0x59: {  	_ =	shalt  }
0x5a: {  	_ =	shalt  }
0x5b: {  	_ =	shalt  }
0x5c: {  	_ =	shalt  }
0x5d: {  	_ =	shalt  }
0x5e: {  	_ =	shalt  }
0x5f: {  	_ =	shalt  }
0x60: {  	_ =	shalt  }
0x61: {  	_ =	shalt  }
0x62: {  	_ =	shalt  }
0x63: {  	_ =	shalt  }
0x64: {  	_ =	shalt  }
0x65: {  	_ =	shalt  }
0x66: {  	_ =	shalt  }
0x67: {  	_ =	shalt  }
0x68: {  	_ =	shalt  }
0x69: {  	_ =	shalt  }
0x6a: {  	_ =	shalt  }
0x6b: {  	_ =	shalt  }
0x6c: {  	_ =	shalt  }
0x6d: {  	_ =	shalt  }
0x6e: {  	_ =	shalt  }
0x6f: {  	_ =	shalt  }
0x70: {  	_ =	shalt  }
0x71: {  	_ =	shalt  }
0x72: {  	_ =	shalt  }
0x73: {  	_ =	shalt  }
0x74: {  	_ =	shalt  }
0x75: {  	_ =	shalt  }
0x76: {  	_ =	shalt  }
0x77: {  	_ =	shalt  }
0x78: {  	_ =	shalt  }
0x79: {  	_ =	shalt  }
0x7a: {  	_ =	shalt  }
0x7b: {  	_ =	shalt  }
0x7c: {  	_ =	shalt  }
0x7d: {  	_ =	shalt  }
0x7e: {  	_ =	shalt  }
0x7f: {  	_ =	shalt  }
0x80: {  	_ =	shalt  }
0x81: {  	_ =	shalt  }
0x82: {  	_ =	shalt  }
0x83: {  	_ =	shalt  }
0x84: {  	_ =	shalt  }
0x85: {  	_ =	shalt  }
0x86: {  	_ =	shalt  }
0x87: {  	_ =	shalt  }
.Lfunc_end0:
.L_simem_size_0:
called_computation_lowered:
.L_overlay_start_0:
0x88: {  	s2 =	sld [smem:$0x3FD9]  }
0x89: {  	s3 =	sld [smem:$0x3FFE];
	_ =	sdelay $0x1  }
0x8a: {  	s1 =	srdreg.scid  }
0x8b: {  	s0 =	sand.u32 $0x1, s1  }
0x8c: {  	s16 =	sshll.u32 s0, $0xA;
	s2 =	sadd.s32 s3, s2  }
0x8d: {  	s2 =	sadd.s32 s2, s16  }
0x8e: {  	[smem:$0x3FB7] =	sst s2  }
0x8f: {  	_ = 	snop  }
0x90: {  	(tm) =	ssettm $0x1  }
0x91: {  	s17 =	sld [smem:$0x3FFB];
	_ =	sdelay $0x3  }
0x92: {  	_ =	strace s17  }
0x93: {  	s2 =	sld [smem:$0x3FFC];
	_ =	sdelay $0x3  }
0x94: {  	_ =	strace s2  }
0x95: {  	s2 =	sld [smem:$0x3FFD];
	_ =	sdelay $0x3  }
0x96: {  	_ =	strace s2  }
0x97: {  	_ =	strace $0x8FFFFFFF  }
0x98: {  	s18 =	sld [smem:$0x3FDB];
	_ =	sdelay $0x1  }
0x99: {  	s19 =	simm.s32 $_scs_section_size  }
0x9a: {  	s4 =	simm.s32 $_size__tile_overlayer_lowered;
	s5 =	simm.s32 $_tile_overlayer_lowered  }
0x9b: {  	s22 =	simm.s32 $0x1BFF;
	s21 =	sshll.u32 s5, $0x1;
	s2 =	sadd.s32 s19, s18  }
0x9c: {  	s6 =	simm.s32 $0x0;
	s20 =	sshll.u32 s4, $0x1;
	s4 =	sadd.s32 s21, s2  }
0x9d: {  	[timem:s6], [sflag:s22] =	dma.local [hbm:s4], s20  }
0x9e: {  	_ =	swait.ge [sflag:s22], s20  }
0x9f: {  	s3 =	ssub.s32 $0x0, s20;
	[sflag:s22] =	ssyncset.done $0x0  }
0xa0: {  	[sflag:s22] =	ssyncadd.s32 s3;
	_ =	sdelay $0x1  }
0xa1: {  	s23 =	simm.s32 $0x1B8B  }
0xa2: {  	_ =	swait.ge [sflag:s23], $0x1  }
0xa3: {  	[sflag:s23] =	ssyncset.done $0x0  }
0xa4: {  	s25 =	simm.s32 $0x1B8E;
	s24 =	sld [smem:$0x3FFE];
	[sflag:s23] =	ssyncadd.s32 $0xFFFFFFFF  }
0xa5: {  	s26 =	simm.s32 $execute0_lowered;
	[smem:$0x3FD2] =	sst s25  }
0xa6: {  	s4 =	sshll.u32 s26, $0x1;
	_ =	strace $0x80000046;
	[dreg:$0x1] =	wrdreg $0xFFFFFFFF  }
0xa7: {  	s28 =	simm.s32 $_size_execute0_lowered;
	s2 =	sadd.s32 s2, s4;
	[dreg:$0x0] =	wrdreg $0x0  }
0xa8: {  	s4 =	sshll.u32 s28, $0x1;
	[dreg:$0x2] =	wrdreg s2  }
0xa9: {  	[dreg:$0x3] =	wrdreg s4  }
0xaa: {  	[dreg:$0x4] =	wrdreg $0xC0  }
0xab: {  	_ =	task [dreg:s6], $0x5FFFF  }
0xac: {  	[dreg:$0x1] =	wrdreg $0xFFFFFFFF  }
0xad: {  	[dreg:$0x0] =	wrdreg $0x60  }
0xae: {  	[dreg:$0x2] =	wrdreg s24  }
0xaf: {  	[dreg:$0x3] =	wrdreg $0x29000  }
0xb0: {  	[dreg:$0x4] =	wrdreg $0x9  }
0xb1: {  	_ =	task.clear_ibuf [dreg:s6], $0x5FFFF;
	_ =	strace $0x90000046  }
0xb2: {  	s29 =	simm.s32 $0x9;
	_ =	strace $0x80000048  }
0xb3: {  	_ =	swait.ge [sflag:s29], $0x1  }
0xb4: {  	[sflag:s29] =	ssyncadd.s32 $0xFFFFFFFF  }
0xb5: {  	_ =	strace $0x90000048  }
0xb6: {  	_ =	sfence  }
0xb7: {  	s30 =	sld [smem:$0x0];
	_ =	sdelay $0x2  }
0xb8: {  	s31 =	sshll.u32 s1, $0xD;
	s1 =	sshrl.u32 s1, $0x2  }
0xb9: {  	s3 =	sand.u32 $0x4000, s31;
	s1 =	sadd.s32 s1, s30  }
0xba: {  	s0 =	sor.u32 s3, s0;
	s1 =	sshll.u32 s1, $0x11  }
0xbb: {  	s0 =	sor.u32 s1, s0  }
0xbc: {  	s0 =	sadd.s32 $0x8F2B, s0  }
0xbd: {  	[sflag:s0] =	ssyncadd.remote.s32 $0x1  }
0xbe: {  	_ =	sfence.sel $0xFFFF  }
0xbf: {  	[dreg:$0x0] =	wrdreg $0xFFFFFFFF;
	(pc) =	sbr.abs _section_cstart, $3  }
0xc0: {  	[dreg:$0x1] =	wrdreg $0xFFFFFFFF  }
0xc1: {  	_ =	task.clear_ibuf [dreg:s6], $0x2FFFF;
	_ =	strace $0x9FFFFFFF  }
0xc2: {  	(tm) =	ssettm $0x7FFFFFFF  }
0xc3: {  	_ =	shalt  }
tec
execute0_lowered:
.L_overlay_start_1:
0x0: {  	(tag) =	ssettag $0x1  }
0x1: {  	s6 =	rddreg [dreg:$0x0]  }
0x2: {  	s0 =	srdreg.scid;
	s2 =	rddreg [dreg:$0x1]  }
0x3: {  	s1 =	stileid.u32;
	s3 =	simm.s32 $0x0;
	s17 =	simm.s32 $0x100  }
0x4: {  	s18 =	simm.s32 $0x80;
	s19 =	simm.s32 $0x1;
	s20 =	simm.s32 $0x50  }
0x5: {  	s21 =	simm.s32 $0x2;
	s22 =	simm.s32 $0x0;
	s5 =	smul.u32 $0x2780, s1  }
0x6: {  	s7 =	sand.u32 $0x1, s0;
	s0 =	rddreg [dreg:$0x2];
	s10 =	smul.u32 $0x4E200, s1  }
0x7: {  	[smem:$0x7FF] =	sst s3;
	s13 =	smul.u32 $0x2710, s1;
	s29 =	sshll.u32 s1, $0x6  }
0x8: {  	s4 =	sshll.u32 s7, $0x4;
	_ =	strace $0x80000047;
	s26 =	ssub.s32 $0x2, s7  }
0x9: {  	s7 =	smul.u32 $0x27100, s7;
	s8 =	sor.u32 s1, s4;
	s4 =	sadd.s32 $0xDC00, s6  }
0xa: {  	s11 =	sadd.s32 s5, s6;
	s5 =	sadd.s32 $0x3F200, s6;
	s9 =	smul.u32 $0x2780, s8  }
0xb: {  	s28 =	sshrl.u32 s26, $0x1;
	s10 =	sshrl.u32 s10, $0x2;
	s8 =	smul.u32 $0x2710, s8  }
0xc: {  	s14 =	ssub.s32 s26, s28;
	s15 =	sadd.s32 s10, s2;
	s16 =	sadd.s32 s13, s7  }
0xd: {  	s7 =	sor.u32 $0x1C03, s29;
	s30 =	sadd.s32 $0xF0, s16;
	s15 =	sshrl.u32 s15, $0x3  }
0xe: {  	s12 =	sadd.s32 s9, s6;
	s6 =	sadd.s32 $0x17A00, s11;
	s8 =	sshrl.u32 s8, $0x3  }
0xf: {  	s31 =	sshrl.u32 s30, $0x3;
	s11 =	smax.u32 s14, $0x1;
	s14 =	sadd.s32 $0xA0, s16  }
0x10: {  	s16 =	simm.s32 $0x3;
	s8 =	sadd.s32 s4, s8;
	s10 =	sadd.s32 $0x3F800, s12  }
0x11: {  	s13 =	sadd.s32 s31, s4;
	s9 =	sadd.s32 $0xA, s8;
	s12 =	sadd.s32 $0x4D8, s8  }
.LBB2_1:
0x12: {  	[spmem:s15], [sflag:s7] =	dma.local [hbm:s6], $0x2710  }
0x13: {  	_ =	swait.ge [sflag:s16], $0x2710  }
0x14: {  	[sflag:s16] =	ssyncset.done $0x0  }
0x15: {  	[sflag:s16] =	ssyncadd.s32 $0xFFFFD8F0  }
0x16: {  	[tilespmem:s17], [sflag:$0x3] =	stream.linear.gather [hbm4b:s5+s3], $0x2800, $0x38;
	[tilespmem:$0x16180] =	vst v63  }
0x17: {  	_ =	swait.ge [sflag:s16], $0x2800  }
0x18: {  	[sflag:s16] =	ssyncset.done $0x0  }
0x19: {  	[sflag:s16] =	ssyncadd.s32 $0xFFFFD800  }
0x1a: {  	[bflag:$0x0] =	sbarrier.arrive $0xFFFF  }
0x1b: {  	[tilespmem:s3], [sflag:$0x1] =	stream.linear.gather [hbm4b:s8+s3], $0x50, $0x38;
	[tilespmem:$0x16180] =	vst v63  }
0x1c: {  	_ = 	snop  }
0x1d: {  	[tilespmem:s18], [sflag:$0x2] =	stream.linear.gather [hbm4b:s9+s3], $0x50, $0x38;
	[tilespmem:$0x16180] =	vst v63  }
0x1e: {  	_ =	swait.ge [sflag:s19], $0x50  }
0x1f: {  	[sflag:s19] =	ssyncset.done $0x0  }
0x20: {  	[sflag:s19] =	ssyncadd.s32 $0xFFFFFFB0  }
0x21: {  	[spmem:s2] =	stream.indirect.scatter.add.f32 [tilespmem:s17], [sflag:$0x3], $0x80, s3, s20, $0xb8;
	[tilespmem:$0x16180] =	vst v63  }
0x22: {  	_ =	swait.ge [sflag:s16], $0x2800  }
0x23: {  	s23 =	sshrl.u32 s14, $0x3;
	[sflag:s16] =	ssyncset.done $0x0  }
0x24: {  	s23 =	sadd.s32 s4, s23;
	[sflag:s16] =	ssyncadd.s32 $0xFFFFD800  }
0x25: {  	[tilespmem:s3], [sflag:$0x1] =	stream.linear.gather [hbm4b:s23+s3], $0x50, $0x38;
	[tilespmem:$0x16180] =	vst v63  }
0x26: {  	_ =	swait.ge [sflag:s21], $0x50  }
0x27: {  	[sflag:s21] =	ssyncset.done $0x0  }
0x28: {  	[sflag:s21] =	ssyncadd.s32 $0xFFFFFFB0  }
0x29: {  	[spmem:s2] =	stream.indirect.scatter.add.f32 [tilespmem:s17], [sflag:$0x3], $0x80, s18, s20, $0xb8;
	[tilespmem:$0x16180] =	vst v63  }
0x2a: {  	_ =	swait.ge [sflag:s16], $0x2800  }
0x2b: {  	s25 =	sadd.s32 $0x0, s13;
	[sflag:s16] =	ssyncset.done $0x0  }
0x2c: {  	s24 =	sadd.s32 $0xA0, s14;
	s23 =	simm.s32 $0x14;
	[sflag:s16] =	ssyncadd.s32 $0xFFFFD800  }
.LBB2_2:
0x2d: {  	[tilespmem:s18], [sflag:$0x2] =	stream.linear.gather [hbm4b:s25+s3], $0x50, $0x38;
	[tilespmem:$0x16180] =	vst v63  }
0x2e: {  	s25 =	smov.u32 s23  }
0x2f: {  	p0 =	sne.s32 s23, $0x4B0;
	s23 =	sadd.s32 $0x14, s23;
	_ =	swait.ge [sflag:s19], $0x50  }
0x30: {  	[sflag:s19] =	ssyncset.done $0x0  }
0x31: {  	[sflag:s19] =	ssyncadd.s32 $0xFFFFFFB0  }
0x32: {  	[spmem:s2] =	stream.indirect.scatter.add.f32 [tilespmem:s17], [sflag:$0x3], $0x80, s3, s20, $0xb8;
	[tilespmem:$0x16180] =	vst v63  }
0x33: {  	_ =	swait.ge [sflag:s16], $0x2800  }
0x34: {  	s26 =	sshrl.u32 s24, $0x3;
	[sflag:s16] =	ssyncset.done $0x0  }
0x35: {  	s26 =	sadd.s32 s4, s26;
	[sflag:s16] =	ssyncadd.s32 $0xFFFFD800  }
0x36: {  	[tilespmem:s3], [sflag:$0x1] =	stream.linear.gather [hbm4b:s26+s3], $0x50, $0x38;
	[tilespmem:$0x16180] =	vst v63  }
0x37: {  	_ =	swait.ge [sflag:s21], $0x50  }
0x38: {  	[sflag:s21] =	ssyncset.done $0x0  }
.Ltmp0:
0x39: {  	[sflag:s21] =	ssyncadd.s32 $0xFFFFFFB0;
	(pc) =	sbr.rel @p0 .LBB2_2-.Ltmp0, $4  }
0x3a: {  	[spmem:s2] =	stream.indirect.scatter.add.f32 [tilespmem:s17], [sflag:$0x3], $0x80, s18, s20, $0xb8;
	[tilespmem:$0x16180] =	vst v63  }
0x3b: {  	_ =	swait.ge [sflag:s16], $0x2800  }
0x3c: {  	[sflag:s16] =	ssyncset.done $0x0  }
0x3d: {  	s24 =	sadd.s32 $0xA0, s24;
	s25 =	sadd.s32 s25, s13;
	[sflag:s16] =	ssyncadd.s32 $0xFFFFD800  }
0x3e: {  	[tilespmem:s18], [sflag:$0x2] =	stream.linear.gather [hbm4b:s25+s3], $0x50, $0x38;
	[tilespmem:$0x16180] =	vst v63  }
0x3f: {  	_ =	swait.ge [sflag:s19], $0x50  }
0x40: {  	[sflag:s19] =	ssyncset.done $0x0  }
0x41: {  	[sflag:s19] =	ssyncadd.s32 $0xFFFFFFB0  }
0x42: {  	[spmem:s2] =	stream.indirect.scatter.add.f32 [tilespmem:s17], [sflag:$0x3], $0x80, s3, s20, $0xb8;
	[tilespmem:$0x16180] =	vst v63  }
0x43: {  	_ =	swait.ge [sflag:s16], $0x2800  }
0x44: {  	[sflag:s16] =	ssyncset.done $0x0  }
0x45: {  	[sflag:s16] =	ssyncadd.s32 $0xFFFFD800  }
0x46: {  	[tilespmem:s3], [sflag:$0x1] =	stream.linear.gather [hbm4b:s12+s3], $0x50, $0x38;
	[tilespmem:$0x16180] =	vst v63  }
0x47: {  	_ =	swait.ge [sflag:s21], $0x50  }
0x48: {  	[sflag:s21] =	ssyncset.done $0x0  }
0x49: {  	[sflag:s21] =	ssyncadd.s32 $0xFFFFFFB0  }
0x4a: {  	[spmem:s2] =	stream.indirect.scatter.add.f32 [tilespmem:s17], [sflag:$0x3], $0x80, s18, s20, $0xb8;
	[tilespmem:$0x16180] =	vst v63  }
0x4b: {  	_ =	swait.ge [sflag:s16], $0x2800  }
0x4c: {  	[sflag:s16] =	ssyncset.done $0x0  }
0x4d: {  	[sflag:s16] =	ssyncadd.s32 $0xFFFFD800  }
0x4e: {  	_ =	swait.ge [sflag:s19], $0x50  }
0x4f: {  	[sflag:s19] =	ssyncset.done $0x0  }
0x50: {  	[sflag:s19] =	ssyncadd.s32 $0xFFFFFFB0  }
0x51: {  	[spmem:s2] =	stream.indirect.scatter.add.f32 [tilespmem:s17], [sflag:$0x3], $0x80, s3, s20, $0xb8;
	[tilespmem:$0x16180] =	vst v63  }
0x52: {  	_ =	swait.ge [sflag:s16], $0x2800  }
0x53: {  	s22 =	sadd.s32 $0x1, s22;
	[sflag:s16] =	ssyncset.done $0x0  }
0x54: {  	p0 =	sne.s32 s22, s11;
	[sflag:s16] =	ssyncadd.s32 $0xFFFFD800  }
.Ltmp1:
0x55: {  	[bflag:$0x0] =	sbarrier.arrive $0xFFFF;
	(pc) =	sbr.rel @p0 .LBB2_1-.Ltmp1, $4  }
0x56: {  	[hbm:s10], [sflag:s7] =	dma.local [spmem:s15], $0x2710  }
0x57: {  	_ =	swait.ge [sflag:s16], $0x2710  }
0x58: {  	[sflag:s16] =	ssyncset.done $0x0  }
0x59: {  	[sflag:s16] =	ssyncadd.s32 $0xFFFFD8F0  }
0x5a: {  	_ =	sfence.sel $0x180000  }
0x5b: {  	[bflag:$0x0] =	sbarrier.arrive $0xFFFF  }
0x5c: {  	p0 =	sne.s32 s1, $0x0;
	_ =	strace $0x90000047  }
0x5d: {  	s0 =	sadd.s32 @!p0 $0x100000, s0;
	[bflag:$0x2] =	sbarrier.arrive $0xFFFF  }
0x5e: {  	[sflag:s0] =	ssyncadd.tile.s32 @!p0 $0x1;
	_ =	shalt  }
.Lfunc_end2:
_tile_overlayer_lowered:
.L_overlay_start_2:
0x5f: {  	(tag) =	ssettag $0x2  }
0x60: {  	s0 =	rddreg [dreg:$0x0];
	s2 =	stileid.u32  }
0x61: {  	s1 =	rddreg [dreg:$0x1];
	p0 =	sne.s32 s2, $0x0  }
0x62: {  	s3 =	rddreg [dreg:$0x2];
	[bflag:$0x3] =	sbarrier.arrive $0xFFFF;
	s2 =	simm.s32 @!p0 $0x1C03  }
0x63: {  	[timem:s3], [sflag:s2] =	dma.local @!p0 [hbm:s0], s1  }
0x64: {  	s0 =	simm.s32 @!p0 $0x3  }
0x65: {  	_ =	swait.ge @!p0 [sflag:s0], s1  }
0x66: {  	s1 =	ssub.s32 @!p0 $0x0, s1;
	[sflag:s0] =	ssyncset.done @!p0 $0x0  }
0x67: {  	[sflag:s0] =	ssyncadd.s32 @!p0 s1  }
0x68: {  	[bflag:$0x3] =	sbarrier.arrive $0xFFFF  }
0x69: {  	_ =	shalt  }

// kernel: kernel.13.cloned.1.call-start
scs
__scs_entry_jumppad:
0x0: {  	(pc) =	sbr.rel $0x88, $3  }
0x1: {  	(tag) =	ssettag $0x0;
	lr =	simm.s32 $0x1  }
0x2: {  	[smem:$0x3F90] =	sst lr;
	_ =	strace $0xD0000000  }
0x3: {  	_ = 	snop  }
0x4: {  	_ = 	snop  }
0x5: {  	_ = 	snop  }
0x6: {  	_ = 	snop  }
0x7: {  	_ = 	snop  }
__scs_overlays_trampoline_lowered:
0x8: {  	[smem:$0x3F9F] =	sst s0  }
0x9: {  	[smem:$0x3FA0] =	sst s1  }
0xa: {  	[smem:$0x3FA1] =	sst s2  }
0xb: {  	[smem:$0x3FA2] =	sst s3  }
0xc: {  	[smem:$0x3FA3] =	sst s4  }
0xd: {  	[smem:$0x3FA4] =	sst s5  }
0xe: {  	[smem:$0x3FA5] =	sst s6  }
0xf: {  	[smem:$0x3FA6] =	sst s7  }
0x10: {  	[smem:$0x3FA7] =	sst s8  }
0x11: {  	[smem:$0x3FA8] =	sst s9;
	s0 =	simm.s32 @!p0 $0x0  }
0x12: {  	s1 =	sld [smem:$0x3F8E];
	s0 =	simm.s32 @p0 $0x1  }
0x13: {  	[smem:$0x3FA9] =	sst s0;
	s0 =	simm.s32 @!p1 $0x0  }
0x14: {  	s2 =	sld [smem:$0x3F8D];
	s0 =	simm.s32 @p1 $0x1  }
0x15: {  	[smem:$0x3FAA] =	sst s0;
	s0 =	simm.s32 @!p2 $0x0  }
0x16: {  	s3 =	sld [smem:$0x3FDB];
	s0 =	simm.s32 @p2 $0x1  }
0x17: {  	s4 =	simm.s32 $0x1BF5;
	[smem:$0x3FAC] =	sst s0  }
0x18: {  	s0 =	sld [smem:$0x3F8F];
	_ =	swait.ge [sflag:s4], $0x0  }
0x19: {  	s7 =	sld [smem:$0x3F90]  }
0x1a: {  	s8 =	sadd.s32 $0xFFFFE003, lr  }
0x1b: {  	s9 =	sadd.s32 $0xFFFFFEF7, lr;
	s5 =	simm.s32 $0xFFFFFFFF;
	p2 =	slt.u32 s8, $0xFFFFF086  }
0x1c: {  	p1 =	slt.u32 s9, $0xF7A;
	s5 =	simm.s32 @!p2 $0x0  }
0x1d: {  	s5 =	simm.s32 @p1 $0x1;
	p0 =	seq.s32 s7, s2  }
0x1e: {  	s7 =	smul.u32 @!p0 $0xF7A, s2;
	p2 =	seq.s32 @!p0 s5, $0x0  }
0x1f: {  	s9 =	smul.u32 $0xF7A, s1;
	s8 =	simm.s32 @!p0 $0x1BF5;
	p2 =	por !p2, p0  }
0x20: {  	[sflag:s8] =	ssyncset.s32 @!p0 $0xFFFFF086;
	s6 =	sadd.s32 @!p0 s3, s7;
	s7 =	simm.s32 @!p0 $0x108  }
0x21: {  	s3 =	sadd.s32 s3, s9;
	s6 =	sadd.s32 @!p0 $0x88, s6;
	s7 =	simm.s32 @p2 $0x1082  }
0x22: {  	[simem:s7], [sflag:s8] =	dma.local @!p0 [hbm:s6], $0xF7A  }
0x23: {  	s9 =	sor.u32 $0xD0000000, s2;
	s6 =	simm.s32 $0x108;
	_ =	swait.ge @!p0 [sflag:s8], $0x0  }
0x24: {  	s3 =	sadd.s32 $0x88, s3;
	s6 =	simm.s32 @!p1 $0x1082;
	[sflag:s4] =	ssyncset.s32 $0xFFFFF086  }
0x25: {  	[simem:s6], [sflag:s4] =	dma.local [hbm:s3], $0xF7A  }
0x26: {  	[smem:$0x3F90] =	sst s1;
	(tag) =	ssettag s2;
	_ =	strace s9  }
0x27: {  	s1 =	sld [smem:$0x3FA0]  }
0x28: {  	s2 =	sld [smem:$0x3FA1]  }
0x29: {  	s4 =	sld [smem:$0x3FA3]  }
0x2a: {  	p0 =	seq.s32 s5, $0x0;
	s5 =	sld [smem:$0x3FA4]  }
0x2b: {  	s6 =	sld [smem:$0x3FA5]  }
0x2c: {  	s7 =	sld [smem:$0x3FA6]  }
0x2d: {  	s3 =	simm.s32 $0x108;
	s8 =	sld [smem:$0x3FA7]  }
0x2e: {  	s3 =	simm.s32 @!p0 $0x1082;
	s9 =	sld [smem:$0x3FA8]  }
0x2f: {  	lr =	sadd.s32 s0, s3;
	s0 =	sld [smem:$0x3F9F]  }
0x30: {  	s3 =	sld [smem:$0x3FA2]  }
0x31: {  	[smem:$0x3FAB] =	sst s10  }
0x32: {  	s10 =	sld [smem:$0x3FA9];
	_ =	sdelay $0x3  }
0x33: {  	p0 =	seq.s32 s10, $0x1;
	s10 =	sld [smem:$0x3FAB];
	_ =	sdelay $0x3  }
0x34: {  	[smem:$0x3FAB] =	sst s10  }
0x35: {  	s10 =	sld [smem:$0x3FAA];
	_ =	sdelay $0x3  }
0x36: {  	p1 =	seq.s32 s10, $0x1;
	s10 =	sld [smem:$0x3FAB];
	_ =	sdelay $0x3  }
0x37: {  	[smem:$0x3FAB] =	sst s10  }
0x38: {  	s10 =	sld [smem:$0x3FAC]  }
0x39: {  	_ = 	snop;
	(pc) =	sbr.ind lr, $3  }
0x3a: {  	_ = 	snop  }
0x3b: {  	_ = 	snop  }
0x3c: {  	p2 =	seq.s32 s10, $0x1;
	s10 =	sld [smem:$0x3FAB]  }
0x3d: {  	_ =	shalt  }
0x3e: {  	_ =	shalt  }
0x3f: {  	_ =	shalt  }
0x40: {  	_ =	shalt  }
0x41: {  	_ =	shalt  }
0x42: {  	_ =	shalt  }
0x43: {  	_ =	shalt  }
0x44: {  	_ =	shalt  }
0x45: {  	_ =	shalt  }
0x46: {  	_ =	shalt  }
0x47: {  	_ =	shalt  }
0x48: {  	_ =	shalt  }
0x49: {  	_ =	shalt  }
0x4a: {  	_ =	shalt  }
0x4b: {  	_ =	shalt  }
0x4c: {  	_ =	shalt  }
0x4d: {  	_ =	shalt  }
0x4e: {  	_ =	shalt  }
0x4f: {  	_ =	shalt  }
0x50: {  	_ =	shalt  }
0x51: {  	_ =	shalt  }
0x52: {  	_ =	shalt  }
0x53: {  	_ =	shalt  }
0x54: {  	_ =	shalt  }
0x55: {  	_ =	shalt  }
0x56: {  	_ =	shalt  }
0x57: {  	_ =	shalt  }
0x58: {  	_ =	shalt  }
0x59: {  	_ =	shalt  }
0x5a: {  	_ =	shalt  }
0x5b: {  	_ =	shalt  }
0x5c: {  	_ =	shalt  }
0x5d: {  	_ =	shalt  }
0x5e: {  	_ =	shalt  }
0x5f: {  	_ =	shalt  }
0x60: {  	_ =	shalt  }
0x61: {  	_ =	shalt  }
0x62: {  	_ =	shalt  }
0x63: {  	_ =	shalt  }
0x64: {  	_ =	shalt  }
0x65: {  	_ =	shalt  }
0x66: {  	_ =	shalt  }
0x67: {  	_ =	shalt  }
0x68: {  	_ =	shalt  }
0x69: {  	_ =	shalt  }
0x6a: {  	_ =	shalt  }
0x6b: {  	_ =	shalt  }
0x6c: {  	_ =	shalt  }
0x6d: {  	_ =	shalt  }
0x6e: {  	_ =	shalt  }
0x6f: {  	_ =	shalt  }
0x70: {  	_ =	shalt  }
0x71: {  	_ =	shalt  }
0x72: {  	_ =	shalt  }
0x73: {  	_ =	shalt  }
0x74: {  	_ =	shalt  }
0x75: {  	_ =	shalt  }
0x76: {  	_ =	shalt  }
0x77: {  	_ =	shalt  }
0x78: {  	_ =	shalt  }
0x79: {  	_ =	shalt  }
0x7a: {  	_ =	shalt  }
0x7b: {  	_ =	shalt  }
0x7c: {  	_ =	shalt  }
0x7d: {  	_ =	shalt  }
0x7e: {  	_ =	shalt  }
0x7f: {  	_ =	shalt  }
0x80: {  	_ =	shalt  }
0x81: {  	_ =	shalt  }
0x82: {  	_ =	shalt  }
0x83: {  	_ =	shalt  }
0x84: {  	_ =	shalt  }
0x85: {  	_ =	shalt  }
0x86: {  	_ =	shalt  }
0x87: {  	_ =	shalt  }
.Lfunc_end0:
.L_simem_size_0:
called_computation.1_lowered:
.L_overlay_start_0:
0x88: {  	s2 =	sld [smem:$0x3FD9]  }
0x89: {  	s3 =	sld [smem:$0x3FFE];
	_ =	sdelay $0x1  }
0x8a: {  	s1 =	srdreg.scid  }
0x8b: {  	s0 =	sand.u32 $0x1, s1  }
0x8c: {  	s16 =	sshll.u32 s0, $0xA;
	s2 =	sadd.s32 s3, s2  }
0x8d: {  	s2 =	sadd.s32 s2, s16  }
0x8e: {  	[smem:$0x3FB7] =	sst s2  }
0x8f: {  	_ = 	snop  }
0x90: {  	(tm) =	ssettm $0x1  }
0x91: {  	s17 =	sld [smem:$0x3FFB];
	_ =	sdelay $0x3  }
0x92: {  	_ =	strace s17  }
0x93: {  	s2 =	sld [smem:$0x3FFC];
	_ =	sdelay $0x3  }
0x94: {  	_ =	strace s2  }
0x95: {  	s2 =	sld [smem:$0x3FFD];
	_ =	sdelay $0x3  }
0x96: {  	_ =	strace s2  }
0x97: {  	_ =	strace $0x8FFFFFFF  }
0x98: {  	s18 =	sld [smem:$0x3FDB];
	_ =	sdelay $0x1  }
0x99: {  	s19 =	simm.s32 $_scs_section_size  }
0x9a: {  	s4 =	simm.s32 $_size__tile_overlayer_lowered;
	s5 =	simm.s32 $_tile_overlayer_lowered  }
0x9b: {  	s22 =	simm.s32 $0x1BFF;
	s21 =	sshll.u32 s5, $0x1;
	s2 =	sadd.s32 s19, s18  }
0x9c: {  	s6 =	simm.s32 $0x0;
	s20 =	sshll.u32 s4, $0x1;
	s4 =	sadd.s32 s21, s2  }
0x9d: {  	[timem:s6], [sflag:s22] =	dma.local [hbm:s4], s20  }
0x9e: {  	_ =	swait.ge [sflag:s22], s20  }
0x9f: {  	s3 =	ssub.s32 $0x0, s20;
	[sflag:s22] =	ssyncset.done $0x0  }
0xa0: {  	[sflag:s22] =	ssyncadd.s32 s3;
	_ =	sdelay $0x1  }
0xa1: {  	s23 =	simm.s32 $0x1B8B  }
0xa2: {  	_ =	swait.ge [sflag:s23], $0x1  }
0xa3: {  	[sflag:s23] =	ssyncset.done $0x0  }
0xa4: {  	s25 =	simm.s32 $0x1B8E;
	s24 =	sld [smem:$0x3FFE];
	[sflag:s23] =	ssyncadd.s32 $0xFFFFFFFF  }
0xa5: {  	s26 =	simm.s32 $execute0_lowered;
	[smem:$0x3FD2] =	sst s25  }
0xa6: {  	s4 =	sshll.u32 s26, $0x1;
	_ =	strace $0x80000049;
	[dreg:$0x1] =	wrdreg $0xFFFFFFFF  }
0xa7: {  	s28 =	simm.s32 $_size_execute0_lowered;
	s2 =	sadd.s32 s2, s4;
	[dreg:$0x0] =	wrdreg $0x0  }
0xa8: {  	s4 =	sshll.u32 s28, $0x1;
	[dreg:$0x2] =	wrdreg s2  }
0xa9: {  	[dreg:$0x3] =	wrdreg s4  }
0xaa: {  	[dreg:$0x4] =	wrdreg $0xC0  }
0xab: {  	_ =	task [dreg:s6], $0x5FFFF  }
0xac: {  	[dreg:$0x1] =	wrdreg $0xFFFFFFFF  }
0xad: {  	[dreg:$0x0] =	wrdreg $0x60  }
0xae: {  	[dreg:$0x2] =	wrdreg s24  }
0xaf: {  	[dreg:$0x3] =	wrdreg $0x52000  }
0xb0: {  	[dreg:$0x4] =	wrdreg $0x9  }
0xb1: {  	_ =	task.clear_ibuf [dreg:s6], $0x5FFFF;
	_ =	strace $0x90000049  }
0xb2: {  	s29 =	simm.s32 $0x9;
	_ =	strace $0x8000004B  }
0xb3: {  	_ =	swait.ge [sflag:s29], $0x1  }
0xb4: {  	[sflag:s29] =	ssyncadd.s32 $0xFFFFFFFF  }
0xb5: {  	_ =	strace $0x9000004B  }
0xb6: {  	_ =	sfence  }
0xb7: {  	s30 =	sld [smem:$0x0];
	_ =	sdelay $0x2  }
0xb8: {  	s31 =	sshll.u32 s1, $0xD;
	s1 =	sshrl.u32 s1, $0x2  }
0xb9: {  	s3 =	sand.u32 $0x4000, s31;
	s1 =	sadd.s32 s1, s30  }
0xba: {  	s0 =	sor.u32 s3, s0;
	s1 =	sshll.u32 s1, $0x11  }
0xbb: {  	s0 =	sor.u32 s1, s0  }
0xbc: {  	s0 =	sadd.s32 $0x8F2B, s0  }
0xbd: {  	[sflag:s0] =	ssyncadd.remote.s32 $0x1  }
0xbe: {  	_ =	sfence.sel $0xFFFF  }
0xbf: {  	[dreg:$0x0] =	wrdreg $0xFFFFFFFF;
	(pc) =	sbr.abs _section_cstart, $3  }
0xc0: {  	[dreg:$0x1] =	wrdreg $0xFFFFFFFF  }
0xc1: {  	_ =	task.clear_ibuf [dreg:s6], $0x2FFFF;
	_ =	strace $0x9FFFFFFF  }
0xc2: {  	(tm) =	ssettm $0x7FFFFFFF  }
0xc3: {  	_ =	shalt  }
tec
execute0_lowered:
.L_overlay_start_1:
0x0: {  	(tag) =	ssettag $0x1  }
0x1: {  	s0 =	rddreg [dreg:$0x0]  }
0x2: {  	s1 =	rddreg [dreg:$0x1]  }
0x3: {  	s2 =	srdreg.scid;
	s3 =	simm.s32 $0x0;
	s12 =	stileid.u32  }
0x4: {  	s28 =	simm.s32 $0x200;
	s29 =	simm.s32 $0x4;
	s30 =	simm.s32 $0x2A00  }
0x5: {  	s31 =	simm.s32 $0x3;
	s2 =	sand.u32 $0x1, s2;
	[smem:$0x7FF] =	sst s3  }
0x6: {  	s7 =	smul.u32 $0x2780, s12;
	s5 =	sadd.s32 $0x3E00, s0;
	s6 =	sadd.s32 $0xDC00, s0  }
0x7: {  	s10 =	smul.u32 $0x4E200, s12;
	s17 =	sshll.u32 s12, $0x6;
	s4 =	sshll.u32 s2, $0x4  }
0x8: {  	_ =	strace $0x8000004A;
	s16 =	ssub.s32 $0x2, s2;
	s2 =	smul.u32 $0x27100, s2  }
0x9: {  	s8 =	sor.u32 s12, s4;
	s4 =	sadd.s32 $0x3F200, s0;
	s12 =	smul.u32 $0x2710, s12  }
0xa: {  	s7 =	sadd.s32 s7, s0;
	s11 =	sshrl.u32 s16, $0x1;
	s9 =	smul.u32 $0x2780, s8  }
0xb: {  	s10 =	sshrl.u32 s10, $0x2;
	s8 =	smul.u32 $0x2710, s8;
	s7 =	sadd.s32 $0x17A00, s7  }
0xc: {  	s10 =	sadd.s32 s10, s1;
	[dreg:$0x3] =	wrdreg s7;
	s22 =	sadd.s32 s12, s2  }
0xd: {  	s2 =	simm.s32 $0x6;
	s0 =	sadd.s32 s9, s0;
	s9 =	ssub.s32 s16, s11  }
0xe: {  	s18 =	sshrl.u32 s8, $0x3;
	s8 =	sor.u32 $0x1C07, s17;
	s25 =	sadd.s32 $0xF0, s22  }
0xf: {  	s19 =	sadd.s32 $0xA, s18;
	s13 =	sadd.s32 s5, s18;
	s20 =	sadd.s32 s6, s18  }
0x10: {  	s0 =	sadd.s32 $0x66400, s0;
	s23 =	smax.u32 s9, $0x1;
	[dreg:$0x4] =	wrdreg s13  }
0x11: {  	s24 =	sadd.s32 $0x4D8, s18;
	s26 =	sshrl.u32 s25, $0x3;
	[dreg:$0x5] =	wrdreg s20  }
0x12: {  	s25 =	simm.s32 $0x1;
	s9 =	simm.s32 $0x0;
	[dreg:$0x8] =	wrdreg s0  }
0x13: {  	s21 =	sadd.s32 s5, s19;
	s7 =	sadd.s32 s6, s19;
	[dreg:$0x9] =	wrdreg s23  }
0x14: {  	s15 =	sadd.s32 s5, s24;
	s16 =	sadd.s32 s6, s24;
	s17 =	sadd.s32 s26, s6  }
0x15: {  	s18 =	sadd.s32 s26, s5;
	s19 =	sadd.s32 $0xA0, s22;
	s20 =	sshrl.u32 s10, $0x3  }
0x16: {  	s22 =	simm.s32 $0x80;
	s23 =	simm.s32 $0x100;
	s24 =	simm.s32 $0x180  }
0x17: {  	s26 =	simm.s32 $0x50;
	s0 =	simm.s32 $0x2;
	[dreg:$0x6] =	wrdreg s21  }
0x18: {  	[dreg:$0x7] =	wrdreg s7;
	s21 =	simm.s32 $0x7;
	s7 =	simm.s32 $0x5  }
.LBB2_1:
0x19: {  	s10 =	rddreg [dreg:$0x3]  }
0x1a: {  	[spmem:s20], [sflag:s8] =	dma.local [hbm:s10], $0x2710  }
0x1b: {  	_ =	swait.ge [sflag:s21], $0x2710  }
0x1c: {  	[sflag:s21] =	ssyncset.done $0x0  }
0x1d: {  	[sflag:s21] =	ssyncadd.s32 $0xFFFFD8F0  }
0x1e: {  	[bflag:$0x0] =	sbarrier.arrive $0xFFFF  }
0x1f: {  	s12 =	rddreg [dreg:$0x4]  }
0x20: {  	[tilespmem:s3], [sflag:$0x1] =	stream.linear.gather [hbm4b:s12+s3], $0x50, $0x38;
	[tilespmem:$0x18A80] =	vst v63  }
0x21: {  	s13 =	rddreg [dreg:$0x5]  }
0x22: {  	[tilespmem:s22], [sflag:$0x2] =	stream.linear.gather [hbm4b:s13+s3], $0x50, $0x38;
	[tilespmem:$0x18A80] =	vst v63  }
0x23: {  	s14 =	rddreg [dreg:$0x6]  }
0x24: {  	[tilespmem:s23], [sflag:$0x4] =	stream.linear.gather [hbm4b:s14+s3], $0x50, $0x38;
	[tilespmem:$0x18A80] =	vst v63  }
0x25: {  	s11 =	rddreg [dreg:$0x7]  }
0x26: {  	[tilespmem:s24], [sflag:$0x5] =	stream.linear.gather [hbm4b:s11+s3], $0x50, $0x38;
	[tilespmem:$0x18A80] =	vst v63  }
0x27: {  	_ =	swait.ge [sflag:s25], $0x50  }
0x28: {  	[sflag:s25] =	ssyncset.done $0x0  }
0x29: {  	[sflag:s25] =	ssyncadd.s32 $0xFFFFFFB0  }
0x2a: {  	[tilespmem:s28], [sflag:$0x3] =	stream.indirect.gather [hbm4b:s4+s26], $0x80, s3, s26, $0xb8;
	[tilespmem:$0x18A80] =	vst v63  }
0x2b: {  	_ =	swait.ge [sflag:s29], $0x50  }
0x2c: {  	[sflag:s29] =	ssyncset.done $0x0  }
0x2d: {  	[sflag:s29] =	ssyncadd.s32 $0xFFFFFFB0  }
0x2e: {  	[tilespmem:s30], [sflag:$0x6] =	stream.indirect.gather [hbm4b:s4+s26], $0x80, s23, s26, $0xb8;
	[tilespmem:$0x18A80] =	vst v63  }
0x2f: {  	_ =	swait.ge [sflag:s31], $0x2800  }
0x30: {  	[sflag:s31] =	ssyncset.done $0x0  }
0x31: {  	[sflag:s31] =	ssyncadd.s32 $0xFFFFD800  }
0x32: {  	_ =	swait.ge [sflag:s0], $0x50  }
0x33: {  	[sflag:s0] =	ssyncset.done $0x0  }
0x34: {  	[sflag:s0] =	ssyncadd.s32 $0xFFFFFFB0  }
0x35: {  	[spmem:s1] =	stream.indirect.scatter.add.f32 [tilespmem:s28], [sflag:$0x7], $0x80, s22, s26, $0xb8;
	[tilespmem:$0x18A80] =	vst v63  }
0x36: {  	_ =	swait.ge [sflag:s21], $0x2800  }
0x37: {  	s12 =	sshrl.u32 s19, $0x3;
	[sflag:s21] =	ssyncset.done $0x0  }
0x38: {  	s11 =	sadd.s32 s5, s12;
	[sflag:s21] =	ssyncadd.s32 $0xFFFFD800  }
0x39: {  	[tilespmem:s3], [sflag:$0x1] =	stream.linear.gather [hbm4b:s11+s3], $0x50, $0x38;
	[tilespmem:$0x18A80] =	vst v63  }
0x3a: {  	s10 =	sadd.s32 s6, s12  }
0x3b: {  	[tilespmem:s22], [sflag:$0x2] =	stream.linear.gather [hbm4b:s10+s3], $0x50, $0x38;
	[tilespmem:$0x18A80] =	vst v63  }
0x3c: {  	_ =	swait.ge [sflag:s2], $0x2800  }
0x3d: {  	[sflag:s2] =	ssyncset.done $0x0  }
0x3e: {  	[sflag:s2] =	ssyncadd.s32 $0xFFFFD800  }
0x3f: {  	_ =	swait.ge [sflag:s7], $0x50  }
0x40: {  	[sflag:s7] =	ssyncset.done $0x0  }
0x41: {  	[sflag:s7] =	ssyncadd.s32 $0xFFFFFFB0  }
0x42: {  	[spmem:s1] =	stream.indirect.scatter.add.f32 [tilespmem:s30], [sflag:$0x7], $0x80, s24, s26, $0xb8;
	[tilespmem:$0x18A80] =	vst v63  }
0x43: {  	_ =	swait.ge [sflag:s21], $0x2800  }
0x44: {  	[sflag:s21] =	ssyncset.done $0x0  }
0x45: {  	s13 =	sadd.s32 $0x0, s18;
	[sflag:s21] =	ssyncadd.s32 $0xFFFFD800  }
0x46: {  	[tilespmem:s23], [sflag:$0x4] =	stream.linear.gather [hbm4b:s13+s3], $0x50, $0x38;
	[tilespmem:$0x18A80] =	vst v63  }
0x47: {  	s14 =	sadd.s32 $0x0, s17  }
0x48: {  	[tilespmem:s24], [sflag:$0x5] =	stream.linear.gather [hbm4b:s14+s3], $0x50, $0x38;
	[tilespmem:$0x18A80] =	vst v63  }
0x49: {  	_ =	swait.ge [sflag:s25], $0x50  }
0x4a: {  	[sflag:s25] =	ssyncset.done $0x0  }
0x4b: {  	s11 =	sadd.s32 $0xA0, s19;
	s10 =	simm.s32 $0x14;
	[sflag:s25] =	ssyncadd.s32 $0xFFFFFFB0  }
.LBB2_2:
0x4c: {  	[tilespmem:s28], [sflag:$0x3] =	stream.indirect.gather [hbm4b:s4+s26], $0x80, s3, s26, $0xb8;
	[tilespmem:$0x18A80] =	vst v63  }
0x4d: {  	s12 =	smov.u32 s10  }
0x4e: {  	p0 =	sne.s32 s10, $0x4B0;
	s10 =	sadd.s32 $0x14, s10;
	_ =	swait.ge [sflag:s29], $0x50  }
0x4f: {  	[sflag:s29] =	ssyncset.done $0x0  }
0x50: {  	[sflag:s29] =	ssyncadd.s32 $0xFFFFFFB0  }
0x51: {  	[tilespmem:s30], [sflag:$0x6] =	stream.indirect.gather [hbm4b:s4+s26], $0x80, s23, s26, $0xb8;
	[tilespmem:$0x18A80] =	vst v63  }
0x52: {  	_ =	swait.ge [sflag:s31], $0x2800  }
0x53: {  	[sflag:s31] =	ssyncset.done $0x0  }
0x54: {  	[sflag:s31] =	ssyncadd.s32 $0xFFFFD800  }
0x55: {  	_ =	swait.ge [sflag:s0], $0x50  }
0x56: {  	[sflag:s0] =	ssyncset.done $0x0  }
0x57: {  	[sflag:s0] =	ssyncadd.s32 $0xFFFFFFB0  }
0x58: {  	[spmem:s1] =	stream.indirect.scatter.add.f32 [tilespmem:s28], [sflag:$0x7], $0x80, s22, s26, $0xb8;
	[tilespmem:$0x18A80] =	vst v63  }
0x59: {  	_ =	swait.ge [sflag:s21], $0x2800  }
0x5a: {  	s13 =	sshrl.u32 s11, $0x3;
	[sflag:s21] =	ssyncset.done $0x0  }
0x5b: {  	s14 =	sadd.s32 s5, s13;
	[sflag:s21] =	ssyncadd.s32 $0xFFFFD800  }
0x5c: {  	[tilespmem:s3], [sflag:$0x1] =	stream.linear.gather [hbm4b:s14+s3], $0x50, $0x38;
	[tilespmem:$0x18A80] =	vst v63  }
0x5d: {  	s13 =	sadd.s32 s6, s13  }
0x5e: {  	[tilespmem:s22], [sflag:$0x2] =	stream.linear.gather [hbm4b:s13+s3], $0x50, $0x38;
	[tilespmem:$0x18A80] =	vst v63  }
0x5f: {  	_ =	swait.ge [sflag:s2], $0x2800  }
0x60: {  	[sflag:s2] =	ssyncset.done $0x0  }
0x61: {  	[sflag:s2] =	ssyncadd.s32 $0xFFFFD800  }
0x62: {  	_ =	swait.ge [sflag:s7], $0x50  }
0x63: {  	[sflag:s7] =	ssyncset.done $0x0  }
0x64: {  	[sflag:s7] =	ssyncadd.s32 $0xFFFFFFB0  }
0x65: {  	[spmem:s1] =	stream.indirect.scatter.add.f32 [tilespmem:s30], [sflag:$0x7], $0x80, s24, s26, $0xb8;
	[tilespmem:$0x18A80] =	vst v63  }
0x66: {  	_ =	swait.ge [sflag:s21], $0x2800  }
0x67: {  	[sflag:s21] =	ssyncset.done $0x0  }
0x68: {  	s13 =	sadd.s32 s12, s18;
	[sflag:s21] =	ssyncadd.s32 $0xFFFFD800  }
0x69: {  	[tilespmem:s23], [sflag:$0x4] =	stream.linear.gather [hbm4b:s13+s3], $0x50, $0x38;
	[tilespmem:$0x18A80] =	vst v63  }
.Ltmp0:
0x6a: {  	s12 =	sadd.s32 s12, s17;
	(pc) =	sbr.rel @p0 .LBB2_2-.Ltmp0, $4  }
0x6b: {  	[tilespmem:s24], [sflag:$0x5] =	stream.linear.gather [hbm4b:s12+s3], $0x50, $0x38;
	[tilespmem:$0x18A80] =	vst v63  }
0x6c: {  	_ =	swait.ge [sflag:s25], $0x50  }
0x6d: {  	[sflag:s25] =	ssyncset.done $0x0  }
0x6e: {  	s11 =	sadd.s32 $0xA0, s11;
	[sflag:s25] =	ssyncadd.s32 $0xFFFFFFB0  }
0x6f: {  	[tilespmem:s28], [sflag:$0x3] =	stream.indirect.gather [hbm4b:s4+s26], $0x80, s3, s26, $0xb8;
	[tilespmem:$0x18A80] =	vst v63  }
0x70: {  	_ =	swait.ge [sflag:s29], $0x50  }
0x71: {  	[sflag:s29] =	ssyncset.done $0x0  }
0x72: {  	[sflag:s29] =	ssyncadd.s32 $0xFFFFFFB0  }
0x73: {  	[tilespmem:s30], [sflag:$0x6] =	stream.indirect.gather [hbm4b:s4+s26], $0x80, s23, s26, $0xb8;
	[tilespmem:$0x18A80] =	vst v63  }
0x74: {  	_ =	swait.ge [sflag:s31], $0x2800  }
0x75: {  	[sflag:s31] =	ssyncset.done $0x0  }
0x76: {  	[sflag:s31] =	ssyncadd.s32 $0xFFFFD800  }
0x77: {  	_ =	swait.ge [sflag:s0], $0x50  }
0x78: {  	[sflag:s0] =	ssyncset.done $0x0  }
0x79: {  	[sflag:s0] =	ssyncadd.s32 $0xFFFFFFB0  }
0x7a: {  	[spmem:s1] =	stream.indirect.scatter.add.f32 [tilespmem:s28], [sflag:$0x7], $0x80, s22, s26, $0xb8;
	[tilespmem:$0x18A80] =	vst v63  }
0x7b: {  	_ =	swait.ge [sflag:s21], $0x2800  }
0x7c: {  	[sflag:s21] =	ssyncset.done $0x0  }
0x7d: {  	[sflag:s21] =	ssyncadd.s32 $0xFFFFD800  }
0x7e: {  	[tilespmem:s3], [sflag:$0x1] =	stream.linear.gather [hbm4b:s15+s3], $0x50, $0x38;
	[tilespmem:$0x18A80] =	vst v63  }
0x7f: {  	_ = 	snop  }
0x80: {  	[tilespmem:s22], [sflag:$0x2] =	stream.linear.gather [hbm4b:s16+s3], $0x50, $0x38;
	[tilespmem:$0x18A80] =	vst v63  }
0x81: {  	_ =	swait.ge [sflag:s2], $0x2800  }
0x82: {  	[sflag:s2] =	ssyncset.done $0x0  }
0x83: {  	[sflag:s2] =	ssyncadd.s32 $0xFFFFD800  }
0x84: {  	_ =	swait.ge [sflag:s7], $0x50  }
0x85: {  	[sflag:s7] =	ssyncset.done $0x0  }
0x86: {  	[sflag:s7] =	ssyncadd.s32 $0xFFFFFFB0  }
0x87: {  	[spmem:s1] =	stream.indirect.scatter.add.f32 [tilespmem:s30], [sflag:$0x7], $0x80, s24, s26, $0xb8;
	[tilespmem:$0x18A80] =	vst v63  }
0x88: {  	_ =	swait.ge [sflag:s21], $0x2800  }
0x89: {  	[sflag:s21] =	ssyncset.done $0x0  }
0x8a: {  	[sflag:s21] =	ssyncadd.s32 $0xFFFFD800  }
0x8b: {  	_ =	swait.ge [sflag:s25], $0x50  }
0x8c: {  	[sflag:s25] =	ssyncset.done $0x0  }
0x8d: {  	[sflag:s25] =	ssyncadd.s32 $0xFFFFFFB0  }
0x8e: {  	[tilespmem:s28], [sflag:$0x3] =	stream.indirect.gather [hbm4b:s4+s26], $0x80, s3, s26, $0xb8;
	[tilespmem:$0x18A80] =	vst v63  }
0x8f: {  	_ =	swait.ge [sflag:s31], $0x2800  }
0x90: {  	[sflag:s31] =	ssyncset.done $0x0  }
0x91: {  	[sflag:s31] =	ssyncadd.s32 $0xFFFFD800  }
0x92: {  	_ =	swait.ge [sflag:s0], $0x50  }
0x93: {  	[sflag:s0] =	ssyncset.done $0x0  }
0x94: {  	[sflag:s0] =	ssyncadd.s32 $0xFFFFFFB0  }
0x95: {  	[spmem:s1] =	stream.indirect.scatter.add.f32 [tilespmem:s28], [sflag:$0x7], $0x80, s22, s26, $0xb8;
	[tilespmem:$0x18A80] =	vst v63  }
0x96: {  	_ =	swait.ge [sflag:s21], $0x2800  }
0x97: {  	[sflag:s21] =	ssyncset.done $0x0  }
0x98: {  	[sflag:s21] =	ssyncadd.s32 $0xFFFFD800  }
0x99: {  	[bflag:$0x0] =	sbarrier.arrive $0xFFFF  }
0x9a: {  	s10 =	rddreg [dreg:$0x8]  }
0x9b: {  	[hbm:s10], [sflag:s8] =	dma.local [spmem:s20], $0x2710  }
0x9c: {  	_ =	swait.ge [sflag:s21], $0x2710  }
0x9d: {  	s9 =	sadd.s32 $0x1, s9;
	s14 =	rddreg [dreg:$0x9]  }
0x9e: {  	p0 =	sne.s32 s9, s14  }
.Ltmp1:
0x9f: {  	_ = 	snop;
	(pc) =	sbr.rel @p0 .LBB2_1-.Ltmp1, $3  }
0xa0: {  	_ =	sdelay $0x1  }
0xa1: {  	[sflag:s21] =	ssyncset.done $0x0  }
0xa2: {  	[sflag:s21] =	ssyncadd.s32 $0xFFFFD8F0  }
0xa3: {  	_ =	sfence.sel $0x180000  }
0xa4: {  	[bflag:$0x0] =	sbarrier.arrive $0xFFFF  }
0xa5: {  	_ =	strace $0x9000004A  }
0xa6: {  	s0 =	stileid.u32;
	[bflag:$0x2] =	sbarrier.arrive $0xFFFF  }
0xa7: {  	p0 =	sne.s32 s0, $0x0;
	s0 =	rddreg [dreg:$0x2]  }
0xa8: {  	s0 =	sadd.s32 @!p0 $0x100000, s0  }
0xa9: {  	[sflag:s0] =	ssyncadd.tile.s32 @!p0 $0x1;
	_ =	shalt  }
.Lfunc_end2:
_tile_overlayer_lowered:
.L_overlay_start_2:
0xaa: {  	(tag) =	ssettag $0x2  }
0xab: {  	s0 =	rddreg [dreg:$0x0];
	s2 =	stileid.u32  }
0xac: {  	s1 =	rddreg [dreg:$0x1];
	p0 =	sne.s32 s2, $0x0  }
0xad: {  	s3 =	rddreg [dreg:$0x2];
	[bflag:$0x3] =	sbarrier.arrive $0xFFFF;
	s2 =	simm.s32 @!p0 $0x1C07  }
0xae: {  	[timem:s3], [sflag:s2] =	dma.local @!p0 [hbm:s0], s1  }
0xaf: {  	s0 =	simm.s32 @!p0 $0x7  }
0xb0: {  	_ =	swait.ge @!p0 [sflag:s0], s1  }
0xb1: {  	s1 =	ssub.s32 @!p0 $0x0, s1;
	[sflag:s0] =	ssyncset.done @!p0 $0x0  }
0xb2: {  	[sflag:s0] =	ssyncadd.s32 @!p0 s1  }
0xb3: {  	[bflag:$0x3] =	sbarrier.arrive $0xFFFF  }
0xb4: {  	_ =	shalt  }

// kernel: kernel.16.cloned.1.call-start
scs
__scs_entry_jumppad:
0x0: {  	(pc) =	sbr.rel $0x88, $3  }
0x1: {  	(tag) =	ssettag $0x0;
	lr =	simm.s32 $0x1  }
0x2: {  	[smem:$0x3F90] =	sst lr;
	_ =	strace $0xD0000000  }
0x3: {  	_ = 	snop  }
0x4: {  	_ = 	snop  }
0x5: {  	_ = 	snop  }
0x6: {  	_ = 	snop  }
0x7: {  	_ = 	snop  }
__scs_overlays_trampoline_lowered:
0x8: {  	[smem:$0x3F9F] =	sst s0  }
0x9: {  	[smem:$0x3FA0] =	sst s1  }
0xa: {  	[smem:$0x3FA1] =	sst s2  }
0xb: {  	[smem:$0x3FA2] =	sst s3  }
0xc: {  	[smem:$0x3FA3] =	sst s4  }
0xd: {  	[smem:$0x3FA4] =	sst s5  }
0xe: {  	[smem:$0x3FA5] =	sst s6  }
0xf: {  	[smem:$0x3FA6] =	sst s7  }
0x10: {  	[smem:$0x3FA7] =	sst s8  }
0x11: {  	[smem:$0x3FA8] =	sst s9;
	s0 =	simm.s32 @!p0 $0x0  }
0x12: {  	s1 =	sld [smem:$0x3F8E];
	s0 =	simm.s32 @p0 $0x1  }
0x13: {  	[smem:$0x3FA9] =	sst s0;
	s0 =	simm.s32 @!p1 $0x0  }
0x14: {  	s2 =	sld [smem:$0x3F8D];
	s0 =	simm.s32 @p1 $0x1  }
0x15: {  	[smem:$0x3FAA] =	sst s0;
	s0 =	simm.s32 @!p2 $0x0  }
0x16: {  	s3 =	sld [smem:$0x3FDB];
	s0 =	simm.s32 @p2 $0x1  }
0x17: {  	s4 =	simm.s32 $0x1BF5;
	[smem:$0x3FAC] =	sst s0  }
0x18: {  	s0 =	sld [smem:$0x3F8F];
	_ =	swait.ge [sflag:s4], $0x0  }
0x19: {  	s7 =	sld [smem:$0x3F90]  }
0x1a: {  	s8 =	sadd.s32 $0xFFFFE003, lr  }
0x1b: {  	s9 =	sadd.s32 $0xFFFFFEF7, lr;
	s5 =	simm.s32 $0xFFFFFFFF;
	p2 =	slt.u32 s8, $0xFFFFF086  }
0x1c: {  	p1 =	slt.u32 s9, $0xF7A;
	s5 =	simm.s32 @!p2 $0x0  }
0x1d: {  	s5 =	simm.s32 @p1 $0x1;
	p0 =	seq.s32 s7, s2  }
0x1e: {  	s7 =	smul.u32 @!p0 $0xF7A, s2;
	p2 =	seq.s32 @!p0 s5, $0x0  }
0x1f: {  	s9 =	smul.u32 $0xF7A, s1;
	s8 =	simm.s32 @!p0 $0x1BF5;
	p2 =	por !p2, p0  }
0x20: {  	[sflag:s8] =	ssyncset.s32 @!p0 $0xFFFFF086;
	s6 =	sadd.s32 @!p0 s3, s7;
	s7 =	simm.s32 @!p0 $0x108  }
0x21: {  	s3 =	sadd.s32 s3, s9;
	s6 =	sadd.s32 @!p0 $0x88, s6;
	s7 =	simm.s32 @p2 $0x1082  }
0x22: {  	[simem:s7], [sflag:s8] =	dma.local @!p0 [hbm:s6], $0xF7A  }
0x23: {  	s9 =	sor.u32 $0xD0000000, s2;
	s6 =	simm.s32 $0x108;
	_ =	swait.ge @!p0 [sflag:s8], $0x0  }
0x24: {  	s3 =	sadd.s32 $0x88, s3;
	s6 =	simm.s32 @!p1 $0x1082;
	[sflag:s4] =	ssyncset.s32 $0xFFFFF086  }
0x25: {  	[simem:s6], [sflag:s4] =	dma.local [hbm:s3], $0xF7A  }
0x26: {  	[smem:$0x3F90] =	sst s1;
	(tag) =	ssettag s2;
	_ =	strace s9  }
0x27: {  	s1 =	sld [smem:$0x3FA0]  }
0x28: {  	s2 =	sld [smem:$0x3FA1]  }
0x29: {  	s4 =	sld [smem:$0x3FA3]  }
0x2a: {  	p0 =	seq.s32 s5, $0x0;
	s5 =	sld [smem:$0x3FA4]  }
0x2b: {  	s6 =	sld [smem:$0x3FA5]  }
0x2c: {  	s7 =	sld [smem:$0x3FA6]  }
0x2d: {  	s3 =	simm.s32 $0x108;
	s8 =	sld [smem:$0x3FA7]  }
0x2e: {  	s3 =	simm.s32 @!p0 $0x1082;
	s9 =	sld [smem:$0x3FA8]  }
0x2f: {  	lr =	sadd.s32 s0, s3;
	s0 =	sld [smem:$0x3F9F]  }
0x30: {  	s3 =	sld [smem:$0x3FA2]  }
0x31: {  	[smem:$0x3FAB] =	sst s10  }
0x32: {  	s10 =	sld [smem:$0x3FA9];
	_ =	sdelay $0x3  }
0x33: {  	p0 =	seq.s32 s10, $0x1;
	s10 =	sld [smem:$0x3FAB];
	_ =	sdelay $0x3  }
0x34: {  	[smem:$0x3FAB] =	sst s10  }
0x35: {  	s10 =	sld [smem:$0x3FAA];
	_ =	sdelay $0x3  }
0x36: {  	p1 =	seq.s32 s10, $0x1;
	s10 =	sld [smem:$0x3FAB];
	_ =	sdelay $0x3  }
0x37: {  	[smem:$0x3FAB] =	sst s10  }
0x38: {  	s10 =	sld [smem:$0x3FAC]  }
0x39: {  	_ = 	snop;
	(pc) =	sbr.ind lr, $3  }
0x3a: {  	_ = 	snop  }
0x3b: {  	_ = 	snop  }
0x3c: {  	p2 =	seq.s32 s10, $0x1;
	s10 =	sld [smem:$0x3FAB]  }
0x3d: {  	_ =	shalt  }
0x3e: {  	_ =	shalt  }
0x3f: {  	_ =	shalt  }
0x40: {  	_ =	shalt  }
0x41: {  	_ =	shalt  }
0x42: {  	_ =	shalt  }
0x43: {  	_ =	shalt  }
0x44: {  	_ =	shalt  }
0x45: {  	_ =	shalt  }
0x46: {  	_ =	shalt  }
0x47: {  	_ =	shalt  }
0x48: {  	_ =	shalt  }
0x49: {  	_ =	shalt  }
0x4a: {  	_ =	shalt  }
0x4b: {  	_ =	shalt  }
0x4c: {  	_ =	shalt  }
0x4d: {  	_ =	shalt  }
0x4e: {  	_ =	shalt  }
0x4f: {  	_ =	shalt  }
0x50: {  	_ =	shalt  }
0x51: {  	_ =	shalt  }
0x52: {  	_ =	shalt  }
0x53: {  	_ =	shalt  }
0x54: {  	_ =	shalt  }
0x55: {  	_ =	shalt  }
0x56: {  	_ =	shalt  }
0x57: {  	_ =	shalt  }
0x58: {  	_ =	shalt  }
0x59: {  	_ =	shalt  }
0x5a: {  	_ =	shalt  }
0x5b: {  	_ =	shalt  }
0x5c: {  	_ =	shalt  }
0x5d: {  	_ =	shalt  }
0x5e: {  	_ =	shalt  }
0x5f: {  	_ =	shalt  }
0x60: {  	_ =	shalt  }
0x61: {  	_ =	shalt  }
0x62: {  	_ =	shalt  }
0x63: {  	_ =	shalt  }
0x64: {  	_ =	shalt  }
0x65: {  	_ =	shalt  }
0x66: {  	_ =	shalt  }
0x67: {  	_ =	shalt  }
0x68: {  	_ =	shalt  }
0x69: {  	_ =	shalt  }
0x6a: {  	_ =	shalt  }
0x6b: {  	_ =	shalt  }
0x6c: {  	_ =	shalt  }
0x6d: {  	_ =	shalt  }
0x6e: {  	_ =	shalt  }
0x6f: {  	_ =	shalt  }
0x70: {  	_ =	shalt  }
0x71: {  	_ =	shalt  }
0x72: {  	_ =	shalt  }
0x73: {  	_ =	shalt  }
0x74: {  	_ =	shalt  }
0x75: {  	_ =	shalt  }
0x76: {  	_ =	shalt  }
0x77: {  	_ =	shalt  }
0x78: {  	_ =	shalt  }
0x79: {  	_ =	shalt  }
0x7a: {  	_ =	shalt  }
0x7b: {  	_ =	shalt  }
0x7c: {  	_ =	shalt  }
0x7d: {  	_ =	shalt  }
0x7e: {  	_ =	shalt  }
0x7f: {  	_ =	shalt  }
0x80: {  	_ =	shalt  }
0x81: {  	_ =	shalt  }
0x82: {  	_ =	shalt  }
0x83: {  	_ =	shalt  }
0x84: {  	_ =	shalt  }
0x85: {  	_ =	shalt  }
0x86: {  	_ =	shalt  }
0x87: {  	_ =	shalt  }
.Lfunc_end0:
.L_simem_size_0:
called_computation.2_lowered:
.L_overlay_start_0:
0x88: {  	s2 =	sld [smem:$0x3FD9]  }
0x89: {  	s3 =	sld [smem:$0x3FFE];
	_ =	sdelay $0x1  }
0x8a: {  	s1 =	srdreg.scid  }
0x8b: {  	s0 =	sand.u32 $0x1, s1  }
0x8c: {  	s16 =	sshll.u32 s0, $0xA;
	s2 =	sadd.s32 s3, s2  }
0x8d: {  	s2 =	sadd.s32 s2, s16  }
0x8e: {  	[smem:$0x3FB7] =	sst s2  }
0x8f: {  	_ = 	snop  }
0x90: {  	(tm) =	ssettm $0x1  }
0x91: {  	s17 =	sld [smem:$0x3FFB];
	_ =	sdelay $0x3  }
0x92: {  	_ =	strace s17  }
0x93: {  	s2 =	sld [smem:$0x3FFC];
	_ =	sdelay $0x3  }
0x94: {  	_ =	strace s2  }
0x95: {  	s2 =	sld [smem:$0x3FFD];
	_ =	sdelay $0x3  }
0x96: {  	_ =	strace s2  }
0x97: {  	_ =	strace $0x8FFFFFFF  }
0x98: {  	s18 =	sld [smem:$0x3FDB];
	_ =	sdelay $0x1  }
0x99: {  	s19 =	simm.s32 $_scs_section_size  }
0x9a: {  	s4 =	simm.s32 $_size__tile_overlayer_lowered;
	s5 =	simm.s32 $_tile_overlayer_lowered  }
0x9b: {  	s22 =	simm.s32 $0x1BFF;
	s21 =	sshll.u32 s5, $0x1;
	s2 =	sadd.s32 s19, s18  }
0x9c: {  	s6 =	simm.s32 $0x0;
	s20 =	sshll.u32 s4, $0x1;
	s4 =	sadd.s32 s21, s2  }
0x9d: {  	[timem:s6], [sflag:s22] =	dma.local [hbm:s4], s20  }
0x9e: {  	_ =	swait.ge [sflag:s22], s20  }
0x9f: {  	s3 =	ssub.s32 $0x0, s20;
	[sflag:s22] =	ssyncset.done $0x0  }
0xa0: {  	[sflag:s22] =	ssyncadd.s32 s3;
	_ =	sdelay $0x1  }
0xa1: {  	s23 =	simm.s32 $0x1B8B  }
0xa2: {  	_ =	swait.ge [sflag:s23], $0x1  }
0xa3: {  	[sflag:s23] =	ssyncset.done $0x0  }
0xa4: {  	s25 =	simm.s32 $0x1B8E;
	s24 =	sld [smem:$0x3FFE];
	[sflag:s23] =	ssyncadd.s32 $0xFFFFFFFF  }
0xa5: {  	s26 =	simm.s32 $execute0_lowered;
	[smem:$0x3FD2] =	sst s25  }
0xa6: {  	s4 =	sshll.u32 s26, $0x1;
	_ =	strace $0x8000004C;
	[dreg:$0x1] =	wrdreg $0xFFFFFFFF  }
0xa7: {  	s28 =	simm.s32 $_size_execute0_lowered;
	s2 =	sadd.s32 s2, s4;
	[dreg:$0x0] =	wrdreg $0x0  }
0xa8: {  	s4 =	sshll.u32 s28, $0x1;
	[dreg:$0x2] =	wrdreg s2  }
0xa9: {  	[dreg:$0x3] =	wrdreg s4  }
0xaa: {  	[dreg:$0x4] =	wrdreg $0xC0  }
0xab: {  	_ =	task [dreg:s6], $0x5FFFF  }
0xac: {  	[dreg:$0x1] =	wrdreg $0xFFFFFFFF  }
0xad: {  	[dreg:$0x0] =	wrdreg $0x60  }
0xae: {  	[dreg:$0x2] =	wrdreg s24  }
0xaf: {  	[dreg:$0x3] =	wrdreg $0x52000  }
0xb0: {  	[dreg:$0x4] =	wrdreg $0x9  }
0xb1: {  	_ =	task.clear_ibuf [dreg:s6], $0x5FFFF;
	_ =	strace $0x9000004C  }
0xb2: {  	s29 =	simm.s32 $0x9;
	_ =	strace $0x8000004E  }
0xb3: {  	_ =	swait.ge [sflag:s29], $0x1  }
0xb4: {  	[sflag:s29] =	ssyncadd.s32 $0xFFFFFFFF  }
0xb5: {  	_ =	strace $0x9000004E  }
0xb6: {  	_ =	sfence  }
0xb7: {  	s30 =	sld [smem:$0x0];
	_ =	sdelay $0x2  }
0xb8: {  	s31 =	sshll.u32 s1, $0xD;
	s1 =	sshrl.u32 s1, $0x2  }
0xb9: {  	s3 =	sand.u32 $0x4000, s31;
	s1 =	sadd.s32 s1, s30  }
0xba: {  	s0 =	sor.u32 s3, s0;
	s1 =	sshll.u32 s1, $0x11  }
0xbb: {  	s0 =	sor.u32 s1, s0  }
0xbc: {  	s0 =	sadd.s32 $0x8F2B, s0  }
0xbd: {  	[sflag:s0] =	ssyncadd.remote.s32 $0x1  }
0xbe: {  	_ =	sfence.sel $0xFFFF  }
0xbf: {  	[dreg:$0x0] =	wrdreg $0xFFFFFFFF;
	(pc) =	sbr.abs _section_cstart, $3  }
0xc0: {  	[dreg:$0x1] =	wrdreg $0xFFFFFFFF  }
0xc1: {  	_ =	task.clear_ibuf [dreg:s6], $0x2FFFF;
	_ =	strace $0x9FFFFFFF  }
0xc2: {  	(tm) =	ssettm $0x7FFFFFFF  }
0xc3: {  	_ =	shalt  }
tec
execute0_lowered:
.L_overlay_start_1:
0x0: {  	(tag) =	ssettag $0x1  }
0x1: {  	s0 =	rddreg [dreg:$0x0]  }
0x2: {  	s1 =	rddreg [dreg:$0x1]  }
0x3: {  	s2 =	srdreg.scid;
	s3 =	simm.s32 $0x0;
	s12 =	stileid.u32  }
0x4: {  	s28 =	simm.s32 $0x200;
	s29 =	simm.s32 $0x4;
	s30 =	simm.s32 $0x2A00  }
0x5: {  	s31 =	simm.s32 $0x3;
	s2 =	sand.u32 $0x1, s2;
	[smem:$0x7FF] =	sst s3  }
0x6: {  	s7 =	smul.u32 $0x2780, s12;
	s5 =	sadd.s32 $0x3E00, s0;
	s6 =	sadd.s32 $0xDC00, s0  }
0x7: {  	s10 =	smul.u32 $0x4E200, s12;
	s17 =	sshll.u32 s12, $0x6;
	s4 =	sshll.u32 s2, $0x4  }
0x8: {  	_ =	strace $0x8000004D;
	s16 =	ssub.s32 $0x2, s2;
	s2 =	smul.u32 $0x27100, s2  }
0x9: {  	s8 =	sor.u32 s12, s4;
	s4 =	sadd.s32 $0x3F200, s0;
	s12 =	smul.u32 $0x2710, s12  }
0xa: {  	s7 =	sadd.s32 s7, s0;
	s11 =	sshrl.u32 s16, $0x1;
	s9 =	smul.u32 $0x2780, s8  }
0xb: {  	s10 =	sshrl.u32 s10, $0x2;
	s8 =	smul.u32 $0x2710, s8;
	s7 =	sadd.s32 $0x17A00, s7  }
0xc: {  	s10 =	sadd.s32 s10, s1;
	[dreg:$0x3] =	wrdreg s7;
	s22 =	sadd.s32 s12, s2  }
0xd: {  	s2 =	simm.s32 $0x6;
	s0 =	sadd.s32 s9, s0;
	s9 =	ssub.s32 s16, s11  }
0xe: {  	s18 =	sshrl.u32 s8, $0x3;
	s8 =	sor.u32 $0x1C07, s17;
	s25 =	sadd.s32 $0xF0, s22  }
0xf: {  	s19 =	sadd.s32 $0xA, s18;
	s13 =	sadd.s32 s5, s18;
	s20 =	sadd.s32 s6, s18  }
0x10: {  	s0 =	sadd.s32 $0x66400, s0;
	s23 =	smax.u32 s9, $0x1;
	[dreg:$0x4] =	wrdreg s13  }
0x11: {  	s24 =	sadd.s32 $0x4D8, s18;
	s26 =	sshrl.u32 s25, $0x3;
	[dreg:$0x5] =	wrdreg s20  }
0x12: {  	s25 =	simm.s32 $0x1;
	s9 =	simm.s32 $0x0;
	[dreg:$0x8] =	wrdreg s0  }
0x13: {  	s21 =	sadd.s32 s5, s19;
	s7 =	sadd.s32 s6, s19;
	[dreg:$0x9] =	wrdreg s23  }
0x14: {  	s15 =	sadd.s32 s5, s24;
	s16 =	sadd.s32 s6, s24;
	s17 =	sadd.s32 s26, s6  }
0x15: {  	s18 =	sadd.s32 s26, s5;
	s19 =	sadd.s32 $0xA0, s22;
	s20 =	sshrl.u32 s10, $0x3  }
0x16: {  	s22 =	simm.s32 $0x80;
	s23 =	simm.s32 $0x100;
	s24 =	simm.s32 $0x180  }
0x17: {  	s26 =	simm.s32 $0x50;
	s0 =	simm.s32 $0x2;
	[dreg:$0x6] =	wrdreg s21  }
0x18: {  	[dreg:$0x7] =	wrdreg s7;
	s21 =	simm.s32 $0x7;
	s7 =	simm.s32 $0x5  }
.LBB2_1:
0x19: {  	s10 =	rddreg [dreg:$0x3]  }
0x1a: {  	[spmem:s20], [sflag:s8] =	dma.local [hbm:s10], $0x2710  }
0x1b: {  	_ =	swait.ge [sflag:s21], $0x2710  }
0x1c: {  	[sflag:s21] =	ssyncset.done $0x0  }
0x1d: {  	[sflag:s21] =	ssyncadd.s32 $0xFFFFD8F0  }
0x1e: {  	[bflag:$0x0] =	sbarrier.arrive $0xFFFF  }
0x1f: {  	s12 =	rddreg [dreg:$0x4]  }
0x20: {  	[tilespmem:s3], [sflag:$0x1] =	stream.linear.gather [hbm4b:s12+s3], $0x50, $0x38;
	[tilespmem:$0x18A80] =	vst v63  }
0x21: {  	s13 =	rddreg [dreg:$0x5]  }
0x22: {  	[tilespmem:s22], [sflag:$0x2] =	stream.linear.gather [hbm4b:s13+s3], $0x50, $0x38;
	[tilespmem:$0x18A80] =	vst v63  }
0x23: {  	s14 =	rddreg [dreg:$0x6]  }
0x24: {  	[tilespmem:s23], [sflag:$0x4] =	stream.linear.gather [hbm4b:s14+s3], $0x50, $0x38;
	[tilespmem:$0x18A80] =	vst v63  }
0x25: {  	s11 =	rddreg [dreg:$0x7]  }
0x26: {  	[tilespmem:s24], [sflag:$0x5] =	stream.linear.gather [hbm4b:s11+s3], $0x50, $0x38;
	[tilespmem:$0x18A80] =	vst v63  }
0x27: {  	_ =	swait.ge [sflag:s25], $0x50  }
0x28: {  	[sflag:s25] =	ssyncset.done $0x0  }
0x29: {  	[sflag:s25] =	ssyncadd.s32 $0xFFFFFFB0  }
0x2a: {  	[tilespmem:s28], [sflag:$0x3] =	stream.indirect.gather [hbm4b:s4+s26], $0x80, s3, s26, $0xb8;
	[tilespmem:$0x18A80] =	vst v63  }
0x2b: {  	_ =	swait.ge [sflag:s29], $0x50  }
0x2c: {  	[sflag:s29] =	ssyncset.done $0x0  }
0x2d: {  	[sflag:s29] =	ssyncadd.s32 $0xFFFFFFB0  }
0x2e: {  	[tilespmem:s30], [sflag:$0x6] =	stream.indirect.gather [hbm4b:s4+s26], $0x80, s23, s26, $0xb8;
	[tilespmem:$0x18A80] =	vst v63  }
0x2f: {  	_ =	swait.ge [sflag:s31], $0x2800  }
0x30: {  	[sflag:s31] =	ssyncset.done $0x0  }
0x31: {  	[sflag:s31] =	ssyncadd.s32 $0xFFFFD800  }
0x32: {  	_ =	swait.ge [sflag:s0], $0x50  }
0x33: {  	[sflag:s0] =	ssyncset.done $0x0  }
0x34: {  	[sflag:s0] =	ssyncadd.s32 $0xFFFFFFB0  }
0x35: {  	[spmem:s1] =	stream.indirect.scatter.add.f32 [tilespmem:s28], [sflag:$0x7], $0x80, s22, s26, $0xb8;
	[tilespmem:$0x18A80] =	vst v63  }
0x36: {  	_ =	swait.ge [sflag:s21], $0x2800  }
0x37: {  	s12 =	sshrl.u32 s19, $0x3;
	[sflag:s21] =	ssyncset.done $0x0  }
0x38: {  	s11 =	sadd.s32 s5, s12;
	[sflag:s21] =	ssyncadd.s32 $0xFFFFD800  }
0x39: {  	[tilespmem:s3], [sflag:$0x1] =	stream.linear.gather [hbm4b:s11+s3], $0x50, $0x38;
	[tilespmem:$0x18A80] =	vst v63  }
0x3a: {  	s10 =	sadd.s32 s6, s12  }
0x3b: {  	[tilespmem:s22], [sflag:$0x2] =	stream.linear.gather [hbm4b:s10+s3], $0x50, $0x38;
	[tilespmem:$0x18A80] =	vst v63  }
0x3c: {  	_ =	swait.ge [sflag:s2], $0x2800  }
0x3d: {  	[sflag:s2] =	ssyncset.done $0x0  }
0x3e: {  	[sflag:s2] =	ssyncadd.s32 $0xFFFFD800  }
0x3f: {  	_ =	swait.ge [sflag:s7], $0x50  }
0x40: {  	[sflag:s7] =	ssyncset.done $0x0  }
0x41: {  	[sflag:s7] =	ssyncadd.s32 $0xFFFFFFB0  }
0x42: {  	[spmem:s1] =	stream.indirect.scatter.add.f32 [tilespmem:s30], [sflag:$0x7], $0x80, s24, s26, $0xb8;
	[tilespmem:$0x18A80] =	vst v63  }
0x43: {  	_ =	swait.ge [sflag:s21], $0x2800  }
0x44: {  	[sflag:s21] =	ssyncset.done $0x0  }
0x45: {  	s13 =	sadd.s32 $0x0, s18;
	[sflag:s21] =	ssyncadd.s32 $0xFFFFD800  }
0x46: {  	[tilespmem:s23], [sflag:$0x4] =	stream.linear.gather [hbm4b:s13+s3], $0x50, $0x38;
	[tilespmem:$0x18A80] =	vst v63  }
0x47: {  	s14 =	sadd.s32 $0x0, s17  }
0x48: {  	[tilespmem:s24], [sflag:$0x5] =	stream.linear.gather [hbm4b:s14+s3], $0x50, $0x38;
	[tilespmem:$0x18A80] =	vst v63  }
0x49: {  	_ =	swait.ge [sflag:s25], $0x50  }
0x4a: {  	[sflag:s25] =	ssyncset.done $0x0  }
0x4b: {  	s11 =	sadd.s32 $0xA0, s19;
	s10 =	simm.s32 $0x14;
	[sflag:s25] =	ssyncadd.s32 $0xFFFFFFB0  }
.LBB2_2:
0x4c: {  	[tilespmem:s28], [sflag:$0x3] =	stream.indirect.gather [hbm4b:s4+s26], $0x80, s3, s26, $0xb8;
	[tilespmem:$0x18A80] =	vst v63  }
0x4d: {  	s12 =	smov.u32 s10  }
0x4e: {  	p0 =	sne.s32 s10, $0x4B0;
	s10 =	sadd.s32 $0x14, s10;
	_ =	swait.ge [sflag:s29], $0x50  }
0x4f: {  	[sflag:s29] =	ssyncset.done $0x0  }
0x50: {  	[sflag:s29] =	ssyncadd.s32 $0xFFFFFFB0  }
0x51: {  	[tilespmem:s30], [sflag:$0x6] =	stream.indirect.gather [hbm4b:s4+s26], $0x80, s23, s26, $0xb8;
	[tilespmem:$0x18A80] =	vst v63  }
0x52: {  	_ =	swait.ge [sflag:s31], $0x2800  }
0x53: {  	[sflag:s31] =	ssyncset.done $0x0  }
0x54: {  	[sflag:s31] =	ssyncadd.s32 $0xFFFFD800  }
0x55: {  	_ =	swait.ge [sflag:s0], $0x50  }
0x56: {  	[sflag:s0] =	ssyncset.done $0x0  }
0x57: {  	[sflag:s0] =	ssyncadd.s32 $0xFFFFFFB0  }
0x58: {  	[spmem:s1] =	stream.indirect.scatter.add.f32 [tilespmem:s28], [sflag:$0x7], $0x80, s22, s26, $0xb8;
	[tilespmem:$0x18A80] =	vst v63  }
0x59: {  	_ =	swait.ge [sflag:s21], $0x2800  }
0x5a: {  	s13 =	sshrl.u32 s11, $0x3;
	[sflag:s21] =	ssyncset.done $0x0  }
0x5b: {  	s14 =	sadd.s32 s5, s13;
	[sflag:s21] =	ssyncadd.s32 $0xFFFFD800  }
0x5c: {  	[tilespmem:s3], [sflag:$0x1] =	stream.linear.gather [hbm4b:s14+s3], $0x50, $0x38;
	[tilespmem:$0x18A80] =	vst v63  }
0x5d: {  	s13 =	sadd.s32 s6, s13  }
0x5e: {  	[tilespmem:s22], [sflag:$0x2] =	stream.linear.gather [hbm4b:s13+s3], $0x50, $0x38;
	[tilespmem:$0x18A80] =	vst v63  }
0x5f: {  	_ =	swait.ge [sflag:s2], $0x2800  }
0x60: {  	[sflag:s2] =	ssyncset.done $0x0  }
0x61: {  	[sflag:s2] =	ssyncadd.s32 $0xFFFFD800  }
0x62: {  	_ =	swait.ge [sflag:s7], $0x50  }
0x63: {  	[sflag:s7] =	ssyncset.done $0x0  }
0x64: {  	[sflag:s7] =	ssyncadd.s32 $0xFFFFFFB0  }
0x65: {  	[spmem:s1] =	stream.indirect.scatter.add.f32 [tilespmem:s30], [sflag:$0x7], $0x80, s24, s26, $0xb8;
	[tilespmem:$0x18A80] =	vst v63  }
0x66: {  	_ =	swait.ge [sflag:s21], $0x2800  }
0x67: {  	[sflag:s21] =	ssyncset.done $0x0  }
0x68: {  	s13 =	sadd.s32 s12, s18;
	[sflag:s21] =	ssyncadd.s32 $0xFFFFD800  }
0x69: {  	[tilespmem:s23], [sflag:$0x4] =	stream.linear.gather [hbm4b:s13+s3], $0x50, $0x38;
	[tilespmem:$0x18A80] =	vst v63  }
.Ltmp0:
0x6a: {  	s12 =	sadd.s32 s12, s17;
	(pc) =	sbr.rel @p0 .LBB2_2-.Ltmp0, $4  }
0x6b: {  	[tilespmem:s24], [sflag:$0x5] =	stream.linear.gather [hbm4b:s12+s3], $0x50, $0x38;
	[tilespmem:$0x18A80] =	vst v63  }
0x6c: {  	_ =	swait.ge [sflag:s25], $0x50  }
0x6d: {  	[sflag:s25] =	ssyncset.done $0x0  }
0x6e: {  	s11 =	sadd.s32 $0xA0, s11;
	[sflag:s25] =	ssyncadd.s32 $0xFFFFFFB0  }
0x6f: {  	[tilespmem:s28], [sflag:$0x3] =	stream.indirect.gather [hbm4b:s4+s26], $0x80, s3, s26, $0xb8;
	[tilespmem:$0x18A80] =	vst v63  }
0x70: {  	_ =	swait.ge [sflag:s29], $0x50  }
0x71: {  	[sflag:s29] =	ssyncset.done $0x0  }
0x72: {  	[sflag:s29] =	ssyncadd.s32 $0xFFFFFFB0  }
0x73: {  	[tilespmem:s30], [sflag:$0x6] =	stream.indirect.gather [hbm4b:s4+s26], $0x80, s23, s26, $0xb8;
	[tilespmem:$0x18A80] =	vst v63  }
0x74: {  	_ =	swait.ge [sflag:s31], $0x2800  }
0x75: {  	[sflag:s31] =	ssyncset.done $0x0  }
0x76: {  	[sflag:s31] =	ssyncadd.s32 $0xFFFFD800  }
0x77: {  	_ =	swait.ge [sflag:s0], $0x50  }
0x78: {  	[sflag:s0] =	ssyncset.done $0x0  }
0x79: {  	[sflag:s0] =	ssyncadd.s32 $0xFFFFFFB0  }
0x7a: {  	[spmem:s1] =	stream.indirect.scatter.add.f32 [tilespmem:s28], [sflag:$0x7], $0x80, s22, s26, $0xb8;
	[tilespmem:$0x18A80] =	vst v63  }
0x7b: {  	_ =	swait.ge [sflag:s21], $0x2800  }
0x7c: {  	[sflag:s21] =	ssyncset.done $0x0  }
0x7d: {  	[sflag:s21] =	ssyncadd.s32 $0xFFFFD800  }
0x7e: {  	[tilespmem:s3], [sflag:$0x1] =	stream.linear.gather [hbm4b:s15+s3], $0x50, $0x38;
	[tilespmem:$0x18A80] =	vst v63  }
0x7f: {  	_ = 	snop  }
0x80: {  	[tilespmem:s22], [sflag:$0x2] =	stream.linear.gather [hbm4b:s16+s3], $0x50, $0x38;
	[tilespmem:$0x18A80] =	vst v63  }
0x81: {  	_ =	swait.ge [sflag:s2], $0x2800  }
0x82: {  	[sflag:s2] =	ssyncset.done $0x0  }
0x83: {  	[sflag:s2] =	ssyncadd.s32 $0xFFFFD800  }
0x84: {  	_ =	swait.ge [sflag:s7], $0x50  }
0x85: {  	[sflag:s7] =	ssyncset.done $0x0  }
0x86: {  	[sflag:s7] =	ssyncadd.s32 $0xFFFFFFB0  }
0x87: {  	[spmem:s1] =	stream.indirect.scatter.add.f32 [tilespmem:s30], [sflag:$0x7], $0x80, s24, s26, $0xb8;
	[tilespmem:$0x18A80] =	vst v63  }
0x88: {  	_ =	swait.ge [sflag:s21], $0x2800  }
0x89: {  	[sflag:s21] =	ssyncset.done $0x0  }
0x8a: {  	[sflag:s21] =	ssyncadd.s32 $0xFFFFD800  }
0x8b: {  	_ =	swait.ge [sflag:s25], $0x50  }
0x8c: {  	[sflag:s25] =	ssyncset.done $0x0  }
0x8d: {  	[sflag:s25] =	ssyncadd.s32 $0xFFFFFFB0  }
0x8e: {  	[tilespmem:s28], [sflag:$0x3] =	stream.indirect.gather [hbm4b:s4+s26], $0x80, s3, s26, $0xb8;
	[tilespmem:$0x18A80] =	vst v63  }
0x8f: {  	_ =	swait.ge [sflag:s31], $0x2800  }
0x90: {  	[sflag:s31] =	ssyncset.done $0x0  }
0x91: {  	[sflag:s31] =	ssyncadd.s32 $0xFFFFD800  }
0x92: {  	_ =	swait.ge [sflag:s0], $0x50  }
0x93: {  	[sflag:s0] =	ssyncset.done $0x0  }
0x94: {  	[sflag:s0] =	ssyncadd.s32 $0xFFFFFFB0  }
0x95: {  	[spmem:s1] =	stream.indirect.scatter.add.f32 [tilespmem:s28], [sflag:$0x7], $0x80, s22, s26, $0xb8;
	[tilespmem:$0x18A80] =	vst v63  }
0x96: {  	_ =	swait.ge [sflag:s21], $0x2800  }
0x97: {  	[sflag:s21] =	ssyncset.done $0x0  }
0x98: {  	[sflag:s21] =	ssyncadd.s32 $0xFFFFD800  }
0x99: {  	[bflag:$0x0] =	sbarrier.arrive $0xFFFF  }
0x9a: {  	s10 =	rddreg [dreg:$0x8]  }
0x9b: {  	[hbm:s10], [sflag:s8] =	dma.local [spmem:s20], $0x2710  }
0x9c: {  	_ =	swait.ge [sflag:s21], $0x2710  }
0x9d: {  	s9 =	sadd.s32 $0x1, s9;
	s14 =	rddreg [dreg:$0x9]  }
0x9e: {  	p0 =	sne.s32 s9, s14  }
.Ltmp1:
0x9f: {  	_ = 	snop;
	(pc) =	sbr.rel @p0 .LBB2_1-.Ltmp1, $3  }
0xa0: {  	_ =	sdelay $0x1  }
0xa1: {  	[sflag:s21] =	ssyncset.done $0x0  }
0xa2: {  	[sflag:s21] =	ssyncadd.s32 $0xFFFFD8F0  }
0xa3: {  	_ =	sfence.sel $0x180000  }
0xa4: {  	[bflag:$0x0] =	sbarrier.arrive $0xFFFF  }
0xa5: {  	_ =	strace $0x9000004D  }
0xa6: {  	s0 =	stileid.u32;
	[bflag:$0x2] =	sbarrier.arrive $0xFFFF  }
0xa7: {  	p0 =	sne.s32 s0, $0x0;
	s0 =	rddreg [dreg:$0x2]  }
0xa8: {  	s0 =	sadd.s32 @!p0 $0x100000, s0  }
0xa9: {  	[sflag:s0] =	ssyncadd.tile.s32 @!p0 $0x1;
	_ =	shalt  }
.Lfunc_end2:
_tile_overlayer_lowered:
.L_overlay_start_2:
0xaa: {  	(tag) =	ssettag $0x2  }
0xab: {  	s0 =	rddreg [dreg:$0x0];
	s2 =	stileid.u32  }
0xac: {  	s1 =	rddreg [dreg:$0x1];
	p0 =	sne.s32 s2, $0x0  }
0xad: {  	s3 =	rddreg [dreg:$0x2];
	[bflag:$0x3] =	sbarrier.arrive $0xFFFF;
	s2 =	simm.s32 @!p0 $0x1C07  }
0xae: {  	[timem:s3], [sflag:s2] =	dma.local @!p0 [hbm:s0], s1  }
0xaf: {  	s0 =	simm.s32 @!p0 $0x7  }
0xb0: {  	_ =	swait.ge @!p0 [sflag:s0], s1  }
0xb1: {  	s1 =	ssub.s32 @!p0 $0x0, s1;
	[sflag:s0] =	ssyncset.done @!p0 $0x0  }
0xb2: {  	[sflag:s0] =	ssyncadd.s32 @!p0 s1  }
0xb3: {  	[bflag:$0x3] =	sbarrier.arrive $0xFFFF  }
0xb4: {  	_ =	shalt  }

// kernel: kernel.19.cloned.1.call-start
scs
__scs_entry_jumppad:
0x0: {  	(pc) =	sbr.rel $0x88, $3  }
0x1: {  	(tag) =	ssettag $0x0;
	lr =	simm.s32 $0x1  }
0x2: {  	[smem:$0x3F90] =	sst lr;
	_ =	strace $0xD0000000  }
0x3: {  	_ = 	snop  }
0x4: {  	_ = 	snop  }
0x5: {  	_ = 	snop  }
0x6: {  	_ = 	snop  }
0x7: {  	_ = 	snop  }
__scs_overlays_trampoline_lowered:
0x8: {  	[smem:$0x3F9F] =	sst s0  }
0x9: {  	[smem:$0x3FA0] =	sst s1  }
0xa: {  	[smem:$0x3FA1] =	sst s2  }
0xb: {  	[smem:$0x3FA2] =	sst s3  }
0xc: {  	[smem:$0x3FA3] =	sst s4  }
0xd: {  	[smem:$0x3FA4] =	sst s5  }
0xe: {  	[smem:$0x3FA5] =	sst s6  }
0xf: {  	[smem:$0x3FA6] =	sst s7  }
0x10: {  	[smem:$0x3FA7] =	sst s8  }
0x11: {  	[smem:$0x3FA8] =	sst s9;
	s0 =	simm.s32 @!p0 $0x0  }
0x12: {  	s1 =	sld [smem:$0x3F8E];
	s0 =	simm.s32 @p0 $0x1  }
0x13: {  	[smem:$0x3FA9] =	sst s0;
	s0 =	simm.s32 @!p1 $0x0  }
0x14: {  	s2 =	sld [smem:$0x3F8D];
	s0 =	simm.s32 @p1 $0x1  }
0x15: {  	[smem:$0x3FAA] =	sst s0;
	s0 =	simm.s32 @!p2 $0x0  }
0x16: {  	s3 =	sld [smem:$0x3FDB];
	s0 =	simm.s32 @p2 $0x1  }
0x17: {  	s4 =	simm.s32 $0x1BF5;
	[smem:$0x3FAC] =	sst s0  }
0x18: {  	s0 =	sld [smem:$0x3F8F];
	_ =	swait.ge [sflag:s4], $0x0  }
0x19: {  	s7 =	sld [smem:$0x3F90]  }
0x1a: {  	s8 =	sadd.s32 $0xFFFFE003, lr  }
0x1b: {  	s9 =	sadd.s32 $0xFFFFFEF7, lr;
	s5 =	simm.s32 $0xFFFFFFFF;
	p2 =	slt.u32 s8, $0xFFFFF086  }
0x1c: {  	p1 =	slt.u32 s9, $0xF7A;
	s5 =	simm.s32 @!p2 $0x0  }
0x1d: {  	s5 =	simm.s32 @p1 $0x1;
	p0 =	seq.s32 s7, s2  }
0x1e: {  	s7 =	smul.u32 @!p0 $0xF7A, s2;
	p2 =	seq.s32 @!p0 s5, $0x0  }
0x1f: {  	s9 =	smul.u32 $0xF7A, s1;
	s8 =	simm.s32 @!p0 $0x1BF5;
	p2 =	por !p2, p0  }
0x20: {  	[sflag:s8] =	ssyncset.s32 @!p0 $0xFFFFF086;
	s6 =	sadd.s32 @!p0 s3, s7;
	s7 =	simm.s32 @!p0 $0x108  }
0x21: {  	s3 =	sadd.s32 s3, s9;
	s6 =	sadd.s32 @!p0 $0x88, s6;
	s7 =	simm.s32 @p2 $0x1082  }
0x22: {  	[simem:s7], [sflag:s8] =	dma.local @!p0 [hbm:s6], $0xF7A  }
0x23: {  	s9 =	sor.u32 $0xD0000000, s2;
	s6 =	simm.s32 $0x108;
	_ =	swait.ge @!p0 [sflag:s8], $0x0  }
0x24: {  	s3 =	sadd.s32 $0x88, s3;
	s6 =	simm.s32 @!p1 $0x1082;
	[sflag:s4] =	ssyncset.s32 $0xFFFFF086  }
0x25: {  	[simem:s6], [sflag:s4] =	dma.local [hbm:s3], $0xF7A  }
0x26: {  	[smem:$0x3F90] =	sst s1;
	(tag) =	ssettag s2;
	_ =	strace s9  }
0x27: {  	s1 =	sld [smem:$0x3FA0]  }
0x28: {  	s2 =	sld [smem:$0x3FA1]  }
0x29: {  	s4 =	sld [smem:$0x3FA3]  }
0x2a: {  	p0 =	seq.s32 s5, $0x0;
	s5 =	sld [smem:$0x3FA4]  }
0x2b: {  	s6 =	sld [smem:$0x3FA5]  }
0x2c: {  	s7 =	sld [smem:$0x3FA6]  }
0x2d: {  	s3 =	simm.s32 $0x108;
	s8 =	sld [smem:$0x3FA7]  }
0x2e: {  	s3 =	simm.s32 @!p0 $0x1082;
	s9 =	sld [smem:$0x3FA8]  }
0x2f: {  	lr =	sadd.s32 s0, s3;
	s0 =	sld [smem:$0x3F9F]  }
0x30: {  	s3 =	sld [smem:$0x3FA2]  }
0x31: {  	[smem:$0x3FAB] =	sst s10  }
0x32: {  	s10 =	sld [smem:$0x3FA9];
	_ =	sdelay $0x3  }
0x33: {  	p0 =	seq.s32 s10, $0x1;
	s10 =	sld [smem:$0x3FAB];
	_ =	sdelay $0x3  }
0x34: {  	[smem:$0x3FAB] =	sst s10  }
0x35: {  	s10 =	sld [smem:$0x3FAA];
	_ =	sdelay $0x3  }
0x36: {  	p1 =	seq.s32 s10, $0x1;
	s10 =	sld [smem:$0x3FAB];
	_ =	sdelay $0x3  }
0x37: {  	[smem:$0x3FAB] =	sst s10  }
0x38: {  	s10 =	sld [smem:$0x3FAC]  }
0x39: {  	_ = 	snop;
	(pc) =	sbr.ind lr, $3  }
0x3a: {  	_ = 	snop  }
0x3b: {  	_ = 	snop  }
0x3c: {  	p2 =	seq.s32 s10, $0x1;
	s10 =	sld [smem:$0x3FAB]  }
0x3d: {  	_ =	shalt  }
0x3e: {  	_ =	shalt  }
0x3f: {  	_ =	shalt  }
0x40: {  	_ =	shalt  }
0x41: {  	_ =	shalt  }
0x42: {  	_ =	shalt  }
0x43: {  	_ =	shalt  }
0x44: {  	_ =	shalt  }
0x45: {  	_ =	shalt  }
0x46: {  	_ =	shalt  }
0x47: {  	_ =	shalt  }
0x48: {  	_ =	shalt  }
0x49: {  	_ =	shalt  }
0x4a: {  	_ =	shalt  }
0x4b: {  	_ =	shalt  }
0x4c: {  	_ =	shalt  }
0x4d: {  	_ =	shalt  }
0x4e: {  	_ =	shalt  }
0x4f: {  	_ =	shalt  }
0x50: {  	_ =	shalt  }
0x51: {  	_ =	shalt  }
0x52: {  	_ =	shalt  }
0x53: {  	_ =	shalt  }
0x54: {  	_ =	shalt  }
0x55: {  	_ =	shalt  }
0x56: {  	_ =	shalt  }
0x57: {  	_ =	shalt  }
0x58: {  	_ =	shalt  }
0x59: {  	_ =	shalt  }
0x5a: {  	_ =	shalt  }
0x5b: {  	_ =	shalt  }
0x5c: {  	_ =	shalt  }
0x5d: {  	_ =	shalt  }
0x5e: {  	_ =	shalt  }
0x5f: {  	_ =	shalt  }
0x60: {  	_ =	shalt  }
0x61: {  	_ =	shalt  }
0x62: {  	_ =	shalt  }
0x63: {  	_ =	shalt  }
0x64: {  	_ =	shalt  }
0x65: {  	_ =	shalt  }
0x66: {  	_ =	shalt  }
0x67: {  	_ =	shalt  }
0x68: {  	_ =	shalt  }
0x69: {  	_ =	shalt  }
0x6a: {  	_ =	shalt  }
0x6b: {  	_ =	shalt  }
0x6c: {  	_ =	shalt  }
0x6d: {  	_ =	shalt  }
0x6e: {  	_ =	shalt  }
0x6f: {  	_ =	shalt  }
0x70: {  	_ =	shalt  }
0x71: {  	_ =	shalt  }
0x72: {  	_ =	shalt  }
0x73: {  	_ =	shalt  }
0x74: {  	_ =	shalt  }
0x75: {  	_ =	shalt  }
0x76: {  	_ =	shalt  }
0x77: {  	_ =	shalt  }
0x78: {  	_ =	shalt  }
0x79: {  	_ =	shalt  }
0x7a: {  	_ =	shalt  }
0x7b: {  	_ =	shalt  }
0x7c: {  	_ =	shalt  }
0x7d: {  	_ =	shalt  }
0x7e: {  	_ =	shalt  }
0x7f: {  	_ =	shalt  }
0x80: {  	_ =	shalt  }
0x81: {  	_ =	shalt  }
0x82: {  	_ =	shalt  }
0x83: {  	_ =	shalt  }
0x84: {  	_ =	shalt  }
0x85: {  	_ =	shalt  }
0x86: {  	_ =	shalt  }
0x87: {  	_ =	shalt  }
.Lfunc_end0:
.L_simem_size_0:
called_computation.3_lowered:
.L_overlay_start_0:
0x88: {  	s2 =	sld [smem:$0x3FD9]  }
0x89: {  	s3 =	sld [smem:$0x3FFE];
	_ =	sdelay $0x1  }
0x8a: {  	s1 =	srdreg.scid  }
0x8b: {  	s0 =	sand.u32 $0x1, s1  }
0x8c: {  	s16 =	sshll.u32 s0, $0xA;
	s2 =	sadd.s32 s3, s2  }
0x8d: {  	s2 =	sadd.s32 s2, s16  }
0x8e: {  	[smem:$0x3FB7] =	sst s2  }
0x8f: {  	_ = 	snop  }
0x90: {  	(tm) =	ssettm $0x1  }
0x91: {  	s17 =	sld [smem:$0x3FFB];
	_ =	sdelay $0x3  }
0x92: {  	_ =	strace s17  }
0x93: {  	s2 =	sld [smem:$0x3FFC];
	_ =	sdelay $0x3  }
0x94: {  	_ =	strace s2  }
0x95: {  	s2 =	sld [smem:$0x3FFD];
	_ =	sdelay $0x3  }
0x96: {  	_ =	strace s2  }
0x97: {  	_ =	strace $0x8FFFFFFF  }
0x98: {  	s18 =	sld [smem:$0x3FDB];
	_ =	sdelay $0x1  }
0x99: {  	s19 =	simm.s32 $_scs_section_size  }
0x9a: {  	s4 =	simm.s32 $_size__tile_overlayer_lowered;
	s5 =	simm.s32 $_tile_overlayer_lowered  }
0x9b: {  	s22 =	simm.s32 $0x1BFF;
	s21 =	sshll.u32 s5, $0x1;
	s2 =	sadd.s32 s19, s18  }
0x9c: {  	s6 =	simm.s32 $0x0;
	s20 =	sshll.u32 s4, $0x1;
	s4 =	sadd.s32 s21, s2  }
0x9d: {  	[timem:s6], [sflag:s22] =	dma.local [hbm:s4], s20  }
0x9e: {  	_ =	swait.ge [sflag:s22], s20  }
0x9f: {  	s3 =	ssub.s32 $0x0, s20;
	[sflag:s22] =	ssyncset.done $0x0  }
0xa0: {  	[sflag:s22] =	ssyncadd.s32 s3;
	_ =	sdelay $0x1  }
0xa1: {  	s23 =	simm.s32 $0x1B8B  }
0xa2: {  	_ =	swait.ge [sflag:s23], $0x1  }
0xa3: {  	[sflag:s23] =	ssyncset.done $0x0  }
0xa4: {  	s25 =	simm.s32 $0x1B8E;
	s24 =	sld [smem:$0x3FFE];
	[sflag:s23] =	ssyncadd.s32 $0xFFFFFFFF  }
0xa5: {  	s26 =	simm.s32 $execute0_lowered;
	[smem:$0x3FD2] =	sst s25  }
0xa6: {  	s4 =	sshll.u32 s26, $0x1;
	_ =	strace $0x8000004F;
	[dreg:$0x1] =	wrdreg $0xFFFFFFFF  }
0xa7: {  	s28 =	simm.s32 $_size_execute0_lowered;
	s2 =	sadd.s32 s2, s4;
	[dreg:$0x0] =	wrdreg $0x0  }
0xa8: {  	s4 =	sshll.u32 s28, $0x1;
	[dreg:$0x2] =	wrdreg s2  }
0xa9: {  	[dreg:$0x3] =	wrdreg s4  }
0xaa: {  	[dreg:$0x4] =	wrdreg $0xC0  }
0xab: {  	_ =	task [dreg:s6], $0x5FFFF  }
0xac: {  	[dreg:$0x1] =	wrdreg $0xFFFFFFFF  }
0xad: {  	[dreg:$0x0] =	wrdreg $0x60  }
0xae: {  	[dreg:$0x2] =	wrdreg s24  }
0xaf: {  	[dreg:$0x3] =	wrdreg $0x52000  }
0xb0: {  	[dreg:$0x4] =	wrdreg $0x9  }
0xb1: {  	_ =	task.clear_ibuf [dreg:s6], $0x5FFFF;
	_ =	strace $0x9000004F  }
0xb2: {  	s29 =	simm.s32 $0x9;
	_ =	strace $0x80000051  }
0xb3: {  	_ =	swait.ge [sflag:s29], $0x1  }
0xb4: {  	[sflag:s29] =	ssyncadd.s32 $0xFFFFFFFF  }
0xb5: {  	_ =	strace $0x90000051  }
0xb6: {  	_ =	sfence  }
0xb7: {  	s30 =	sld [smem:$0x0];
	_ =	sdelay $0x2  }
0xb8: {  	s31 =	sshll.u32 s1, $0xD;
	s1 =	sshrl.u32 s1, $0x2  }
0xb9: {  	s3 =	sand.u32 $0x4000, s31;
	s1 =	sadd.s32 s1, s30  }
0xba: {  	s0 =	sor.u32 s3, s0;
	s1 =	sshll.u32 s1, $0x11  }
0xbb: {  	s0 =	sor.u32 s1, s0  }
0xbc: {  	s0 =	sadd.s32 $0x8F2B, s0  }
0xbd: {  	[sflag:s0] =	ssyncadd.remote.s32 $0x1  }
0xbe: {  	_ =	sfence.sel $0xFFFF  }
0xbf: {  	[dreg:$0x0] =	wrdreg $0xFFFFFFFF;
	(pc) =	sbr.abs _section_cstart, $3  }
0xc0: {  	[dreg:$0x1] =	wrdreg $0xFFFFFFFF  }
0xc1: {  	_ =	task.clear_ibuf [dreg:s6], $0x2FFFF;
	_ =	strace $0x9FFFFFFF  }
0xc2: {  	(tm) =	ssettm $0x7FFFFFFF  }
0xc3: {  	_ =	shalt  }
tec
execute0_lowered:
.L_overlay_start_1:
0x0: {  	(tag) =	ssettag $0x1  }
0x1: {  	s0 =	rddreg [dreg:$0x0]  }
0x2: {  	s1 =	rddreg [dreg:$0x1]  }
0x3: {  	s2 =	srdreg.scid;
	s3 =	simm.s32 $0x0;
	s12 =	stileid.u32  }
0x4: {  	s28 =	simm.s32 $0x200;
	s29 =	simm.s32 $0x4;
	s30 =	simm.s32 $0x2A00  }
0x5: {  	s31 =	simm.s32 $0x3;
	s2 =	sand.u32 $0x1, s2;
	[smem:$0x7FF] =	sst s3  }
0x6: {  	s7 =	smul.u32 $0x2780, s12;
	s5 =	sadd.s32 $0x3E00, s0;
	s6 =	sadd.s32 $0xDC00, s0  }
0x7: {  	s10 =	smul.u32 $0x4E200, s12;
	s17 =	sshll.u32 s12, $0x6;
	s4 =	sshll.u32 s2, $0x4  }
0x8: {  	_ =	strace $0x80000050;
	s16 =	ssub.s32 $0x2, s2;
	s2 =	smul.u32 $0x27100, s2  }
0x9: {  	s8 =	sor.u32 s12, s4;
	s4 =	sadd.s32 $0x3F200, s0;
	s12 =	smul.u32 $0x2710, s12  }
0xa: {  	s7 =	sadd.s32 s7, s0;
	s11 =	sshrl.u32 s16, $0x1;
	s9 =	smul.u32 $0x2780, s8  }
0xb: {  	s10 =	sshrl.u32 s10, $0x2;
	s8 =	smul.u32 $0x2710, s8;
	s7 =	sadd.s32 $0x17A00, s7  }
0xc: {  	s10 =	sadd.s32 s10, s1;
	[dreg:$0x3] =	wrdreg s7;
	s22 =	sadd.s32 s12, s2  }
0xd: {  	s2 =	simm.s32 $0x6;
	s0 =	sadd.s32 s9, s0;
	s9 =	ssub.s32 s16, s11  }
0xe: {  	s18 =	sshrl.u32 s8, $0x3;
	s8 =	sor.u32 $0x1C07, s17;
	s25 =	sadd.s32 $0xF0, s22  }
0xf: {  	s19 =	sadd.s32 $0xA, s18;
	s13 =	sadd.s32 s5, s18;
	s20 =	sadd.s32 s6, s18  }
0x10: {  	s0 =	sadd.s32 $0x66400, s0;
	s23 =	smax.u32 s9, $0x1;
	[dreg:$0x4] =	wrdreg s13  }
0x11: {  	s24 =	sadd.s32 $0x4D8, s18;
	s26 =	sshrl.u32 s25, $0x3;
	[dreg:$0x5] =	wrdreg s20  }
0x12: {  	s25 =	simm.s32 $0x1;
	s9 =	simm.s32 $0x0;
	[dreg:$0x8] =	wrdreg s0  }
0x13: {  	s21 =	sadd.s32 s5, s19;
	s7 =	sadd.s32 s6, s19;
	[dreg:$0x9] =	wrdreg s23  }
0x14: {  	s15 =	sadd.s32 s5, s24;
	s16 =	sadd.s32 s6, s24;
	s17 =	sadd.s32 s26, s6  }
0x15: {  	s18 =	sadd.s32 s26, s5;
	s19 =	sadd.s32 $0xA0, s22;
	s20 =	sshrl.u32 s10, $0x3  }
0x16: {  	s22 =	simm.s32 $0x80;
	s23 =	simm.s32 $0x100;
	s24 =	simm.s32 $0x180  }
0x17: {  	s26 =	simm.s32 $0x50;
	s0 =	simm.s32 $0x2;
	[dreg:$0x6] =	wrdreg s21  }
0x18: {  	[dreg:$0x7] =	wrdreg s7;
	s21 =	simm.s32 $0x7;
	s7 =	simm.s32 $0x5  }
.LBB2_1:
0x19: {  	s10 =	rddreg [dreg:$0x3]  }
0x1a: {  	[spmem:s20], [sflag:s8] =	dma.local [hbm:s10], $0x2710  }
0x1b: {  	_ =	swait.ge [sflag:s21], $0x2710  }
0x1c: {  	[sflag:s21] =	ssyncset.done $0x0  }
0x1d: {  	[sflag:s21] =	ssyncadd.s32 $0xFFFFD8F0  }
0x1e: {  	[bflag:$0x0] =	sbarrier.arrive $0xFFFF  }
0x1f: {  	s12 =	rddreg [dreg:$0x4]  }
0x20: {  	[tilespmem:s3], [sflag:$0x1] =	stream.linear.gather [hbm4b:s12+s3], $0x50, $0x38;
	[tilespmem:$0x18A80] =	vst v63  }
0x21: {  	s13 =	rddreg [dreg:$0x5]  }
0x22: {  	[tilespmem:s22], [sflag:$0x2] =	stream.linear.gather [hbm4b:s13+s3], $0x50, $0x38;
	[tilespmem:$0x18A80] =	vst v63  }
0x23: {  	s14 =	rddreg [dreg:$0x6]  }
0x24: {  	[tilespmem:s23], [sflag:$0x4] =	stream.linear.gather [hbm4b:s14+s3], $0x50, $0x38;
	[tilespmem:$0x18A80] =	vst v63  }
0x25: {  	s11 =	rddreg [dreg:$0x7]  }
0x26: {  	[tilespmem:s24], [sflag:$0x5] =	stream.linear.gather [hbm4b:s11+s3], $0x50, $0x38;
	[tilespmem:$0x18A80] =	vst v63  }
0x27: {  	_ =	swait.ge [sflag:s25], $0x50  }
0x28: {  	[sflag:s25] =	ssyncset.done $0x0  }
0x29: {  	[sflag:s25] =	ssyncadd.s32 $0xFFFFFFB0  }
0x2a: {  	[tilespmem:s28], [sflag:$0x3] =	stream.indirect.gather [hbm4b:s4+s26], $0x80, s3, s26, $0xb8;
	[tilespmem:$0x18A80] =	vst v63  }
0x2b: {  	_ =	swait.ge [sflag:s29], $0x50  }
0x2c: {  	[sflag:s29] =	ssyncset.done $0x0  }
0x2d: {  	[sflag:s29] =	ssyncadd.s32 $0xFFFFFFB0  }
0x2e: {  	[tilespmem:s30], [sflag:$0x6] =	stream.indirect.gather [hbm4b:s4+s26], $0x80, s23, s26, $0xb8;
	[tilespmem:$0x18A80] =	vst v63  }
0x2f: {  	_ =	swait.ge [sflag:s31], $0x2800  }
0x30: {  	[sflag:s31] =	ssyncset.done $0x0  }
0x31: {  	[sflag:s31] =	ssyncadd.s32 $0xFFFFD800  }
0x32: {  	_ =	swait.ge [sflag:s0], $0x50  }
0x33: {  	[sflag:s0] =	ssyncset.done $0x0  }
0x34: {  	[sflag:s0] =	ssyncadd.s32 $0xFFFFFFB0  }
0x35: {  	[spmem:s1] =	stream.indirect.scatter.add.f32 [tilespmem:s28], [sflag:$0x7], $0x80, s22, s26, $0xb8;
	[tilespmem:$0x18A80] =	vst v63  }
0x36: {  	_ =	swait.ge [sflag:s21], $0x2800  }
0x37: {  	s12 =	sshrl.u32 s19, $0x3;
	[sflag:s21] =	ssyncset.done $0x0  }
0x38: {  	s11 =	sadd.s32 s5, s12;
	[sflag:s21] =	ssyncadd.s32 $0xFFFFD800  }
0x39: {  	[tilespmem:s3], [sflag:$0x1] =	stream.linear.gather [hbm4b:s11+s3], $0x50, $0x38;
	[tilespmem:$0x18A80] =	vst v63  }
0x3a: {  	s10 =	sadd.s32 s6, s12  }
0x3b: {  	[tilespmem:s22], [sflag:$0x2] =	stream.linear.gather [hbm4b:s10+s3], $0x50, $0x38;
	[tilespmem:$0x18A80] =	vst v63  }
0x3c: {  	_ =	swait.ge [sflag:s2], $0x2800  }
0x3d: {  	[sflag:s2] =	ssyncset.done $0x0  }
0x3e: {  	[sflag:s2] =	ssyncadd.s32 $0xFFFFD800  }
0x3f: {  	_ =	swait.ge [sflag:s7], $0x50  }
0x40: {  	[sflag:s7] =	ssyncset.done $0x0  }
0x41: {  	[sflag:s7] =	ssyncadd.s32 $0xFFFFFFB0  }
0x42: {  	[spmem:s1] =	stream.indirect.scatter.add.f32 [tilespmem:s30], [sflag:$0x7], $0x80, s24, s26, $0xb8;
	[tilespmem:$0x18A80] =	vst v63  }
0x43: {  	_ =	swait.ge [sflag:s21], $0x2800  }
0x44: {  	[sflag:s21] =	ssyncset.done $0x0  }
0x45: {  	s13 =	sadd.s32 $0x0, s18;
	[sflag:s21] =	ssyncadd.s32 $0xFFFFD800  }
0x46: {  	[tilespmem:s23], [sflag:$0x4] =	stream.linear.gather [hbm4b:s13+s3], $0x50, $0x38;
	[tilespmem:$0x18A80] =	vst v63  }
0x47: {  	s14 =	sadd.s32 $0x0, s17  }
0x48: {  	[tilespmem:s24], [sflag:$0x5] =	stream.linear.gather [hbm4b:s14+s3], $0x50, $0x38;
	[tilespmem:$0x18A80] =	vst v63  }
0x49: {  	_ =	swait.ge [sflag:s25], $0x50  }
0x4a: {  	[sflag:s25] =	ssyncset.done $0x0  }
0x4b: {  	s11 =	sadd.s32 $0xA0, s19;
	s10 =	simm.s32 $0x14;
	[sflag:s25] =	ssyncadd.s32 $0xFFFFFFB0  }
.LBB2_2:
0x4c: {  	[tilespmem:s28], [sflag:$0x3] =	stream.indirect.gather [hbm4b:s4+s26], $0x80, s3, s26, $0xb8;
	[tilespmem:$0x18A80] =	vst v63  }
0x4d: {  	s12 =	smov.u32 s10  }
0x4e: {  	p0 =	sne.s32 s10, $0x4B0;
	s10 =	sadd.s32 $0x14, s10;
	_ =	swait.ge [sflag:s29], $0x50  }
0x4f: {  	[sflag:s29] =	ssyncset.done $0x0  }
0x50: {  	[sflag:s29] =	ssyncadd.s32 $0xFFFFFFB0  }
0x51: {  	[tilespmem:s30], [sflag:$0x6] =	stream.indirect.gather [hbm4b:s4+s26], $0x80, s23, s26, $0xb8;
	[tilespmem:$0x18A80] =	vst v63  }
0x52: {  	_ =	swait.ge [sflag:s31], $0x2800  }
0x53: {  	[sflag:s31] =	ssyncset.done $0x0  }
0x54: {  	[sflag:s31] =	ssyncadd.s32 $0xFFFFD800  }
0x55: {  	_ =	swait.ge [sflag:s0], $0x50  }
0x56: {  	[sflag:s0] =	ssyncset.done $0x0  }
0x57: {  	[sflag:s0] =	ssyncadd.s32 $0xFFFFFFB0  }
0x58: {  	[spmem:s1] =	stream.indirect.scatter.add.f32 [tilespmem:s28], [sflag:$0x7], $0x80, s22, s26, $0xb8;
	[tilespmem:$0x18A80] =	vst v63  }
0x59: {  	_ =	swait.ge [sflag:s21], $0x2800  }
0x5a: {  	s13 =	sshrl.u32 s11, $0x3;
	[sflag:s21] =	ssyncset.done $0x0  }
0x5b: {  	s14 =	sadd.s32 s5, s13;
	[sflag:s21] =	ssyncadd.s32 $0xFFFFD800  }
0x5c: {  	[tilespmem:s3], [sflag:$0x1] =	stream.linear.gather [hbm4b:s14+s3], $0x50, $0x38;
	[tilespmem:$0x18A80] =	vst v63  }
0x5d: {  	s13 =	sadd.s32 s6, s13  }
0x5e: {  	[tilespmem:s22], [sflag:$0x2] =	stream.linear.gather [hbm4b:s13+s3], $0x50, $0x38;
	[tilespmem:$0x18A80] =	vst v63  }
0x5f: {  	_ =	swait.ge [sflag:s2], $0x2800  }
0x60: {  	[sflag:s2] =	ssyncset.done $0x0  }
0x61: {  	[sflag:s2] =	ssyncadd.s32 $0xFFFFD800  }
0x62: {  	_ =	swait.ge [sflag:s7], $0x50  }
0x63: {  	[sflag:s7] =	ssyncset.done $0x0  }
0x64: {  	[sflag:s7] =	ssyncadd.s32 $0xFFFFFFB0  }
0x65: {  	[spmem:s1] =	stream.indirect.scatter.add.f32 [tilespmem:s30], [sflag:$0x7], $0x80, s24, s26, $0xb8;
	[tilespmem:$0x18A80] =	vst v63  }
0x66: {  	_ =	swait.ge [sflag:s21], $0x2800  }
0x67: {  	[sflag:s21] =	ssyncset.done $0x0  }
0x68: {  	s13 =	sadd.s32 s12, s18;
	[sflag:s21] =	ssyncadd.s32 $0xFFFFD800  }
0x69: {  	[tilespmem:s23], [sflag:$0x4] =	stream.linear.gather [hbm4b:s13+s3], $0x50, $0x38;
	[tilespmem:$0x18A80] =	vst v63  }
.Ltmp0:
0x6a: {  	s12 =	sadd.s32 s12, s17;
	(pc) =	sbr.rel @p0 .LBB2_2-.Ltmp0, $4  }
0x6b: {  	[tilespmem:s24], [sflag:$0x5] =	stream.linear.gather [hbm4b:s12+s3], $0x50, $0x38;
	[tilespmem:$0x18A80] =	vst v63  }
0x6c: {  	_ =	swait.ge [sflag:s25], $0x50  }
0x6d: {  	[sflag:s25] =	ssyncset.done $0x0  }
0x6e: {  	s11 =	sadd.s32 $0xA0, s11;
	[sflag:s25] =	ssyncadd.s32 $0xFFFFFFB0  }
0x6f: {  	[tilespmem:s28], [sflag:$0x3] =	stream.indirect.gather [hbm4b:s4+s26], $0x80, s3, s26, $0xb8;
	[tilespmem:$0x18A80] =	vst v63  }
0x70: {  	_ =	swait.ge [sflag:s29], $0x50  }
0x71: {  	[sflag:s29] =	ssyncset.done $0x0  }
0x72: {  	[sflag:s29] =	ssyncadd.s32 $0xFFFFFFB0  }
0x73: {  	[tilespmem:s30], [sflag:$0x6] =	stream.indirect.gather [hbm4b:s4+s26], $0x80, s23, s26, $0xb8;
	[tilespmem:$0x18A80] =	vst v63  }
0x74: {  	_ =	swait.ge [sflag:s31], $0x2800  }
0x75: {  	[sflag:s31] =	ssyncset.done $0x0  }
0x76: {  	[sflag:s31] =	ssyncadd.s32 $0xFFFFD800  }
0x77: {  	_ =	swait.ge [sflag:s0], $0x50  }
0x78: {  	[sflag:s0] =	ssyncset.done $0x0  }
0x79: {  	[sflag:s0] =	ssyncadd.s32 $0xFFFFFFB0  }
0x7a: {  	[spmem:s1] =	stream.indirect.scatter.add.f32 [tilespmem:s28], [sflag:$0x7], $0x80, s22, s26, $0xb8;
	[tilespmem:$0x18A80] =	vst v63  }
0x7b: {  	_ =	swait.ge [sflag:s21], $0x2800  }
0x7c: {  	[sflag:s21] =	ssyncset.done $0x0  }
0x7d: {  	[sflag:s21] =	ssyncadd.s32 $0xFFFFD800  }
0x7e: {  	[tilespmem:s3], [sflag:$0x1] =	stream.linear.gather [hbm4b:s15+s3], $0x50, $0x38;
	[tilespmem:$0x18A80] =	vst v63  }
0x7f: {  	_ = 	snop  }
0x80: {  	[tilespmem:s22], [sflag:$0x2] =	stream.linear.gather [hbm4b:s16+s3], $0x50, $0x38;
	[tilespmem:$0x18A80] =	vst v63  }
0x81: {  	_ =	swait.ge [sflag:s2], $0x2800  }
0x82: {  	[sflag:s2] =	ssyncset.done $0x0  }
0x83: {  	[sflag:s2] =	ssyncadd.s32 $0xFFFFD800  }
0x84: {  	_ =	swait.ge [sflag:s7], $0x50  }
0x85: {  	[sflag:s7] =	ssyncset.done $0x0  }
0x86: {  	[sflag:s7] =	ssyncadd.s32 $0xFFFFFFB0  }
0x87: {  	[spmem:s1] =	stream.indirect.scatter.add.f32 [tilespmem:s30], [sflag:$0x7], $0x80, s24, s26, $0xb8;
	[tilespmem:$0x18A80] =	vst v63  }
0x88: {  	_ =	swait.ge [sflag:s21], $0x2800  }
0x89: {  	[sflag:s21] =	ssyncset.done $0x0  }
0x8a: {  	[sflag:s21] =	ssyncadd.s32 $0xFFFFD800  }
0x8b: {  	_ =	swait.ge [sflag:s25], $0x50  }
0x8c: {  	[sflag:s25] =	ssyncset.done $0x0  }
0x8d: {  	[sflag:s25] =	ssyncadd.s32 $0xFFFFFFB0  }
0x8e: {  	[tilespmem:s28], [sflag:$0x3] =	stream.indirect.gather [hbm4b:s4+s26], $0x80, s3, s26, $0xb8;
	[tilespmem:$0x18A80] =	vst v63  }
0x8f: {  	_ =	swait.ge [sflag:s31], $0x2800  }
0x90: {  	[sflag:s31] =	ssyncset.done $0x0  }
0x91: {  	[sflag:s31] =	ssyncadd.s32 $0xFFFFD800  }
0x92: {  	_ =	swait.ge [sflag:s0], $0x50  }
0x93: {  	[sflag:s0] =	ssyncset.done $0x0  }
0x94: {  	[sflag:s0] =	ssyncadd.s32 $0xFFFFFFB0  }
0x95: {  	[spmem:s1] =	stream.indirect.scatter.add.f32 [tilespmem:s28], [sflag:$0x7], $0x80, s22, s26, $0xb8;
	[tilespmem:$0x18A80] =	vst v63  }
0x96: {  	_ =	swait.ge [sflag:s21], $0x2800  }
0x97: {  	[sflag:s21] =	ssyncset.done $0x0  }
0x98: {  	[sflag:s21] =	ssyncadd.s32 $0xFFFFD800  }
0x99: {  	[bflag:$0x0] =	sbarrier.arrive $0xFFFF  }
0x9a: {  	s10 =	rddreg [dreg:$0x8]  }
0x9b: {  	[hbm:s10], [sflag:s8] =	dma.local [spmem:s20], $0x2710  }
0x9c: {  	_ =	swait.ge [sflag:s21], $0x2710  }
0x9d: {  	s9 =	sadd.s32 $0x1, s9;
	s14 =	rddreg [dreg:$0x9]  }
0x9e: {  	p0 =	sne.s32 s9, s14  }
.Ltmp1:
0x9f: {  	_ = 	snop;
	(pc) =	sbr.rel @p0 .LBB2_1-.Ltmp1, $3  }
0xa0: {  	_ =	sdelay $0x1  }
0xa1: {  	[sflag:s21] =	ssyncset.done $0x0  }
0xa2: {  	[sflag:s21] =	ssyncadd.s32 $0xFFFFD8F0  }
0xa3: {  	_ =	sfence.sel $0x180000  }
0xa4: {  	[bflag:$0x0] =	sbarrier.arrive $0xFFFF  }
0xa5: {  	_ =	strace $0x90000050  }
0xa6: {  	s0 =	stileid.u32;
	[bflag:$0x2] =	sbarrier.arrive $0xFFFF  }
0xa7: {  	p0 =	sne.s32 s0, $0x0;
	s0 =	rddreg [dreg:$0x2]  }
0xa8: {  	s0 =	sadd.s32 @!p0 $0x100000, s0  }
0xa9: {  	[sflag:s0] =	ssyncadd.tile.s32 @!p0 $0x1;
	_ =	shalt  }
.Lfunc_end2:
_tile_overlayer_lowered:
.L_overlay_start_2:
0xaa: {  	(tag) =	ssettag $0x2  }
0xab: {  	s0 =	rddreg [dreg:$0x0];
	s2 =	stileid.u32  }
0xac: {  	s1 =	rddreg [dreg:$0x1];
	p0 =	sne.s32 s2, $0x0  }
0xad: {  	s3 =	rddreg [dreg:$0x2];
	[bflag:$0x3] =	sbarrier.arrive $0xFFFF;
	s2 =	simm.s32 @!p0 $0x1C07  }
0xae: {  	[timem:s3], [sflag:s2] =	dma.local @!p0 [hbm:s0], s1  }
0xaf: {  	s0 =	simm.s32 @!p0 $0x7  }
0xb0: {  	_ =	swait.ge @!p0 [sflag:s0], s1  }
0xb1: {  	s1 =	ssub.s32 @!p0 $0x0, s1;
	[sflag:s0] =	ssyncset.done @!p0 $0x0  }
0xb2: {  	[sflag:s0] =	ssyncadd.s32 @!p0 s1  }
0xb3: {  	[bflag:$0x3] =	sbarrier.arrive $0xFFFF  }
0xb4: {  	_ =	shalt  }

</sc_bundles>
